<compile_context>
chip_gen: v7x
topology: tpu7x:2x2x1
jax: 0.10.2.dev20260603
libtpu: 0.0.44.dev20260713+nightly
codegen_flags: <defaults>
</compile_context>

<pallas_src>
import functools

import jax
import jax.numpy as jnp
from jax import lax
from jax.experimental import pallas as pl
from jax.experimental.pallas import tpu as pltpu
from jax.experimental.pallas import tpu_sc as plsc

N = 10000
E = 320000
D = 128
DC = 128
NC = 2
NS = 16
NW = NC * NS
EPT = E // NW
CH = 40
EPTP = 10000
NCHUNK = EPTP // CH
NP = 10240
PAD_DST = 10100
RPT = NP // NS

_mesh = plsc.VectorSubcoreMesh(core_axis_name="c", subcore_axis_name="s")



@functools.partial(
    pl.kernel,
    out_type=jax.ShapeDtypeStruct((NC, NP, D), jnp.float32),
    mesh=_mesh,
    scratch_types=[
        pltpu.VMEM_SHARED((NP, D), jnp.float32),
        pltpu.VMEM((CH,), jnp.int32),
        pltpu.VMEM((CH,), jnp.int32),
        pltpu.VMEM((CH,), jnp.int32),
        pltpu.VMEM((CH,), jnp.int32),
        pltpu.VMEM((CH, D), jnp.float32),
        pltpu.VMEM((CH, D), jnp.float32),
        pltpu.SemaphoreType.DMA,
        pltpu.SemaphoreType.DMA,
        pltpu.SemaphoreType.DMA,
        pltpu.SemaphoreType.DMA,
        pltpu.SemaphoreType.DMA,
        pltpu.SemaphoreType.DMA,
    ],
)
def _sc_agg(g_hbm, src_hbm, dst_hbm, zeros_hbm, out_hbm,
            acc, sidx0, sidx1, didx0, didx1, rows0, rows1,
            ssi0, ssi1, sdi0, sdi1, sg0, sg1):
    c = lax.axis_index("c")
    s = lax.axis_index("s")
    t = c * NS + s

    def load(hbm, k, ref, sem):
        pltpu.async_copy(hbm.at[t, k], ref, sem)

    def wait(hbm, k, ref, sem):
        pltpu.make_async_copy(hbm.at[t, k], ref, sem).wait()

    load(src_hbm, 0, sidx0, ssi0)
    load(dst_hbm, 0, didx0, sdi0)
    load(src_hbm, 1, sidx1, ssi1)
    load(dst_hbm, 1, didx1, sdi1)
    pltpu.sync_copy(zeros_hbm.at[pl.ds(s * RPT, RPT)],
                    acc.at[pl.ds(s * RPT, RPT)])
    plsc.subcore_barrier()
    wait(src_hbm, 0, sidx0, ssi0)
    pltpu.async_copy(g_hbm.at[sidx0], rows0, sg0)

    def body(j, carry):
        a = 2 * j
        wait(src_hbm, a + 1, sidx1, ssi1)
        pltpu.async_copy(g_hbm.at[sidx1], rows1, sg1)
        pltpu.make_async_copy(g_hbm.at[sidx0], rows0, sg0).wait()
        load(src_hbm, a + 2, sidx0, ssi0)
        wait(dst_hbm, a, didx0, sdi0)
        pltpu.sync_copy(rows0, acc.at[didx0], add=True)
        load(dst_hbm, a + 2, didx0, sdi0)
        wait(src_hbm, a + 2, sidx0, ssi0)
        pltpu.async_copy(g_hbm.at[sidx0], rows0, sg0)
        pltpu.make_async_copy(g_hbm.at[sidx1], rows1, sg1).wait()
        load(src_hbm, a + 3, sidx1, ssi1)
        wait(dst_hbm, a + 1, didx1, sdi1)
        pltpu.sync_copy(rows1, acc.at[didx1], add=True)
        load(dst_hbm, a + 3, didx1, sdi1)
        return carry

    lax.fori_loop(0, NCHUNK // 2 - 1, body, 0)
    a = NCHUNK - 2
    wait(src_hbm, a + 1, sidx1, ssi1)
    pltpu.async_copy(g_hbm.at[sidx1], rows1, sg1)
    pltpu.make_async_copy(g_hbm.at[sidx0], rows0, sg0).wait()
    wait(dst_hbm, a, didx0, sdi0)
    pltpu.sync_copy(rows0, acc.at[didx0], add=True)
    pltpu.make_async_copy(g_hbm.at[sidx1], rows1, sg1).wait()
    wait(dst_hbm, a + 1, didx1, sdi1)
    pltpu.sync_copy(rows1, acc.at[didx1], add=True)

    plsc.subcore_barrier()
    pltpu.sync_copy(acc.at[pl.ds(s * RPT, RPT)],
                    out_hbm.at[c].at[pl.ds(s * RPT, RPT)])


@functools.partial(
    pl.kernel,
    out_type=jax.ShapeDtypeStruct((NC, NP, DC), jnp.float32),
    mesh=_mesh,
    scratch_types=[
        pltpu.VMEM_SHARED((NP, DC), jnp.float32),
        pltpu.VMEM((NCHUNK, CH), jnp.int32),
        pltpu.VMEM((CH, DC), jnp.float32),
        pltpu.SemaphoreType.DMA,
        pltpu.SemaphoreType.DMA,
    ],
)
def _sc_deg(dst_hbm, zeros_hbm, ones_hbm, out_hbm, acc, didx, ones, s0, s1):
    c = lax.axis_index("c")
    s = lax.axis_index("s")
    t = c * NS + s
    pltpu.sync_copy(zeros_hbm.at[pl.ds(s * RPT, RPT)],
                    acc.at[pl.ds(s * RPT, RPT)])
    pltpu.sync_copy(dst_hbm.at[t], didx)
    pltpu.sync_copy(ones_hbm, ones)
    plsc.subcore_barrier()

    def body(j, carry):
        a = 2 * j
        pltpu.async_copy(ones, acc.at[didx.at[a]], s0, add=True)
        pltpu.async_copy(ones, acc.at[didx.at[a + 1]], s1, add=True)
        pltpu.make_async_copy(ones, acc.at[didx.at[a]], s0).wait()
        pltpu.make_async_copy(ones, acc.at[didx.at[a + 1]], s1).wait()
        return carry

    lax.fori_loop(0, NCHUNK // 2, body, 0)
    plsc.subcore_barrier()
    pltpu.sync_copy(acc.at[pl.ds(s * RPT, RPT)],
                    out_hbm.at[c].at[pl.ds(s * RPT, RPT)])



_RB = 1000


def _tc_mm_body(x_ref, w_ref, u_ref):
    u_ref[...] = jnp.dot(x_ref[...], w_ref[...],
                         preferred_element_type=jnp.float32)


def _tc_mm(x, w):
    return pl.pallas_call(
        _tc_mm_body,
        grid=(N // _RB,),
        in_specs=[
            pl.BlockSpec((_RB, D), lambda i: (i, 0)),
            pl.BlockSpec((D, D), lambda i: (0, 0)),
        ],
        out_specs=pl.BlockSpec((_RB, D), lambda i: (i, 0)),
        out_shape=jax.ShapeDtypeStruct((N, D), jnp.float32),
    )(x, w)


def _tc0_body(degp_ref, u_ref, dinv_ref, g_ref):
    deg = degp_ref[0, :, 0:1] + degp_ref[1, :, 0:1] + 1.0
    dinv = lax.rsqrt(deg)
    dinv_ref[...] = dinv
    g_ref[...] = dinv * u_ref[...]


def _tc_mid_body(aggp_ref, g_ref, dinv_ref, b_ref, w_ref, gout_ref):
    dinv = dinv_ref[...]
    h = dinv * (aggp_ref[0] + aggp_ref[1] + g_ref[...]) + b_ref[...]
    h = jnp.maximum(h, 0.0)
    gout_ref[...] = dinv * jnp.dot(h, w_ref[...],
                                   preferred_element_type=jnp.float32)


def _tc_fin_body(aggp_ref, g_ref, dinv_ref, b_ref, out_ref):
    out_ref[...] = (dinv_ref[...] * (aggp_ref[0] + aggp_ref[1] + g_ref[...])
                    + b_ref[...])


def _tc0(degp, u):
    return pl.pallas_call(
        _tc0_body,
        grid=(N // _RB,),
        in_specs=[
            pl.BlockSpec((NC, _RB, DC), lambda i: (0, i, 0)),
            pl.BlockSpec((_RB, D), lambda i: (i, 0)),
        ],
        out_specs=[
            pl.BlockSpec((_RB, 1), lambda i: (i, 0)),
            pl.BlockSpec((_RB, D), lambda i: (i, 0)),
        ],
        out_shape=[
            jax.ShapeDtypeStruct((N, 1), jnp.float32),
            jax.ShapeDtypeStruct((N, D), jnp.float32),
        ],
    )(degp, u)


def _tc_mid(aggp, g, dinv, b, w):
    return pl.pallas_call(
        _tc_mid_body,
        grid=(N // _RB,),
        in_specs=[
            pl.BlockSpec((NC, _RB, D), lambda i: (0, i, 0)),
            pl.BlockSpec((_RB, D), lambda i: (i, 0)),
            pl.BlockSpec((_RB, 1), lambda i: (i, 0)),
            pl.BlockSpec((1, D), lambda i: (0, 0)),
            pl.BlockSpec((D, D), lambda i: (0, 0)),
        ],
        out_specs=pl.BlockSpec((_RB, D), lambda i: (i, 0)),
        out_shape=jax.ShapeDtypeStruct((N, D), jnp.float32),
    )(aggp, g, dinv, b, w)


def _tc_fin(aggp, g, dinv, b):
    return pl.pallas_call(
        _tc_fin_body,
        grid=(N // _RB,),
        in_specs=[
            pl.BlockSpec((NC, _RB, D), lambda i: (0, i, 0)),
            pl.BlockSpec((_RB, D), lambda i: (i, 0)),
            pl.BlockSpec((_RB, 1), lambda i: (i, 0)),
            pl.BlockSpec((1, D), lambda i: (0, 0)),
        ],
        out_specs=pl.BlockSpec((_RB, D), lambda i: (i, 0)),
        out_shape=jax.ShapeDtypeStruct((N, D), jnp.float32),
    )(aggp, g, dinv, b)



def kernel(x, edge_index, edge_features, W1, b1, W2, b2, W3, b3):
    del edge_features
    src = jnp.pad(edge_index[0].reshape(NW, EPT), ((0, 0), (0, EPTP - EPT)),
                  constant_values=0).reshape(NW, NCHUNK, CH)
    pad_dst = jnp.broadcast_to(
        N + (jnp.arange(EPTP - EPT, dtype=jnp.int32) % (NP - N)),
        (NW, EPTP - EPT))
    dst = jnp.concatenate(
        [edge_index[1].reshape(NW, EPT), pad_dst], axis=1
    ).reshape(NW, NCHUNK, CH)
    zeros_d = jnp.zeros((NP, D), jnp.float32)
    zeros_dc = jnp.zeros((NP, DC), jnp.float32)
    ones_dc = jnp.ones((CH, DC), jnp.float32)

    u1 = _tc_mm(x, W1)
    degp = _sc_deg(dst, zeros_dc, ones_dc)
    dinv, g1 = _tc0(degp, u1)
    agg1 = _sc_agg(g1, src, dst, zeros_d)
    g2 = _tc_mid(agg1, g1, dinv, b1.reshape(1, D), W2)
    agg2 = _sc_agg(g2, src, dst, zeros_d)
    g3 = _tc_mid(agg2, g2, dinv, b2.reshape(1, D), W3)
    agg3 = _sc_agg(g3, src, dst, zeros_d)
    return _tc_fin(agg3, g3, dinv, b3.reshape(1, D))

# --- scband reference (transcript-rebuilt; emitter-appended) ---
"""Pipeline reference for scband-gnnencoder-13469017440574 (READ-ONLY COPY).

The authoritative reference and input builder live on the scoring server;
editing this copy changes nothing except your own understanding.
"""

import jax, jax.numpy as jnp
import numpy as np

N = 10000
E = 320000
D_IN = 128
D_H = 128
D_E = 16


def setup_inputs(seed: int = 0):
    key = jax.random.key(seed)
    ks = jax.random.split(key, 10)
    x = jax.random.normal(ks[0], (N, D_IN), dtype=jnp.float32)
    edge_index = jax.random.randint(ks[1], (2, E), 0, N, dtype=jnp.int32)
    edge_features = jax.random.normal(ks[2], (E, D_E), dtype=jnp.float32)

    def glorot(k, fi, fo):
        lim = (6.0 / (fi + fo)) ** 0.5
        return jax.random.uniform(k, (fi, fo), minval=-lim, maxval=lim, dtype=jnp.float32)

    W1 = glorot(ks[3], D_IN, D_H)
    b1 = jnp.zeros((D_H,), jnp.float32)
    W2 = glorot(ks[4], D_H, D_H)
    b2 = jnp.zeros((D_H,), jnp.float32)
    W3 = glorot(ks[5], D_H, D_H)
    b3 = jnp.zeros((D_H,), jnp.float32)
    return {"x": x, "edge_index": edge_index, "edge_features": edge_features,
            "W1": W1, "b1": b1, "W2": W2, "b2": b2, "W3": W3, "b3": b3}


def gcn_conv(x, W, b, src, dst, n):
    # PyG-style GCNConv: linear transform, add self-loops, symmetric normalization,
    # scatter-add aggregation, bias.
    loop = jnp.arange(n, dtype=src.dtype)
    src2 = jnp.concatenate([src, loop])
    dst2 = jnp.concatenate([dst, loop])
    h = x @ W
    deg = jnp.zeros((n,), jnp.float32).at[dst2].add(1.0)
    dinv = jnp.where(deg > 0, deg ** -0.5, 0.0)
    norm = dinv[src2] * dinv[dst2]
    msg = h[src2] * norm[:, None]
    out = jnp.zeros((n, h.shape[1]), jnp.float32).at[dst2].add(msg)
    return out + b


def reference(x, edge_index, edge_features, W1, b1, W2, b2, W3, b3):
    # edge_features is accepted by the original forward signature but unused
    # by the GCNConv layers, matching the torch module faithfully.
    src = edge_index[0]
    dst = edge_index[1]
    h = gcn_conv(x, W1, b1, src, dst, N)
    h = jax.nn.relu(h)
    h = gcn_conv(h, W2, b2, src, dst, N)
    h = jax.nn.relu(h)
    out = gcn_conv(h, W3, b3, src, dst, N)
    return out

if __name__ == "__main__":
    import jax
    _d = setup_inputs()
    print(jax.jit(kernel)(*tuple(_d.values())))

</pallas_src>

<mosaic_0001>
#map = affine_map<(d0, d1) -> (0, 0, 0)>
#map1 = affine_map<(d0, d1) -> (0, 0)>
module attributes {stable_mosaic.version = 14 : i64} {
  func.func @_sc_deg(%arg0: i32, %arg1: i32, %arg2: memref<32x250x40xi32, #tpu.memory_space<hbm>>, %arg3: memref<10240x128xf32, #tpu.memory_space<hbm>>, %arg4: memref<40x128xf32, #tpu.memory_space<hbm>>, %arg5: memref<2x10240x128xf32, #tpu.memory_space<hbm>>, %arg6: memref<10240x128xf32, #tpu.memory_space<vmem_shared>>, %arg7: memref<250x40xi32, #tpu.memory_space<vmem>>, %arg8: memref<40x128xf32, #tpu.memory_space<vmem>>, %arg9: memref<!tpu.dma_semaphore, #tpu.memory_space<semaphore_mem>>, %arg10: memref<!tpu.dma_semaphore, #tpu.memory_space<semaphore_mem>>) attributes {dimension_semantics = [#tpu.dimension_semantics<core_parallel>, #tpu.dimension_semantics<subcore_parallel>], iteration_bounds = array<i64: 2, 16>, scalar_prefetch = 0 : i64, scratch_operands = 5 : i64, tpu.core_type = #tpu.core_type<sc_vector_subcore>, window_params = [{transform_indices = #map}, {transform_indices = #map1}, {transform_indices = #map1}, {transform_indices = #map}]} {
    %mul3A = arith.constant 16 : i32
    %mul3A_0 = arith.muli %arg0, %mul3A : i32
    %add3A = arith.addi %mul3A_0, %arg1 : i32
    %mul3A_1 = arith.constant 640 : i32
    %mul3A_2 = arith.muli %arg1, %mul3A_1 : i32
    %mul3A_3 = arith.constant 640 : i32
    %mul3A_4 = arith.muli %arg1, %mul3A_3 : i32
    "tpu.region"() ({
      %run_scoped3A = tpu.sem_alloc : memref<!tpu.dma_semaphore, #tpu.memory_space<semaphore_mem>>
      %dma_start3A = arith.constant 0 : i32
      %dma_start3A_15 = tpu.memref_slice %arg6[%mul3A_4, %dma_start3A] : memref<10240x128xf32, #tpu.memory_space<vmem_shared>> -> memref<640x128xf32, #tpu.memory_space<vmem_shared>>
      %dma_start3A_16 = arith.constant 0 : i32
      %dma_start3A_17 = tpu.memref_slice %arg3[%mul3A_2, %dma_start3A_16] : memref<10240x128xf32, #tpu.memory_space<hbm>> -> memref<640x128xf32, #tpu.memory_space<hbm>>
      tpu.enqueue_dma source(%dma_start3A_17 : memref<640x128xf32, #tpu.memory_space<hbm>>) target(%dma_start3A_15 : memref<640x128xf32, #tpu.memory_space<vmem_shared>>) target_semaphore(%run_scoped3A : memref<!tpu.dma_semaphore, #tpu.memory_space<semaphore_mem>>)
      %dma_wait3A = arith.constant 0 : i32
      %dma_wait3A_18 = tpu.memref_slice %arg6[%mul3A_4, %dma_wait3A] : memref<10240x128xf32, #tpu.memory_space<vmem_shared>> -> memref<640x128xf32, #tpu.memory_space<vmem_shared>>
      %dma_wait3A_19 = arith.constant 0 : i32
      %dma_wait3A_20 = tpu.memref_slice %arg3[%mul3A_2, %dma_wait3A_19] : memref<10240x128xf32, #tpu.memory_space<hbm>> -> memref<640x128xf32, #tpu.memory_space<hbm>>
      tpu.wait_dma2 semaphore(%run_scoped3A : memref<!tpu.dma_semaphore, #tpu.memory_space<semaphore_mem>>) src(%dma_wait3A_20 : memref<640x128xf32, #tpu.memory_space<hbm>>) dst(%dma_wait3A_18 : memref<640x128xf32, #tpu.memory_space<vmem_shared>>)
      tpu.yield
    }) : () -> ()
    "tpu.region"() ({
      %run_scoped3A = tpu.sem_alloc : memref<!tpu.dma_semaphore, #tpu.memory_space<semaphore_mem>>
      %dma_start3A = arith.constant 0 : i32
      %dma_start3A_15 = arith.constant 0 : i32
      %dma_start3A_16 = tpu.memref_slice %arg2[%add3A, %dma_start3A, %dma_start3A_15] : memref<32x250x40xi32, #tpu.memory_space<hbm>> -> memref<1x250x40xi32, #tpu.memory_space<hbm>>
      %dma_start3A_17 = tpu.memref_squeeze %dma_start3A_16 : memref<1x250x40xi32, #tpu.memory_space<hbm>> -> memref<250x40xi32, #tpu.memory_space<hbm>>
      %dma_start3A_18 = arith.constant 0 : i32
      %dma_start3A_19 = arith.constant 0 : i32
      %dma_start3A_20 = tpu.memref_slice %arg2[%add3A, %dma_start3A_18, %dma_start3A_19] : memref<32x250x40xi32, #tpu.memory_space<hbm>> -> memref<1x250x40xi32, #tpu.memory_space<hbm>>
      %dma_start3A_21 = tpu.memref_squeeze %dma_start3A_20 : memref<1x250x40xi32, #tpu.memory_space<hbm>> -> memref<250x40xi32, #tpu.memory_space<hbm>>
      tpu.enqueue_dma source(%dma_start3A_21 : memref<250x40xi32, #tpu.memory_space<hbm>>) target(%arg7 : memref<250x40xi32, #tpu.memory_space<vmem>>) target_semaphore(%run_scoped3A : memref<!tpu.dma_semaphore, #tpu.memory_space<semaphore_mem>>)
      %dma_wait3A = arith.constant 0 : i32
      %dma_wait3A_22 = arith.constant 0 : i32
      %dma_wait3A_23 = tpu.memref_slice %arg2[%add3A, %dma_wait3A, %dma_wait3A_22] : memref<32x250x40xi32, #tpu.memory_space<hbm>> -> memref<1x250x40xi32, #tpu.memory_space<hbm>>
      %dma_wait3A_24 = tpu.memref_squeeze %dma_wait3A_23 : memref<1x250x40xi32, #tpu.memory_space<hbm>> -> memref<250x40xi32, #tpu.memory_space<hbm>>
      %dma_wait3A_25 = arith.constant 0 : i32
      %dma_wait3A_26 = arith.constant 0 : i32
      %dma_wait3A_27 = tpu.memref_slice %arg2[%add3A, %dma_wait3A_25, %dma_wait3A_26] : memref<32x250x40xi32, #tpu.memory_space<hbm>> -> memref<1x250x40xi32, #tpu.memory_space<hbm>>
      %dma_wait3A_28 = tpu.memref_squeeze %dma_wait3A_27 : memref<1x250x40xi32, #tpu.memory_space<hbm>> -> memref<250x40xi32, #tpu.memory_space<hbm>>
      tpu.wait_dma2 semaphore(%run_scoped3A : memref<!tpu.dma_semaphore, #tpu.memory_space<semaphore_mem>>) src(%dma_wait3A_28 : memref<250x40xi32, #tpu.memory_space<hbm>>) dst(%arg7 : memref<250x40xi32, #tpu.memory_space<vmem>>)
      tpu.yield
    }) : () -> ()
    "tpu.region"() ({
      %run_scoped3A = tpu.sem_alloc : memref<!tpu.dma_semaphore, #tpu.memory_space<semaphore_mem>>
      tpu.enqueue_dma source(%arg4 : memref<40x128xf32, #tpu.memory_space<hbm>>) target(%arg8 : memref<40x128xf32, #tpu.memory_space<vmem>>) target_semaphore(%run_scoped3A : memref<!tpu.dma_semaphore, #tpu.memory_space<semaphore_mem>>)
      tpu.wait_dma2 semaphore(%run_scoped3A : memref<!tpu.dma_semaphore, #tpu.memory_space<semaphore_mem>>) src(%arg4 : memref<40x128xf32, #tpu.memory_space<hbm>>) dst(%arg8 : memref<40x128xf32, #tpu.memory_space<vmem>>)
      tpu.yield
    }) : () -> ()
    %barrier3A = arith.constant 0 : index
    tpu.barrier barrier_id(%barrier3A)
    %scan3A = arith.constant 0 : i32
    %scan3A_5 = arith.constant 0 : i32
    %scan3A_6 = arith.constant 125 : i32
    %scan3A_7 = arith.addi %scan3A_5, %scan3A_6 : i32
    %scan3A_8 = arith.constant 1 : i32
    scf.for %scan3A_15 = %scan3A_5 to %scan3A_7 step %scan3A_8  : i32 {
      %mul3A_16 = arith.constant 2 : i32
      %mul3A_17 = arith.muli %mul3A_16, %scan3A_15 : i32
      %dma_start3A = arith.constant 0 : i32
      %dma_start3A_18 = tpu.memref_slice %arg7[%mul3A_17, %dma_start3A] : memref<250x40xi32, #tpu.memory_space<vmem>> -> memref<1x40xi32, #tpu.memory_space<vmem>>
      %dma_start3A_19 = tpu.memref_squeeze %dma_start3A_18 : memref<1x40xi32, #tpu.memory_space<vmem>> -> memref<40xi32, #tpu.memory_space<vmem>>
      %dma_start3A_20 = arith.constant 0 : i32
      %dma_start3A_21 = arith.constant 0 : i32
      %dma_start3A_22 = tpu.memref_slice %arg6[%dma_start3A_20, %dma_start3A_21] : memref<10240x128xf32, #tpu.memory_space<vmem_shared>> -> memref<10240x128xf32, #tpu.memory_space<vmem_shared>>
      tpu.enqueue_indirect_dma source(%arg8 : memref<40x128xf32, #tpu.memory_space<vmem>>) target(%dma_start3A_22 : memref<10240x128xf32, #tpu.memory_space<vmem_shared>>) offsets(%dma_start3A_19 : memref<40xi32, #tpu.memory_space<vmem>>) semaphore(%arg9 : memref<!tpu.dma_semaphore, #tpu.memory_space<semaphore_mem>>) {add = true}
      %add3A_23 = arith.constant 1 : i32
      %add3A_24 = arith.addi %mul3A_17, %add3A_23 : i32
      %dma_start3A_25 = arith.constant 0 : i32
      %dma_start3A_26 = tpu.memref_slice %arg7[%add3A_24, %dma_start3A_25] : memref<250x40xi32, #tpu.memory_space<vmem>> -> memref<1x40xi32, #tpu.memory_space<vmem>>
      %dma_start3A_27 = tpu.memref_squeeze %dma_start3A_26 : memref<1x40xi32, #tpu.memory_space<vmem>> -> memref<40xi32, #tpu.memory_space<vmem>>
      %dma_start3A_28 = arith.constant 0 : i32
      %dma_start3A_29 = arith.constant 0 : i32
      %dma_start3A_30 = tpu.memref_slice %arg6[%dma_start3A_28, %dma_start3A_29] : memref<10240x128xf32, #tpu.memory_space<vmem_shared>> -> memref<10240x128xf32, #tpu.memory_space<vmem_shared>>
      tpu.enqueue_indirect_dma source(%arg8 : memref<40x128xf32, #tpu.memory_space<vmem>>) target(%dma_start3A_30 : memref<10240x128xf32, #tpu.memory_space<vmem_shared>>) offsets(%dma_start3A_27 : memref<40xi32, #tpu.memory_space<vmem>>) semaphore(%arg10 : memref<!tpu.dma_semaphore, #tpu.memory_space<semaphore_mem>>) {add = true}
      %dma_wait3A = arith.constant 0 : i32
      %dma_wait3A_31 = tpu.memref_slice %arg7[%mul3A_17, %dma_wait3A] : memref<250x40xi32, #tpu.memory_space<vmem>> -> memref<1x40xi32, #tpu.memory_space<vmem>>
      %dma_wait3A_32 = tpu.memref_squeeze %dma_wait3A_31 : memref<1x40xi32, #tpu.memory_space<vmem>> -> memref<40xi32, #tpu.memory_space<vmem>>
      %dma_wait3A_33 = arith.constant 0 : i32
      %dma_wait3A_34 = arith.constant 0 : i32
      %dma_wait3A_35 = tpu.memref_slice %arg6[%dma_wait3A_33, %dma_wait3A_34] : memref<10240x128xf32, #tpu.memory_space<vmem_shared>> -> memref<10240x128xf32, #tpu.memory_space<vmem_shared>>
      tpu.wait_indirect_dma semaphore(%arg9 : memref<!tpu.dma_semaphore, #tpu.memory_space<semaphore_mem>>) src(%arg8 : memref<40x128xf32, #tpu.memory_space<vmem>>) dst(%dma_wait3A_35 : memref<10240x128xf32, #tpu.memory_space<vmem_shared>>)
      %add3A_36 = arith.constant 1 : i32
      %add3A_37 = arith.addi %mul3A_17, %add3A_36 : i32
      %dma_wait3A_38 = arith.constant 0 : i32
      %dma_wait3A_39 = tpu.memref_slice %arg7[%add3A_37, %dma_wait3A_38] : memref<250x40xi32, #tpu.memory_space<vmem>> -> memref<1x40xi32, #tpu.memory_space<vmem>>
      %dma_wait3A_40 = tpu.memref_squeeze %dma_wait3A_39 : memref<1x40xi32, #tpu.memory_space<vmem>> -> memref<40xi32, #tpu.memory_space<vmem>>
      %dma_wait3A_41 = arith.constant 0 : i32
      %dma_wait3A_42 = arith.constant 0 : i32
      %dma_wait3A_43 = tpu.memref_slice %arg6[%dma_wait3A_41, %dma_wait3A_42] : memref<10240x128xf32, #tpu.memory_space<vmem_shared>> -> memref<10240x128xf32, #tpu.memory_space<vmem_shared>>
      tpu.wait_indirect_dma semaphore(%arg10 : memref<!tpu.dma_semaphore, #tpu.memory_space<semaphore_mem>>) src(%arg8 : memref<40x128xf32, #tpu.memory_space<vmem>>) dst(%dma_wait3A_43 : memref<10240x128xf32, #tpu.memory_space<vmem_shared>>)
    }
    %scan3A_9 = arith.constant 125 : i32
    %barrier3A_10 = arith.constant 0 : index
    tpu.barrier barrier_id(%barrier3A_10)
    %mul3A_11 = arith.constant 640 : i32
    %mul3A_12 = arith.muli %arg1, %mul3A_11 : i32
    %mul3A_13 = arith.constant 640 : i32
    %mul3A_14 = arith.muli %arg1, %mul3A_13 : i32
    "tpu.region"() ({
      %run_scoped3A = tpu.sem_alloc : memref<!tpu.dma_semaphore, #tpu.memory_space<semaphore_mem>>
      %dma_start3A = arith.constant 0 : i32
      %dma_start3A_15 = arith.constant 0 : i32
      %dma_start3A_16 = tpu.memref_slice %arg5[%arg0, %dma_start3A, %dma_start3A_15] : memref<2x10240x128xf32, #tpu.memory_space<hbm>> -> memref<1x10240x128xf32, #tpu.memory_space<hbm>>
      %dma_start3A_17 = tpu.memref_squeeze %dma_start3A_16 : memref<1x10240x128xf32, #tpu.memory_space<hbm>> -> memref<10240x128xf32, #tpu.memory_space<hbm>>
      %dma_start3A_18 = arith.constant 0 : i32
      %dma_start3A_19 = tpu.memref_slice %dma_start3A_17[%mul3A_14, %dma_start3A_18] : memref<10240x128xf32, #tpu.memory_space<hbm>> -> memref<640x128xf32, #tpu.memory_space<hbm>>
      %dma_start3A_20 = arith.constant 0 : i32
      %dma_start3A_21 = tpu.memref_slice %arg6[%mul3A_12, %dma_start3A_20] : memref<10240x128xf32, #tpu.memory_space<vmem_shared>> -> memref<640x128xf32, #tpu.memory_space<vmem_shared>>
      tpu.enqueue_dma source(%dma_start3A_21 : memref<640x128xf32, #tpu.memory_space<vmem_shared>>) target(%dma_start3A_19 : memref<640x128xf32, #tpu.memory_space<hbm>>) target_semaphore(%run_scoped3A : memref<!tpu.dma_semaphore, #tpu.memory_space<semaphore_mem>>)
      %dma_wait3A = arith.constant 0 : i32
      %dma_wait3A_22 = arith.constant 0 : i32
      %dma_wait3A_23 = tpu.memref_slice %arg5[%arg0, %dma_wait3A, %dma_wait3A_22] : memref<2x10240x128xf32, #tpu.memory_space<hbm>> -> memref<1x10240x128xf32, #tpu.memory_space<hbm>>
      %dma_wait3A_24 = tpu.memref_squeeze %dma_wait3A_23 : memref<1x10240x128xf32, #tpu.memory_space<hbm>> -> memref<10240x128xf32, #tpu.memory_space<hbm>>
      %dma_wait3A_25 = arith.constant 0 : i32
      %dma_wait3A_26 = tpu.memref_slice %dma_wait3A_24[%mul3A_14, %dma_wait3A_25] : memref<10240x128xf32, #tpu.memory_space<hbm>> -> memref<640x128xf32, #tpu.memory_space<hbm>>
      %dma_wait3A_27 = arith.constant 0 : i32
      %dma_wait3A_28 = tpu.memref_slice %arg6[%mul3A_12, %dma_wait3A_27] : memref<10240x128xf32, #tpu.memory_space<vmem_shared>> -> memref<640x128xf32, #tpu.memory_space<vmem_shared>>
      tpu.wait_dma2 semaphore(%run_scoped3A : memref<!tpu.dma_semaphore, #tpu.memory_space<semaphore_mem>>) src(%dma_wait3A_28 : memref<640x128xf32, #tpu.memory_space<vmem_shared>>) dst(%dma_wait3A_26 : memref<640x128xf32, #tpu.memory_space<hbm>>)
      tpu.yield
    }) : () -> ()
    return
  }
}

#map = affine_map<(d0, d1) -> (0, 0)>
#map1 = affine_map<(d0, d1) -> (0, 0, 0)>
module attributes {stable_mosaic.version = 14 : i64} {
  func.func @_sc_agg(%arg0: i32, %arg1: i32, %arg2: memref<10000x128xf32, #tpu.memory_space<hbm>>, %arg3: memref<32x250x40xi32, #tpu.memory_space<hbm>>, %arg4: memref<32x250x40xi32, #tpu.memory_space<hbm>>, %arg5: memref<10240x128xf32, #tpu.memory_space<hbm>>, %arg6: memref<2x10240x128xf32, #tpu.memory_space<hbm>>, %arg7: memref<10240x128xf32, #tpu.memory_space<vmem_shared>>, %arg8: memref<40xi32, #tpu.memory_space<vmem>>, %arg9: memref<40xi32, #tpu.memory_space<vmem>>, %arg10: memref<40xi32, #tpu.memory_space<vmem>>, %arg11: memref<40xi32, #tpu.memory_space<vmem>>, %arg12: memref<40x128xf32, #tpu.memory_space<vmem>>, %arg13: memref<40x128xf32, #tpu.memory_space<vmem>>, %arg14: memref<!tpu.dma_semaphore, #tpu.memory_space<semaphore_mem>>, %arg15: memref<!tpu.dma_semaphore, #tpu.memory_space<semaphore_mem>>, %arg16: memref<!tpu.dma_semaphore, #tpu.memory_space<semaphore_mem>>, %arg17: memref<!tpu.dma_semaphore, #tpu.memory_space<semaphore_mem>>, %arg18: memref<!tpu.dma_semaphore, #tpu.memory_space<semaphore_mem>>, %arg19: memref<!tpu.dma_semaphore, #tpu.memory_space<semaphore_mem>>) attributes {dimension_semantics = [#tpu.dimension_semantics<core_parallel>, #tpu.dimension_semantics<subcore_parallel>], iteration_bounds = array<i64: 2, 16>, scalar_prefetch = 0 : i64, scratch_operands = 13 : i64, tpu.core_type = #tpu.core_type<sc_vector_subcore>, window_params = [{transform_indices = #map}, {transform_indices = #map1}, {transform_indices = #map1}, {transform_indices = #map}, {transform_indices = #map1}]} {
    %mul3A = arith.constant 16 : i32
    %mul3A_0 = arith.muli %arg0, %mul3A : i32
    %add3A = arith.addi %mul3A_0, %arg1 : i32
    %dma_start3A = arith.constant 0 : i32
    %dma_start3A_1 = arith.constant 0 : i32
    %dma_start3A_2 = tpu.memref_slice %arg3[%add3A, %dma_start3A, %dma_start3A_1] : memref<32x250x40xi32, #tpu.memory_space<hbm>> -> memref<1x1x40xi32, #tpu.memory_space<hbm>>
    %dma_start3A_3 = tpu.memref_squeeze %dma_start3A_2 : memref<1x1x40xi32, #tpu.memory_space<hbm>> -> memref<40xi32, #tpu.memory_space<hbm>>
    %dma_start3A_4 = arith.constant 0 : i32
    %dma_start3A_5 = tpu.memref_slice %arg3[%add3A, %dma_start3A, %dma_start3A_4] : memref<32x250x40xi32, #tpu.memory_space<hbm>> -> memref<1x1x40xi32, #tpu.memory_space<hbm>>
    %dma_start3A_6 = tpu.memref_squeeze %dma_start3A_5 : memref<1x1x40xi32, #tpu.memory_space<hbm>> -> memref<40xi32, #tpu.memory_space<hbm>>
    tpu.enqueue_dma source(%dma_start3A_6 : memref<40xi32, #tpu.memory_space<hbm>>) target(%arg8 : memref<40xi32, #tpu.memory_space<vmem>>) target_semaphore(%arg14 : memref<!tpu.dma_semaphore, #tpu.memory_space<semaphore_mem>>)
    %dma_start3A_7 = arith.constant 0 : i32
    %dma_start3A_8 = arith.constant 0 : i32
    %dma_start3A_9 = tpu.memref_slice %arg4[%add3A, %dma_start3A_7, %dma_start3A_8] : memref<32x250x40xi32, #tpu.memory_space<hbm>> -> memref<1x1x40xi32, #tpu.memory_space<hbm>>
    %dma_start3A_10 = tpu.memref_squeeze %dma_start3A_9 : memref<1x1x40xi32, #tpu.memory_space<hbm>> -> memref<40xi32, #tpu.memory_space<hbm>>
    %dma_start3A_11 = arith.constant 0 : i32
    %dma_start3A_12 = tpu.memref_slice %arg4[%add3A, %dma_start3A_7, %dma_start3A_11] : memref<32x250x40xi32, #tpu.memory_space<hbm>> -> memref<1x1x40xi32, #tpu.memory_space<hbm>>
    %dma_start3A_13 = tpu.memref_squeeze %dma_start3A_12 : memref<1x1x40xi32, #tpu.memory_space<hbm>> -> memref<40xi32, #tpu.memory_space<hbm>>
    tpu.enqueue_dma source(%dma_start3A_13 : memref<40xi32, #tpu.memory_space<hbm>>) target(%arg10 : memref<40xi32, #tpu.memory_space<vmem>>) target_semaphore(%arg16 : memref<!tpu.dma_semaphore, #tpu.memory_space<semaphore_mem>>)
    %dma_start3A_14 = arith.constant 1 : i32
    %dma_start3A_15 = arith.constant 0 : i32
    %dma_start3A_16 = tpu.memref_slice %arg3[%add3A, %dma_start3A_14, %dma_start3A_15] : memref<32x250x40xi32, #tpu.memory_space<hbm>> -> memref<1x1x40xi32, #tpu.memory_space<hbm>>
    %dma_start3A_17 = tpu.memref_squeeze %dma_start3A_16 : memref<1x1x40xi32, #tpu.memory_space<hbm>> -> memref<40xi32, #tpu.memory_space<hbm>>
    %dma_start3A_18 = arith.constant 0 : i32
    %dma_start3A_19 = tpu.memref_slice %arg3[%add3A, %dma_start3A_14, %dma_start3A_18] : memref<32x250x40xi32, #tpu.memory_space<hbm>> -> memref<1x1x40xi32, #tpu.memory_space<hbm>>
    %dma_start3A_20 = tpu.memref_squeeze %dma_start3A_19 : memref<1x1x40xi32, #tpu.memory_space<hbm>> -> memref<40xi32, #tpu.memory_space<hbm>>
    tpu.enqueue_dma source(%dma_start3A_20 : memref<40xi32, #tpu.memory_space<hbm>>) target(%arg9 : memref<40xi32, #tpu.memory_space<vmem>>) target_semaphore(%arg15 : memref<!tpu.dma_semaphore, #tpu.memory_space<semaphore_mem>>)
    %dma_start3A_21 = arith.constant 1 : i32
    %dma_start3A_22 = arith.constant 0 : i32
    %dma_start3A_23 = tpu.memref_slice %arg4[%add3A, %dma_start3A_21, %dma_start3A_22] : memref<32x250x40xi32, #tpu.memory_space<hbm>> -> memref<1x1x40xi32, #tpu.memory_space<hbm>>
    %dma_start3A_24 = tpu.memref_squeeze %dma_start3A_23 : memref<1x1x40xi32, #tpu.memory_space<hbm>> -> memref<40xi32, #tpu.memory_space<hbm>>
    %dma_start3A_25 = arith.constant 0 : i32
    %dma_start3A_26 = tpu.memref_slice %arg4[%add3A, %dma_start3A_21, %dma_start3A_25] : memref<32x250x40xi32, #tpu.memory_space<hbm>> -> memref<1x1x40xi32, #tpu.memory_space<hbm>>
    %dma_start3A_27 = tpu.memref_squeeze %dma_start3A_26 : memref<1x1x40xi32, #tpu.memory_space<hbm>> -> memref<40xi32, #tpu.memory_space<hbm>>
    tpu.enqueue_dma source(%dma_start3A_27 : memref<40xi32, #tpu.memory_space<hbm>>) target(%arg11 : memref<40xi32, #tpu.memory_space<vmem>>) target_semaphore(%arg17 : memref<!tpu.dma_semaphore, #tpu.memory_space<semaphore_mem>>)
    %mul3A_28 = arith.constant 640 : i32
    %mul3A_29 = arith.muli %arg1, %mul3A_28 : i32
    %mul3A_30 = arith.constant 640 : i32
    %mul3A_31 = arith.muli %arg1, %mul3A_30 : i32
    "tpu.region"() ({
      %run_scoped3A = tpu.sem_alloc : memref<!tpu.dma_semaphore, #tpu.memory_space<semaphore_mem>>
      %dma_start3A_81 = arith.constant 0 : i32
      %dma_start3A_82 = tpu.memref_slice %arg7[%mul3A_31, %dma_start3A_81] : memref<10240x128xf32, #tpu.memory_space<vmem_shared>> -> memref<640x128xf32, #tpu.memory_space<vmem_shared>>
      %dma_start3A_83 = arith.constant 0 : i32
      %dma_start3A_84 = tpu.memref_slice %arg5[%mul3A_29, %dma_start3A_83] : memref<10240x128xf32, #tpu.memory_space<hbm>> -> memref<640x128xf32, #tpu.memory_space<hbm>>
      tpu.enqueue_dma source(%dma_start3A_84 : memref<640x128xf32, #tpu.memory_space<hbm>>) target(%dma_start3A_82 : memref<640x128xf32, #tpu.memory_space<vmem_shared>>) target_semaphore(%run_scoped3A : memref<!tpu.dma_semaphore, #tpu.memory_space<semaphore_mem>>)
      %dma_wait3A_85 = arith.constant 0 : i32
      %dma_wait3A_86 = tpu.memref_slice %arg7[%mul3A_31, %dma_wait3A_85] : memref<10240x128xf32, #tpu.memory_space<vmem_shared>> -> memref<640x128xf32, #tpu.memory_space<vmem_shared>>
      %dma_wait3A_87 = arith.constant 0 : i32
      %dma_wait3A_88 = tpu.memref_slice %arg5[%mul3A_29, %dma_wait3A_87] : memref<10240x128xf32, #tpu.memory_space<hbm>> -> memref<640x128xf32, #tpu.memory_space<hbm>>
      tpu.wait_dma2 semaphore(%run_scoped3A : memref<!tpu.dma_semaphore, #tpu.memory_space<semaphore_mem>>) src(%dma_wait3A_88 : memref<640x128xf32, #tpu.memory_space<hbm>>) dst(%dma_wait3A_86 : memref<640x128xf32, #tpu.memory_space<vmem_shared>>)
      tpu.yield
    }) : () -> ()
    %barrier3A = arith.constant 0 : index
    tpu.barrier barrier_id(%barrier3A)
    %dma_wait3A = arith.constant 0 : i32
    %dma_wait3A_32 = arith.constant 0 : i32
    %dma_wait3A_33 = tpu.memref_slice %arg3[%add3A, %dma_wait3A, %dma_wait3A_32] : memref<32x250x40xi32, #tpu.memory_space<hbm>> -> memref<1x1x40xi32, #tpu.memory_space<hbm>>
    %dma_wait3A_34 = tpu.memref_squeeze %dma_wait3A_33 : memref<1x1x40xi32, #tpu.memory_space<hbm>> -> memref<40xi32, #tpu.memory_space<hbm>>
    %dma_wait3A_35 = arith.constant 0 : i32
    %dma_wait3A_36 = tpu.memref_slice %arg3[%add3A, %dma_wait3A, %dma_wait3A_35] : memref<32x250x40xi32, #tpu.memory_space<hbm>> -> memref<1x1x40xi32, #tpu.memory_space<hbm>>
    %dma_wait3A_37 = tpu.memref_squeeze %dma_wait3A_36 : memref<1x1x40xi32, #tpu.memory_space<hbm>> -> memref<40xi32, #tpu.memory_space<hbm>>
    tpu.wait_dma2 semaphore(%arg14 : memref<!tpu.dma_semaphore, #tpu.memory_space<semaphore_mem>>) src(%dma_wait3A_37 : memref<40xi32, #tpu.memory_space<hbm>>) dst(%arg8 : memref<40xi32, #tpu.memory_space<vmem>>)
    %dma_start3A_38 = arith.constant 0 : i32
    %dma_start3A_39 = arith.constant 0 : i32
    %dma_start3A_40 = tpu.memref_slice %arg2[%dma_start3A_38, %dma_start3A_39] : memref<10000x128xf32, #tpu.memory_space<hbm>> -> memref<10000x128xf32, #tpu.memory_space<hbm>>
    tpu.enqueue_indirect_dma source(%dma_start3A_40 : memref<10000x128xf32, #tpu.memory_space<hbm>>) target(%arg12 : memref<40x128xf32, #tpu.memory_space<vmem>>) offsets(%arg8 : memref<40xi32, #tpu.memory_space<vmem>>) semaphore(%arg18 : memref<!tpu.dma_semaphore, #tpu.memory_space<semaphore_mem>>)
    %scan3A = arith.constant 0 : i32
    %scan3A_41 = arith.constant 0 : i32
    %scan3A_42 = arith.constant 124 : i32
    %scan3A_43 = arith.addi %scan3A_41, %scan3A_42 : i32
    %scan3A_44 = arith.constant 1 : i32
    scf.for %scan3A_81 = %scan3A_41 to %scan3A_43 step %scan3A_44  : i32 {
      %mul3A_82 = arith.constant 2 : i32
      %mul3A_83 = arith.muli %mul3A_82, %scan3A_81 : i32
      %add3A_84 = arith.constant 1 : i32
      %add3A_85 = arith.addi %mul3A_83, %add3A_84 : i32
      %dma_wait3A_86 = arith.constant 0 : i32
      %dma_wait3A_87 = tpu.memref_slice %arg3[%add3A, %add3A_85, %dma_wait3A_86] : memref<32x250x40xi32, #tpu.memory_space<hbm>> -> memref<1x1x40xi32, #tpu.memory_space<hbm>>
      %dma_wait3A_88 = tpu.memref_squeeze %dma_wait3A_87 : memref<1x1x40xi32, #tpu.memory_space<hbm>> -> memref<40xi32, #tpu.memory_space<hbm>>
      %dma_wait3A_89 = arith.constant 0 : i32
      %dma_wait3A_90 = tpu.memref_slice %arg3[%add3A, %add3A_85, %dma_wait3A_89] : memref<32x250x40xi32, #tpu.memory_space<hbm>> -> memref<1x1x40xi32, #tpu.memory_space<hbm>>
      %dma_wait3A_91 = tpu.memref_squeeze %dma_wait3A_90 : memref<1x1x40xi32, #tpu.memory_space<hbm>> -> memref<40xi32, #tpu.memory_space<hbm>>
      tpu.wait_dma2 semaphore(%arg15 : memref<!tpu.dma_semaphore, #tpu.memory_space<semaphore_mem>>) src(%dma_wait3A_91 : memref<40xi32, #tpu.memory_space<hbm>>) dst(%arg9 : memref<40xi32, #tpu.memory_space<vmem>>)
      %dma_start3A_92 = arith.constant 0 : i32
      %dma_start3A_93 = arith.constant 0 : i32
      %dma_start3A_94 = tpu.memref_slice %arg2[%dma_start3A_92, %dma_start3A_93] : memref<10000x128xf32, #tpu.memory_space<hbm>> -> memref<10000x128xf32, #tpu.memory_space<hbm>>
      tpu.enqueue_indirect_dma source(%dma_start3A_94 : memref<10000x128xf32, #tpu.memory_space<hbm>>) target(%arg13 : memref<40x128xf32, #tpu.memory_space<vmem>>) offsets(%arg9 : memref<40xi32, #tpu.memory_space<vmem>>) semaphore(%arg19 : memref<!tpu.dma_semaphore, #tpu.memory_space<semaphore_mem>>)
      %dma_wait3A_95 = arith.constant 0 : i32
      %dma_wait3A_96 = arith.constant 0 : i32
      %dma_wait3A_97 = tpu.memref_slice %arg2[%dma_wait3A_95, %dma_wait3A_96] : memref<10000x128xf32, #tpu.memory_space<hbm>> -> memref<10000x128xf32, #tpu.memory_space<hbm>>
      tpu.wait_indirect_dma semaphore(%arg18 : memref<!tpu.dma_semaphore, #tpu.memory_space<semaphore_mem>>) src(%dma_wait3A_97 : memref<10000x128xf32, #tpu.memory_space<hbm>>) dst(%arg12 : memref<40x128xf32, #tpu.memory_space<vmem>>)
      %add3A_98 = arith.constant 2 : i32
      %add3A_99 = arith.addi %mul3A_83, %add3A_98 : i32
      %dma_start3A_100 = arith.constant 0 : i32
      %dma_start3A_101 = tpu.memref_slice %arg3[%add3A, %add3A_99, %dma_start3A_100] : memref<32x250x40xi32, #tpu.memory_space<hbm>> -> memref<1x1x40xi32, #tpu.memory_space<hbm>>
      %dma_start3A_102 = tpu.memref_squeeze %dma_start3A_101 : memref<1x1x40xi32, #tpu.memory_space<hbm>> -> memref<40xi32, #tpu.memory_space<hbm>>
      %dma_start3A_103 = arith.constant 0 : i32
      %dma_start3A_104 = tpu.memref_slice %arg3[%add3A, %add3A_99, %dma_start3A_103] : memref<32x250x40xi32, #tpu.memory_space<hbm>> -> memref<1x1x40xi32, #tpu.memory_space<hbm>>
      %dma_start3A_105 = tpu.memref_squeeze %dma_start3A_104 : memref<1x1x40xi32, #tpu.memory_space<hbm>> -> memref<40xi32, #tpu.memory_space<hbm>>
      tpu.enqueue_dma source(%dma_start3A_105 : memref<40xi32, #tpu.memory_space<hbm>>) target(%arg8 : memref<40xi32, #tpu.memory_space<vmem>>) target_semaphore(%arg14 : memref<!tpu.dma_semaphore, #tpu.memory_space<semaphore_mem>>)
      %dma_wait3A_106 = arith.constant 0 : i32
      %dma_wait3A_107 = tpu.memref_slice %arg4[%add3A, %mul3A_83, %dma_wait3A_106] : memref<32x250x40xi32, #tpu.memory_space<hbm>> -> memref<1x1x40xi32, #tpu.memory_space<hbm>>
      %dma_wait3A_108 = tpu.memref_squeeze %dma_wait3A_107 : memref<1x1x40xi32, #tpu.memory_space<hbm>> -> memref<40xi32, #tpu.memory_space<hbm>>
      %dma_wait3A_109 = arith.constant 0 : i32
      %dma_wait3A_110 = tpu.memref_slice %arg4[%add3A, %mul3A_83, %dma_wait3A_109] : memref<32x250x40xi32, #tpu.memory_space<hbm>> -> memref<1x1x40xi32, #tpu.memory_space<hbm>>
      %dma_wait3A_111 = tpu.memref_squeeze %dma_wait3A_110 : memref<1x1x40xi32, #tpu.memory_space<hbm>> -> memref<40xi32, #tpu.memory_space<hbm>>
      tpu.wait_dma2 semaphore(%arg16 : memref<!tpu.dma_semaphore, #tpu.memory_space<semaphore_mem>>) src(%dma_wait3A_111 : memref<40xi32, #tpu.memory_space<hbm>>) dst(%arg10 : memref<40xi32, #tpu.memory_space<vmem>>)
      "tpu.region"() ({
        %run_scoped3A = tpu.sem_alloc : memref<!tpu.dma_semaphore, #tpu.memory_space<semaphore_mem>>
        %dma_start3A_158 = arith.constant 0 : i32
        %dma_start3A_159 = arith.constant 0 : i32
        %dma_start3A_160 = tpu.memref_slice %arg7[%dma_start3A_158, %dma_start3A_159] : memref<10240x128xf32, #tpu.memory_space<vmem_shared>> -> memref<10240x128xf32, #tpu.memory_space<vmem_shared>>
        tpu.enqueue_indirect_dma source(%arg12 : memref<40x128xf32, #tpu.memory_space<vmem>>) target(%dma_start3A_160 : memref<10240x128xf32, #tpu.memory_space<vmem_shared>>) offsets(%arg10 : memref<40xi32, #tpu.memory_space<vmem>>) semaphore(%run_scoped3A : memref<!tpu.dma_semaphore, #tpu.memory_space<semaphore_mem>>) {add = true}
        %dma_wait3A_161 = arith.constant 0 : i32
        %dma_wait3A_162 = arith.constant 0 : i32
        %dma_wait3A_163 = tpu.memref_slice %arg7[%dma_wait3A_161, %dma_wait3A_162] : memref<10240x128xf32, #tpu.memory_space<vmem_shared>> -> memref<10240x128xf32, #tpu.memory_space<vmem_shared>>
        tpu.wait_indirect_dma semaphore(%run_scoped3A : memref<!tpu.dma_semaphore, #tpu.memory_space<semaphore_mem>>) src(%arg12 : memref<40x128xf32, #tpu.memory_space<vmem>>) dst(%dma_wait3A_163 : memref<10240x128xf32, #tpu.memory_space<vmem_shared>>)
        tpu.yield
      }) : () -> ()
      %add3A_112 = arith.constant 2 : i32
      %add3A_113 = arith.addi %mul3A_83, %add3A_112 : i32
      %dma_start3A_114 = arith.constant 0 : i32
      %dma_start3A_115 = tpu.memref_slice %arg4[%add3A, %add3A_113, %dma_start3A_114] : memref<32x250x40xi32, #tpu.memory_space<hbm>> -> memref<1x1x40xi32, #tpu.memory_space<hbm>>
      %dma_start3A_116 = tpu.memref_squeeze %dma_start3A_115 : memref<1x1x40xi32, #tpu.memory_space<hbm>> -> memref<40xi32, #tpu.memory_space<hbm>>
      %dma_start3A_117 = arith.constant 0 : i32
      %dma_start3A_118 = tpu.memref_slice %arg4[%add3A, %add3A_113, %dma_start3A_117] : memref<32x250x40xi32, #tpu.memory_space<hbm>> -> memref<1x1x40xi32, #tpu.memory_space<hbm>>
      %dma_start3A_119 = tpu.memref_squeeze %dma_start3A_118 : memref<1x1x40xi32, #tpu.memory_space<hbm>> -> memref<40xi32, #tpu.memory_space<hbm>>
      tpu.enqueue_dma source(%dma_start3A_119 : memref<40xi32, #tpu.memory_space<hbm>>) target(%arg10 : memref<40xi32, #tpu.memory_space<vmem>>) target_semaphore(%arg16 : memref<!tpu.dma_semaphore, #tpu.memory_space<semaphore_mem>>)
      %add3A_120 = arith.constant 2 : i32
      %add3A_121 = arith.addi %mul3A_83, %add3A_120 : i32
      %dma_wait3A_122 = arith.constant 0 : i32
      %dma_wait3A_123 = tpu.memref_slice %arg3[%add3A, %add3A_121, %dma_wait3A_122] : memref<32x250x40xi32, #tpu.memory_space<hbm>> -> memref<1x1x40xi32, #tpu.memory_space<hbm>>
      %dma_wait3A_124 = tpu.memref_squeeze %dma_wait3A_123 : memref<1x1x40xi32, #tpu.memory_space<hbm>> -> memref<40xi32, #tpu.memory_space<hbm>>
      %dma_wait3A_125 = arith.constant 0 : i32
      %dma_wait3A_126 = tpu.memref_slice %arg3[%add3A, %add3A_121, %dma_wait3A_125] : memref<32x250x40xi32, #tpu.memory_space<hbm>> -> memref<1x1x40xi32, #tpu.memory_space<hbm>>
      %dma_wait3A_127 = tpu.memref_squeeze %dma_wait3A_126 : memref<1x1x40xi32, #tpu.memory_space<hbm>> -> memref<40xi32, #tpu.memory_space<hbm>>
      tpu.wait_dma2 semaphore(%arg14 : memref<!tpu.dma_semaphore, #tpu.memory_space<semaphore_mem>>) src(%dma_wait3A_127 : memref<40xi32, #tpu.memory_space<hbm>>) dst(%arg8 : memref<40xi32, #tpu.memory_space<vmem>>)
      %dma_start3A_128 = arith.constant 0 : i32
      %dma_start3A_129 = arith.constant 0 : i32
      %dma_start3A_130 = tpu.memref_slice %arg2[%dma_start3A_128, %dma_start3A_129] : memref<10000x128xf32, #tpu.memory_space<hbm>> -> memref<10000x128xf32, #tpu.memory_space<hbm>>
      tpu.enqueue_indirect_dma source(%dma_start3A_130 : memref<10000x128xf32, #tpu.memory_space<hbm>>) target(%arg12 : memref<40x128xf32, #tpu.memory_space<vmem>>) offsets(%arg8 : memref<40xi32, #tpu.memory_space<vmem>>) semaphore(%arg18 : memref<!tpu.dma_semaphore, #tpu.memory_space<semaphore_mem>>)
      %dma_wait3A_131 = arith.constant 0 : i32
      %dma_wait3A_132 = arith.constant 0 : i32
      %dma_wait3A_133 = tpu.memref_slice %arg2[%dma_wait3A_131, %dma_wait3A_132] : memref<10000x128xf32, #tpu.memory_space<hbm>> -> memref<10000x128xf32, #tpu.memory_space<hbm>>
      tpu.wait_indirect_dma semaphore(%arg19 : memref<!tpu.dma_semaphore, #tpu.memory_space<semaphore_mem>>) src(%dma_wait3A_133 : memref<10000x128xf32, #tpu.memory_space<hbm>>) dst(%arg13 : memref<40x128xf32, #tpu.memory_space<vmem>>)
      %add3A_134 = arith.constant 3 : i32
      %add3A_135 = arith.addi %mul3A_83, %add3A_134 : i32
      %dma_start3A_136 = arith.constant 0 : i32
      %dma_start3A_137 = tpu.memref_slice %arg3[%add3A, %add3A_135, %dma_start3A_136] : memref<32x250x40xi32, #tpu.memory_space<hbm>> -> memref<1x1x40xi32, #tpu.memory_space<hbm>>
      %dma_start3A_138 = tpu.memref_squeeze %dma_start3A_137 : memref<1x1x40xi32, #tpu.memory_space<hbm>> -> memref<40xi32, #tpu.memory_space<hbm>>
      %dma_start3A_139 = arith.constant 0 : i32
      %dma_start3A_140 = tpu.memref_slice %arg3[%add3A, %add3A_135, %dma_start3A_139] : memref<32x250x40xi32, #tpu.memory_space<hbm>> -> memref<1x1x40xi32, #tpu.memory_space<hbm>>
      %dma_start3A_141 = tpu.memref_squeeze %dma_start3A_140 : memref<1x1x40xi32, #tpu.memory_space<hbm>> -> memref<40xi32, #tpu.memory_space<hbm>>
      tpu.enqueue_dma source(%dma_start3A_141 : memref<40xi32, #tpu.memory_space<hbm>>) target(%arg9 : memref<40xi32, #tpu.memory_space<vmem>>) target_semaphore(%arg15 : memref<!tpu.dma_semaphore, #tpu.memory_space<semaphore_mem>>)
      %add3A_142 = arith.constant 1 : i32
      %add3A_143 = arith.addi %mul3A_83, %add3A_142 : i32
      %dma_wait3A_144 = arith.constant 0 : i32
      %dma_wait3A_145 = tpu.memref_slice %arg4[%add3A, %add3A_143, %dma_wait3A_144] : memref<32x250x40xi32, #tpu.memory_space<hbm>> -> memref<1x1x40xi32, #tpu.memory_space<hbm>>
      %dma_wait3A_146 = tpu.memref_squeeze %dma_wait3A_145 : memref<1x1x40xi32, #tpu.memory_space<hbm>> -> memref<40xi32, #tpu.memory_space<hbm>>
      %dma_wait3A_147 = arith.constant 0 : i32
      %dma_wait3A_148 = tpu.memref_slice %arg4[%add3A, %add3A_143, %dma_wait3A_147] : memref<32x250x40xi32, #tpu.memory_space<hbm>> -> memref<1x1x40xi32, #tpu.memory_space<hbm>>
      %dma_wait3A_149 = tpu.memref_squeeze %dma_wait3A_148 : memref<1x1x40xi32, #tpu.memory_space<hbm>> -> memref<40xi32, #tpu.memory_space<hbm>>
      tpu.wait_dma2 semaphore(%arg17 : memref<!tpu.dma_semaphore, #tpu.memory_space<semaphore_mem>>) src(%dma_wait3A_149 : memref<40xi32, #tpu.memory_space<hbm>>) dst(%arg11 : memref<40xi32, #tpu.memory_space<vmem>>)
      "tpu.region"() ({
        %run_scoped3A = tpu.sem_alloc : memref<!tpu.dma_semaphore, #tpu.memory_space<semaphore_mem>>
        %dma_start3A_158 = arith.constant 0 : i32
        %dma_start3A_159 = arith.constant 0 : i32
        %dma_start3A_160 = tpu.memref_slice %arg7[%dma_start3A_158, %dma_start3A_159] : memref<10240x128xf32, #tpu.memory_space<vmem_shared>> -> memref<10240x128xf32, #tpu.memory_space<vmem_shared>>
        tpu.enqueue_indirect_dma source(%arg13 : memref<40x128xf32, #tpu.memory_space<vmem>>) target(%dma_start3A_160 : memref<10240x128xf32, #tpu.memory_space<vmem_shared>>) offsets(%arg11 : memref<40xi32, #tpu.memory_space<vmem>>) semaphore(%run_scoped3A : memref<!tpu.dma_semaphore, #tpu.memory_space<semaphore_mem>>) {add = true}
        %dma_wait3A_161 = arith.constant 0 : i32
        %dma_wait3A_162 = arith.constant 0 : i32
        %dma_wait3A_163 = tpu.memref_slice %arg7[%dma_wait3A_161, %dma_wait3A_162] : memref<10240x128xf32, #tpu.memory_space<vmem_shared>> -> memref<10240x128xf32, #tpu.memory_space<vmem_shared>>
        tpu.wait_indirect_dma semaphore(%run_scoped3A : memref<!tpu.dma_semaphore, #tpu.memory_space<semaphore_mem>>) src(%arg13 : memref<40x128xf32, #tpu.memory_space<vmem>>) dst(%dma_wait3A_163 : memref<10240x128xf32, #tpu.memory_space<vmem_shared>>)
        tpu.yield
      }) : () -> ()
      %add3A_150 = arith.constant 3 : i32
      %add3A_151 = arith.addi %mul3A_83, %add3A_150 : i32
      %dma_start3A_152 = arith.constant 0 : i32
      %dma_start3A_153 = tpu.memref_slice %arg4[%add3A, %add3A_151, %dma_start3A_152] : memref<32x250x40xi32, #tpu.memory_space<hbm>> -> memref<1x1x40xi32, #tpu.memory_space<hbm>>
      %dma_start3A_154 = tpu.memref_squeeze %dma_start3A_153 : memref<1x1x40xi32, #tpu.memory_space<hbm>> -> memref<40xi32, #tpu.memory_space<hbm>>
      %dma_start3A_155 = arith.constant 0 : i32
      %dma_start3A_156 = tpu.memref_slice %arg4[%add3A, %add3A_151, %dma_start3A_155] : memref<32x250x40xi32, #tpu.memory_space<hbm>> -> memref<1x1x40xi32, #tpu.memory_space<hbm>>
      %dma_start3A_157 = tpu.memref_squeeze %dma_start3A_156 : memref<1x1x40xi32, #tpu.memory_space<hbm>> -> memref<40xi32, #tpu.memory_space<hbm>>
      tpu.enqueue_dma source(%dma_start3A_157 : memref<40xi32, #tpu.memory_space<hbm>>) target(%arg11 : memref<40xi32, #tpu.memory_space<vmem>>) target_semaphore(%arg17 : memref<!tpu.dma_semaphore, #tpu.memory_space<semaphore_mem>>)
    }
    %scan3A_45 = arith.constant 124 : i32
    %dma_wait3A_46 = arith.constant 249 : i32
    %dma_wait3A_47 = arith.constant 0 : i32
    %dma_wait3A_48 = tpu.memref_slice %arg3[%add3A, %dma_wait3A_46, %dma_wait3A_47] : memref<32x250x40xi32, #tpu.memory_space<hbm>> -> memref<1x1x40xi32, #tpu.memory_space<hbm>>
    %dma_wait3A_49 = tpu.memref_squeeze %dma_wait3A_48 : memref<1x1x40xi32, #tpu.memory_space<hbm>> -> memref<40xi32, #tpu.memory_space<hbm>>
    %dma_wait3A_50 = arith.constant 0 : i32
    %dma_wait3A_51 = tpu.memref_slice %arg3[%add3A, %dma_wait3A_46, %dma_wait3A_50] : memref<32x250x40xi32, #tpu.memory_space<hbm>> -> memref<1x1x40xi32, #tpu.memory_space<hbm>>
    %dma_wait3A_52 = tpu.memref_squeeze %dma_wait3A_51 : memref<1x1x40xi32, #tpu.memory_space<hbm>> -> memref<40xi32, #tpu.memory_space<hbm>>
    tpu.wait_dma2 semaphore(%arg15 : memref<!tpu.dma_semaphore, #tpu.memory_space<semaphore_mem>>) src(%dma_wait3A_52 : memref<40xi32, #tpu.memory_space<hbm>>) dst(%arg9 : memref<40xi32, #tpu.memory_space<vmem>>)
    %dma_start3A_53 = arith.constant 0 : i32
    %dma_start3A_54 = arith.constant 0 : i32
    %dma_start3A_55 = tpu.memref_slice %arg2[%dma_start3A_53, %dma_start3A_54] : memref<10000x128xf32, #tpu.memory_space<hbm>> -> memref<10000x128xf32, #tpu.memory_space<hbm>>
    tpu.enqueue_indirect_dma source(%dma_start3A_55 : memref<10000x128xf32, #tpu.memory_space<hbm>>) target(%arg13 : memref<40x128xf32, #tpu.memory_space<vmem>>) offsets(%arg9 : memref<40xi32, #tpu.memory_space<vmem>>) semaphore(%arg19 : memref<!tpu.dma_semaphore, #tpu.memory_space<semaphore_mem>>)
    %dma_wait3A_56 = arith.constant 0 : i32
    %dma_wait3A_57 = arith.constant 0 : i32
    %dma_wait3A_58 = tpu.memref_slice %arg2[%dma_wait3A_56, %dma_wait3A_57] : memref<10000x128xf32, #tpu.memory_space<hbm>> -> memref<10000x128xf32, #tpu.memory_space<hbm>>
    tpu.wait_indirect_dma semaphore(%arg18 : memref<!tpu.dma_semaphore, #tpu.memory_space<semaphore_mem>>) src(%dma_wait3A_58 : memref<10000x128xf32, #tpu.memory_space<hbm>>) dst(%arg12 : memref<40x128xf32, #tpu.memory_space<vmem>>)
    %dma_wait3A_59 = arith.constant 248 : i32
    %dma_wait3A_60 = arith.constant 0 : i32
    %dma_wait3A_61 = tpu.memref_slice %arg4[%add3A, %dma_wait3A_59, %dma_wait3A_60] : memref<32x250x40xi32, #tpu.memory_space<hbm>> -> memref<1x1x40xi32, #tpu.memory_space<hbm>>
    %dma_wait3A_62 = tpu.memref_squeeze %dma_wait3A_61 : memref<1x1x40xi32, #tpu.memory_space<hbm>> -> memref<40xi32, #tpu.memory_space<hbm>>
    %dma_wait3A_63 = arith.constant 0 : i32
    %dma_wait3A_64 = tpu.memref_slice %arg4[%add3A, %dma_wait3A_59, %dma_wait3A_63] : memref<32x250x40xi32, #tpu.memory_space<hbm>> -> memref<1x1x40xi32, #tpu.memory_space<hbm>>
    %dma_wait3A_65 = tpu.memref_squeeze %dma_wait3A_64 : memref<1x1x40xi32, #tpu.memory_space<hbm>> -> memref<40xi32, #tpu.memory_space<hbm>>
    tpu.wait_dma2 semaphore(%arg16 : memref<!tpu.dma_semaphore, #tpu.memory_space<semaphore_mem>>) src(%dma_wait3A_65 : memref<40xi32, #tpu.memory_space<hbm>>) dst(%arg10 : memref<40xi32, #tpu.memory_space<vmem>>)
    "tpu.region"() ({
      %run_scoped3A = tpu.sem_alloc : memref<!tpu.dma_semaphore, #tpu.memory_space<semaphore_mem>>
      %dma_start3A_81 = arith.constant 0 : i32
      %dma_start3A_82 = arith.constant 0 : i32
      %dma_start3A_83 = tpu.memref_slice %arg7[%dma_start3A_81, %dma_start3A_82] : memref<10240x128xf32, #tpu.memory_space<vmem_shared>> -> memref<10240x128xf32, #tpu.memory_space<vmem_shared>>
      tpu.enqueue_indirect_dma source(%arg12 : memref<40x128xf32, #tpu.memory_space<vmem>>) target(%dma_start3A_83 : memref<10240x128xf32, #tpu.memory_space<vmem_shared>>) offsets(%arg10 : memref<40xi32, #tpu.memory_space<vmem>>) semaphore(%run_scoped3A : memref<!tpu.dma_semaphore, #tpu.memory_space<semaphore_mem>>) {add = true}
      %dma_wait3A_84 = arith.constant 0 : i32
      %dma_wait3A_85 = arith.constant 0 : i32
      %dma_wait3A_86 = tpu.memref_slice %arg7[%dma_wait3A_84, %dma_wait3A_85] : memref<10240x128xf32, #tpu.memory_space<vmem_shared>> -> memref<10240x128xf32, #tpu.memory_space<vmem_shared>>
      tpu.wait_indirect_dma semaphore(%run_scoped3A : memref<!tpu.dma_semaphore, #tpu.memory_space<semaphore_mem>>) src(%arg12 : memref<40x128xf32, #tpu.memory_space<vmem>>) dst(%dma_wait3A_86 : memref<10240x128xf32, #tpu.memory_space<vmem_shared>>)
      tpu.yield
    }) : () -> ()
    %dma_wait3A_66 = arith.constant 0 : i32
    %dma_wait3A_67 = arith.constant 0 : i32
    %dma_wait3A_68 = tpu.memref_slice %arg2[%dma_wait3A_66, %dma_wait3A_67] : memref<10000x128xf32, #tpu.memory_space<hbm>> -> memref<10000x128xf32, #tpu.memory_space<hbm>>
    tpu.wait_indirect_dma semaphore(%arg19 : memref<!tpu.dma_semaphore, #tpu.memory_space<semaphore_mem>>) src(%dma_wait3A_68 : memref<10000x128xf32, #tpu.memory_space<hbm>>) dst(%arg13 : memref<40x128xf32, #tpu.memory_space<vmem>>)
    %dma_wait3A_69 = arith.constant 249 : i32
    %dma_wait3A_70 = arith.constant 0 : i32
    %dma_wait3A_71 = tpu.memref_slice %arg4[%add3A, %dma_wait3A_69, %dma_wait3A_70] : memref<32x250x40xi32, #tpu.memory_space<hbm>> -> memref<1x1x40xi32, #tpu.memory_space<hbm>>
    %dma_wait3A_72 = tpu.memref_squeeze %dma_wait3A_71 : memref<1x1x40xi32, #tpu.memory_space<hbm>> -> memref<40xi32, #tpu.memory_space<hbm>>
    %dma_wait3A_73 = arith.constant 0 : i32
    %dma_wait3A_74 = tpu.memref_slice %arg4[%add3A, %dma_wait3A_69, %dma_wait3A_73] : memref<32x250x40xi32, #tpu.memory_space<hbm>> -> memref<1x1x40xi32, #tpu.memory_space<hbm>>
    %dma_wait3A_75 = tpu.memref_squeeze %dma_wait3A_74 : memref<1x1x40xi32, #tpu.memory_space<hbm>> -> memref<40xi32, #tpu.memory_space<hbm>>
    tpu.wait_dma2 semaphore(%arg17 : memref<!tpu.dma_semaphore, #tpu.memory_space<semaphore_mem>>) src(%dma_wait3A_75 : memref<40xi32, #tpu.memory_space<hbm>>) dst(%arg11 : memref<40xi32, #tpu.memory_space<vmem>>)
    "tpu.region"() ({
      %run_scoped3A = tpu.sem_alloc : memref<!tpu.dma_semaphore, #tpu.memory_space<semaphore_mem>>
      %dma_start3A_81 = arith.constant 0 : i32
      %dma_start3A_82 = arith.constant 0 : i32
      %dma_start3A_83 = tpu.memref_slice %arg7[%dma_start3A_81, %dma_start3A_82] : memref<10240x128xf32, #tpu.memory_space<vmem_shared>> -> memref<10240x128xf32, #tpu.memory_space<vmem_shared>>
      tpu.enqueue_indirect_dma source(%arg13 : memref<40x128xf32, #tpu.memory_space<vmem>>) target(%dma_start3A_83 : memref<10240x128xf32, #tpu.memory_space<vmem_shared>>) offsets(%arg11 : memref<40xi32, #tpu.memory_space<vmem>>) semaphore(%run_scoped3A : memref<!tpu.dma_semaphore, #tpu.memory_space<semaphore_mem>>) {add = true}
      %dma_wait3A_84 = arith.constant 0 : i32
      %dma_wait3A_85 = arith.constant 0 : i32
      %dma_wait3A_86 = tpu.memref_slice %arg7[%dma_wait3A_84, %dma_wait3A_85] : memref<10240x128xf32, #tpu.memory_space<vmem_shared>> -> memref<10240x128xf32, #tpu.memory_space<vmem_shared>>
      tpu.wait_indirect_dma semaphore(%run_scoped3A : memref<!tpu.dma_semaphore, #tpu.memory_space<semaphore_mem>>) src(%arg13 : memref<40x128xf32, #tpu.memory_space<vmem>>) dst(%dma_wait3A_86 : memref<10240x128xf32, #tpu.memory_space<vmem_shared>>)
      tpu.yield
    }) : () -> ()
    %barrier3A_76 = arith.constant 0 : index
    tpu.barrier barrier_id(%barrier3A_76)
    %mul3A_77 = arith.constant 640 : i32
    %mul3A_78 = arith.muli %arg1, %mul3A_77 : i32
    %mul3A_79 = arith.constant 640 : i32
    %mul3A_80 = arith.muli %arg1, %mul3A_79 : i32
    "tpu.region"() ({
      %run_scoped3A = tpu.sem_alloc : memref<!tpu.dma_semaphore, #tpu.memory_space<semaphore_mem>>
      %dma_start3A_81 = arith.constant 0 : i32
      %dma_start3A_82 = arith.constant 0 : i32
      %dma_start3A_83 = tpu.memref_slice %arg6[%arg0, %dma_start3A_81, %dma_start3A_82] : memref<2x10240x128xf32, #tpu.memory_space<hbm>> -> memref<1x10240x128xf32, #tpu.memory_space<hbm>>
      %dma_start3A_84 = tpu.memref_squeeze %dma_start3A_83 : memref<1x10240x128xf32, #tpu.memory_space<hbm>> -> memref<10240x128xf32, #tpu.memory_space<hbm>>
      %dma_start3A_85 = arith.constant 0 : i32
      %dma_start3A_86 = tpu.memref_slice %dma_start3A_84[%mul3A_80, %dma_start3A_85] : memref<10240x128xf32, #tpu.memory_space<hbm>> -> memref<640x128xf32, #tpu.memory_space<hbm>>
      %dma_start3A_87 = arith.constant 0 : i32
      %dma_start3A_88 = tpu.memref_slice %arg7[%mul3A_78, %dma_start3A_87] : memref<10240x128xf32, #tpu.memory_space<vmem_shared>> -> memref<640x128xf32, #tpu.memory_space<vmem_shared>>
      tpu.enqueue_dma source(%dma_start3A_88 : memref<640x128xf32, #tpu.memory_space<vmem_shared>>) target(%dma_start3A_86 : memref<640x128xf32, #tpu.memory_space<hbm>>) target_semaphore(%run_scoped3A : memref<!tpu.dma_semaphore, #tpu.memory_space<semaphore_mem>>)
      %dma_wait3A_89 = arith.constant 0 : i32
      %dma_wait3A_90 = arith.constant 0 : i32
      %dma_wait3A_91 = tpu.memref_slice %arg6[%arg0, %dma_wait3A_89, %dma_wait3A_90] : memref<2x10240x128xf32, #tpu.memory_space<hbm>> -> memref<1x10240x128xf32, #tpu.memory_space<hbm>>
      %dma_wait3A_92 = tpu.memref_squeeze %dma_wait3A_91 : memref<1x10240x128xf32, #tpu.memory_space<hbm>> -> memref<10240x128xf32, #tpu.memory_space<hbm>>
      %dma_wait3A_93 = arith.constant 0 : i32
      %dma_wait3A_94 = tpu.memref_slice %dma_wait3A_92[%mul3A_80, %dma_wait3A_93] : memref<10240x128xf32, #tpu.memory_space<hbm>> -> memref<640x128xf32, #tpu.memory_space<hbm>>
      %dma_wait3A_95 = arith.constant 0 : i32
      %dma_wait3A_96 = tpu.memref_slice %arg7[%mul3A_78, %dma_wait3A_95] : memref<10240x128xf32, #tpu.memory_space<vmem_shared>> -> memref<640x128xf32, #tpu.memory_space<vmem_shared>>
      tpu.wait_dma2 semaphore(%run_scoped3A : memref<!tpu.dma_semaphore, #tpu.memory_space<semaphore_mem>>) src(%dma_wait3A_96 : memref<640x128xf32, #tpu.memory_space<vmem_shared>>) dst(%dma_wait3A_94 : memref<640x128xf32, #tpu.memory_space<hbm>>)
      tpu.yield
    }) : () -> ()
    return
  }
}

#map = affine_map<(d0, d1) -> (0, 0)>
#map1 = affine_map<(d0, d1) -> (0, 0, 0)>
module attributes {stable_mosaic.version = 14 : i64} {
  func.func @_sc_agg(%arg0: i32, %arg1: i32, %arg2: memref<10000x128xf32, #tpu.memory_space<hbm>>, %arg3: memref<32x250x40xi32, #tpu.memory_space<hbm>>, %arg4: memref<32x250x40xi32, #tpu.memory_space<hbm>>, %arg5: memref<10240x128xf32, #tpu.memory_space<hbm>>, %arg6: memref<2x10240x128xf32, #tpu.memory_space<hbm>>, %arg7: memref<10240x128xf32, #tpu.memory_space<vmem_shared>>, %arg8: memref<40xi32, #tpu.memory_space<vmem>>, %arg9: memref<40xi32, #tpu.memory_space<vmem>>, %arg10: memref<40xi32, #tpu.memory_space<vmem>>, %arg11: memref<40xi32, #tpu.memory_space<vmem>>, %arg12: memref<40x128xf32, #tpu.memory_space<vmem>>, %arg13: memref<40x128xf32, #tpu.memory_space<vmem>>, %arg14: memref<!tpu.dma_semaphore, #tpu.memory_space<semaphore_mem>>, %arg15: memref<!tpu.dma_semaphore, #tpu.memory_space<semaphore_mem>>, %arg16: memref<!tpu.dma_semaphore, #tpu.memory_space<semaphore_mem>>, %arg17: memref<!tpu.dma_semaphore, #tpu.memory_space<semaphore_mem>>, %arg18: memref<!tpu.dma_semaphore, #tpu.memory_space<semaphore_mem>>, %arg19: memref<!tpu.dma_semaphore, #tpu.memory_space<semaphore_mem>>) attributes {dimension_semantics = [#tpu.dimension_semantics<core_parallel>, #tpu.dimension_semantics<subcore_parallel>], iteration_bounds = array<i64: 2, 16>, scalar_prefetch = 0 : i64, scratch_operands = 13 : i64, tpu.core_type = #tpu.core_type<sc_vector_subcore>, window_params = [{transform_indices = #map}, {transform_indices = #map1}, {transform_indices = #map1}, {transform_indices = #map}, {transform_indices = #map1}]} {
    %mul3A = arith.constant 16 : i32
    %mul3A_0 = arith.muli %arg0, %mul3A : i32
    %add3A = arith.addi %mul3A_0, %arg1 : i32
    %dma_start3A = arith.constant 0 : i32
    %dma_start3A_1 = arith.constant 0 : i32
    %dma_start3A_2 = tpu.memref_slice %arg3[%add3A, %dma_start3A, %dma_start3A_1] : memref<32x250x40xi32, #tpu.memory_space<hbm>> -> memref<1x1x40xi32, #tpu.memory_space<hbm>>
    %dma_start3A_3 = tpu.memref_squeeze %dma_start3A_2 : memref<1x1x40xi32, #tpu.memory_space<hbm>> -> memref<40xi32, #tpu.memory_space<hbm>>
    %dma_start3A_4 = arith.constant 0 : i32
    %dma_start3A_5 = tpu.memref_slice %arg3[%add3A, %dma_start3A, %dma_start3A_4] : memref<32x250x40xi32, #tpu.memory_space<hbm>> -> memref<1x1x40xi32, #tpu.memory_space<hbm>>
    %dma_start3A_6 = tpu.memref_squeeze %dma_start3A_5 : memref<1x1x40xi32, #tpu.memory_space<hbm>> -> memref<40xi32, #tpu.memory_space<hbm>>
    tpu.enqueue_dma source(%dma_start3A_6 : memref<40xi32, #tpu.memory_space<hbm>>) target(%arg8 : memref<40xi32, #tpu.memory_space<vmem>>) target_semaphore(%arg14 : memref<!tpu.dma_semaphore, #tpu.memory_space<semaphore_mem>>)
    %dma_start3A_7 = arith.constant 0 : i32
    %dma_start3A_8 = arith.constant 0 : i32
    %dma_start3A_9 = tpu.memref_slice %arg4[%add3A, %dma_start3A_7, %dma_start3A_8] : memref<32x250x40xi32, #tpu.memory_space<hbm>> -> memref<1x1x40xi32, #tpu.memory_space<hbm>>
    %dma_start3A_10 = tpu.memref_squeeze %dma_start3A_9 : memref<1x1x40xi32, #tpu.memory_space<hbm>> -> memref<40xi32, #tpu.memory_space<hbm>>
    %dma_start3A_11 = arith.constant 0 : i32
    %dma_start3A_12 = tpu.memref_slice %arg4[%add3A, %dma_start3A_7, %dma_start3A_11] : memref<32x250x40xi32, #tpu.memory_space<hbm>> -> memref<1x1x40xi32, #tpu.memory_space<hbm>>
    %dma_start3A_13 = tpu.memref_squeeze %dma_start3A_12 : memref<1x1x40xi32, #tpu.memory_space<hbm>> -> memref<40xi32, #tpu.memory_space<hbm>>
    tpu.enqueue_dma source(%dma_start3A_13 : memref<40xi32, #tpu.memory_space<hbm>>) target(%arg10 : memref<40xi32, #tpu.memory_space<vmem>>) target_semaphore(%arg16 : memref<!tpu.dma_semaphore, #tpu.memory_space<semaphore_mem>>)
    %dma_start3A_14 = arith.constant 1 : i32
    %dma_start3A_15 = arith.constant 0 : i32
    %dma_start3A_16 = tpu.memref_slice %arg3[%add3A, %dma_start3A_14, %dma_start3A_15] : memref<32x250x40xi32, #tpu.memory_space<hbm>> -> memref<1x1x40xi32, #tpu.memory_space<hbm>>
    %dma_start3A_17 = tpu.memref_squeeze %dma_start3A_16 : memref<1x1x40xi32, #tpu.memory_space<hbm>> -> memref<40xi32, #tpu.memory_space<hbm>>
    %dma_start3A_18 = arith.constant 0 : i32
    %dma_start3A_19 = tpu.memref_slice %arg3[%add3A, %dma_start3A_14, %dma_start3A_18] : memref<32x250x40xi32, #tpu.memory_space<hbm>> -> memref<1x1x40xi32, #tpu.memory_space<hbm>>
    %dma_start3A_20 = tpu.memref_squeeze %dma_start3A_19 : memref<1x1x40xi32, #tpu.memory_space<hbm>> -> memref<40xi32, #tpu.memory_space<hbm>>
    tpu.enqueue_dma source(%dma_start3A_20 : memref<40xi32, #tpu.memory_space<hbm>>) target(%arg9 : memref<40xi32, #tpu.memory_space<vmem>>) target_semaphore(%arg15 : memref<!tpu.dma_semaphore, #tpu.memory_space<semaphore_mem>>)
    %dma_start3A_21 = arith.constant 1 : i32
    %dma_start3A_22 = arith.constant 0 : i32
    %dma_start3A_23 = tpu.memref_slice %arg4[%add3A, %dma_start3A_21, %dma_start3A_22] : memref<32x250x40xi32, #tpu.memory_space<hbm>> -> memref<1x1x40xi32, #tpu.memory_space<hbm>>
    %dma_start3A_24 = tpu.memref_squeeze %dma_start3A_23 : memref<1x1x40xi32, #tpu.memory_space<hbm>> -> memref<40xi32, #tpu.memory_space<hbm>>
    %dma_start3A_25 = arith.constant 0 : i32
    %dma_start3A_26 = tpu.memref_slice %arg4[%add3A, %dma_start3A_21, %dma_start3A_25] : memref<32x250x40xi32, #tpu.memory_space<hbm>> -> memref<1x1x40xi32, #tpu.memory_space<hbm>>
    %dma_start3A_27 = tpu.memref_squeeze %dma_start3A_26 : memref<1x1x40xi32, #tpu.memory_space<hbm>> -> memref<40xi32, #tpu.memory_space<hbm>>
    tpu.enqueue_dma source(%dma_start3A_27 : memref<40xi32, #tpu.memory_space<hbm>>) target(%arg11 : memref<40xi32, #tpu.memory_space<vmem>>) target_semaphore(%arg17 : memref<!tpu.dma_semaphore, #tpu.memory_space<semaphore_mem>>)
    %mul3A_28 = arith.constant 640 : i32
    %mul3A_29 = arith.muli %arg1, %mul3A_28 : i32
    %mul3A_30 = arith.constant 640 : i32
    %mul3A_31 = arith.muli %arg1, %mul3A_30 : i32
    "tpu.region"() ({
      %run_scoped3A = tpu.sem_alloc : memref<!tpu.dma_semaphore, #tpu.memory_space<semaphore_mem>>
      %dma_start3A_81 = arith.constant 0 : i32
      %dma_start3A_82 = tpu.memref_slice %arg7[%mul3A_31, %dma_start3A_81] : memref<10240x128xf32, #tpu.memory_space<vmem_shared>> -> memref<640x128xf32, #tpu.memory_space<vmem_shared>>
      %dma_start3A_83 = arith.constant 0 : i32
      %dma_start3A_84 = tpu.memref_slice %arg5[%mul3A_29, %dma_start3A_83] : memref<10240x128xf32, #tpu.memory_space<hbm>> -> memref<640x128xf32, #tpu.memory_space<hbm>>
      tpu.enqueue_dma source(%dma_start3A_84 : memref<640x128xf32, #tpu.memory_space<hbm>>) target(%dma_start3A_82 : memref<640x128xf32, #tpu.memory_space<vmem_shared>>) target_semaphore(%run_scoped3A : memref<!tpu.dma_semaphore, #tpu.memory_space<semaphore_mem>>)
      %dma_wait3A_85 = arith.constant 0 : i32
      %dma_wait3A_86 = tpu.memref_slice %arg7[%mul3A_31, %dma_wait3A_85] : memref<10240x128xf32, #tpu.memory_space<vmem_shared>> -> memref<640x128xf32, #tpu.memory_space<vmem_shared>>
      %dma_wait3A_87 = arith.constant 0 : i32
      %dma_wait3A_88 = tpu.memref_slice %arg5[%mul3A_29, %dma_wait3A_87] : memref<10240x128xf32, #tpu.memory_space<hbm>> -> memref<640x128xf32, #tpu.memory_space<hbm>>
      tpu.wait_dma2 semaphore(%run_scoped3A : memref<!tpu.dma_semaphore, #tpu.memory_space<semaphore_mem>>) src(%dma_wait3A_88 : memref<640x128xf32, #tpu.memory_space<hbm>>) dst(%dma_wait3A_86 : memref<640x128xf32, #tpu.memory_space<vmem_shared>>)
      tpu.yield
    }) : () -> ()
    %barrier3A = arith.constant 0 : index
    tpu.barrier barrier_id(%barrier3A)
    %dma_wait3A = arith.constant 0 : i32
    %dma_wait3A_32 = arith.constant 0 : i32
    %dma_wait3A_33 = tpu.memref_slice %arg3[%add3A, %dma_wait3A, %dma_wait3A_32] : memref<32x250x40xi32, #tpu.memory_space<hbm>> -> memref<1x1x40xi32, #tpu.memory_space<hbm>>
    %dma_wait3A_34 = tpu.memref_squeeze %dma_wait3A_33 : memref<1x1x40xi32, #tpu.memory_space<hbm>> -> memref<40xi32, #tpu.memory_space<hbm>>
    %dma_wait3A_35 = arith.constant 0 : i32
    %dma_wait3A_36 = tpu.memref_slice %arg3[%add3A, %dma_wait3A, %dma_wait3A_35] : memref<32x250x40xi32, #tpu.memory_space<hbm>> -> memref<1x1x40xi32, #tpu.memory_space<hbm>>
    %dma_wait3A_37 = tpu.memref_squeeze %dma_wait3A_36 : memref<1x1x40xi32, #tpu.memory_space<hbm>> -> memref<40xi32, #tpu.memory_space<hbm>>
    tpu.wait_dma2 semaphore(%arg14 : memref<!tpu.dma_semaphore, #tpu.memory_space<semaphore_mem>>) src(%dma_wait3A_37 : memref<40xi32, #tpu.memory_space<hbm>>) dst(%arg8 : memref<40xi32, #tpu.memory_space<vmem>>)
    %dma_start3A_38 = arith.constant 0 : i32
    %dma_start3A_39 = arith.constant 0 : i32
    %dma_start3A_40 = tpu.memref_slice %arg2[%dma_start3A_38, %dma_start3A_39] : memref<10000x128xf32, #tpu.memory_space<hbm>> -> memref<10000x128xf32, #tpu.memory_space<hbm>>
    tpu.enqueue_indirect_dma source(%dma_start3A_40 : memref<10000x128xf32, #tpu.memory_space<hbm>>) target(%arg12 : memref<40x128xf32, #tpu.memory_space<vmem>>) offsets(%arg8 : memref<40xi32, #tpu.memory_space<vmem>>) semaphore(%arg18 : memref<!tpu.dma_semaphore, #tpu.memory_space<semaphore_mem>>)
    %scan3A = arith.constant 0 : i32
    %scan3A_41 = arith.constant 0 : i32
    %scan3A_42 = arith.constant 124 : i32
    %scan3A_43 = arith.addi %scan3A_41, %scan3A_42 : i32
    %scan3A_44 = arith.constant 1 : i32
    scf.for %scan3A_81 = %scan3A_41 to %scan3A_43 step %scan3A_44  : i32 {
      %mul3A_82 = arith.constant 2 : i32
      %mul3A_83 = arith.muli %mul3A_82, %scan3A_81 : i32
      %add3A_84 = arith.constant 1 : i32
      %add3A_85 = arith.addi %mul3A_83, %add3A_84 : i32
      %dma_wait3A_86 = arith.constant 0 : i32
      %dma_wait3A_87 = tpu.memref_slice %arg3[%add3A, %add3A_85, %dma_wait3A_86] : memref<32x250x40xi32, #tpu.memory_space<hbm>> -> memref<1x1x40xi32, #tpu.memory_space<hbm>>
      %dma_wait3A_88 = tpu.memref_squeeze %dma_wait3A_87 : memref<1x1x40xi32, #tpu.memory_space<hbm>> -> memref<40xi32, #tpu.memory_space<hbm>>
      %dma_wait3A_89 = arith.constant 0 : i32
      %dma_wait3A_90 = tpu.memref_slice %arg3[%add3A, %add3A_85, %dma_wait3A_89] : memref<32x250x40xi32, #tpu.memory_space<hbm>> -> memref<1x1x40xi32, #tpu.memory_space<hbm>>
      %dma_wait3A_91 = tpu.memref_squeeze %dma_wait3A_90 : memref<1x1x40xi32, #tpu.memory_space<hbm>> -> memref<40xi32, #tpu.memory_space<hbm>>
      tpu.wait_dma2 semaphore(%arg15 : memref<!tpu.dma_semaphore, #tpu.memory_space<semaphore_mem>>) src(%dma_wait3A_91 : memref<40xi32, #tpu.memory_space<hbm>>) dst(%arg9 : memref<40xi32, #tpu.memory_space<vmem>>)
      %dma_start3A_92 = arith.constant 0 : i32
      %dma_start3A_93 = arith.constant 0 : i32
      %dma_start3A_94 = tpu.memref_slice %arg2[%dma_start3A_92, %dma_start3A_93] : memref<10000x128xf32, #tpu.memory_space<hbm>> -> memref<10000x128xf32, #tpu.memory_space<hbm>>
      tpu.enqueue_indirect_dma source(%dma_start3A_94 : memref<10000x128xf32, #tpu.memory_space<hbm>>) target(%arg13 : memref<40x128xf32, #tpu.memory_space<vmem>>) offsets(%arg9 : memref<40xi32, #tpu.memory_space<vmem>>) semaphore(%arg19 : memref<!tpu.dma_semaphore, #tpu.memory_space<semaphore_mem>>)
      %dma_wait3A_95 = arith.constant 0 : i32
      %dma_wait3A_96 = arith.constant 0 : i32
      %dma_wait3A_97 = tpu.memref_slice %arg2[%dma_wait3A_95, %dma_wait3A_96] : memref<10000x128xf32, #tpu.memory_space<hbm>> -> memref<10000x128xf32, #tpu.memory_space<hbm>>
      tpu.wait_indirect_dma semaphore(%arg18 : memref<!tpu.dma_semaphore, #tpu.memory_space<semaphore_mem>>) src(%dma_wait3A_97 : memref<10000x128xf32, #tpu.memory_space<hbm>>) dst(%arg12 : memref<40x128xf32, #tpu.memory_space<vmem>>)
      %add3A_98 = arith.constant 2 : i32
      %add3A_99 = arith.addi %mul3A_83, %add3A_98 : i32
      %dma_start3A_100 = arith.constant 0 : i32
      %dma_start3A_101 = tpu.memref_slice %arg3[%add3A, %add3A_99, %dma_start3A_100] : memref<32x250x40xi32, #tpu.memory_space<hbm>> -> memref<1x1x40xi32, #tpu.memory_space<hbm>>
      %dma_start3A_102 = tpu.memref_squeeze %dma_start3A_101 : memref<1x1x40xi32, #tpu.memory_space<hbm>> -> memref<40xi32, #tpu.memory_space<hbm>>
      %dma_start3A_103 = arith.constant 0 : i32
      %dma_start3A_104 = tpu.memref_slice %arg3[%add3A, %add3A_99, %dma_start3A_103] : memref<32x250x40xi32, #tpu.memory_space<hbm>> -> memref<1x1x40xi32, #tpu.memory_space<hbm>>
      %dma_start3A_105 = tpu.memref_squeeze %dma_start3A_104 : memref<1x1x40xi32, #tpu.memory_space<hbm>> -> memref<40xi32, #tpu.memory_space<hbm>>
      tpu.enqueue_dma source(%dma_start3A_105 : memref<40xi32, #tpu.memory_space<hbm>>) target(%arg8 : memref<40xi32, #tpu.memory_space<vmem>>) target_semaphore(%arg14 : memref<!tpu.dma_semaphore, #tpu.memory_space<semaphore_mem>>)
      %dma_wait3A_106 = arith.constant 0 : i32
      %dma_wait3A_107 = tpu.memref_slice %arg4[%add3A, %mul3A_83, %dma_wait3A_106] : memref<32x250x40xi32, #tpu.memory_space<hbm>> -> memref<1x1x40xi32, #tpu.memory_space<hbm>>
      %dma_wait3A_108 = tpu.memref_squeeze %dma_wait3A_107 : memref<1x1x40xi32, #tpu.memory_space<hbm>> -> memref<40xi32, #tpu.memory_space<hbm>>
      %dma_wait3A_109 = arith.constant 0 : i32
      %dma_wait3A_110 = tpu.memref_slice %arg4[%add3A, %mul3A_83, %dma_wait3A_109] : memref<32x250x40xi32, #tpu.memory_space<hbm>> -> memref<1x1x40xi32, #tpu.memory_space<hbm>>
      %dma_wait3A_111 = tpu.memref_squeeze %dma_wait3A_110 : memref<1x1x40xi32, #tpu.memory_space<hbm>> -> memref<40xi32, #tpu.memory_space<hbm>>
      tpu.wait_dma2 semaphore(%arg16 : memref<!tpu.dma_semaphore, #tpu.memory_space<semaphore_mem>>) src(%dma_wait3A_111 : memref<40xi32, #tpu.memory_space<hbm>>) dst(%arg10 : memref<40xi32, #tpu.memory_space<vmem>>)
      "tpu.region"() ({
        %run_scoped3A = tpu.sem_alloc : memref<!tpu.dma_semaphore, #tpu.memory_space<semaphore_mem>>
        %dma_start3A_158 = arith.constant 0 : i32
        %dma_start3A_159 = arith.constant 0 : i32
        %dma_start3A_160 = tpu.memref_slice %arg7[%dma_start3A_158, %dma_start3A_159] : memref<10240x128xf32, #tpu.memory_space<vmem_shared>> -> memref<10240x128xf32, #tpu.memory_space<vmem_shared>>
        tpu.enqueue_indirect_dma source(%arg12 : memref<40x128xf32, #tpu.memory_space<vmem>>) target(%dma_start3A_160 : memref<10240x128xf32, #tpu.memory_space<vmem_shared>>) offsets(%arg10 : memref<40xi32, #tpu.memory_space<vmem>>) semaphore(%run_scoped3A : memref<!tpu.dma_semaphore, #tpu.memory_space<semaphore_mem>>) {add = true}
        %dma_wait3A_161 = arith.constant 0 : i32
        %dma_wait3A_162 = arith.constant 0 : i32
        %dma_wait3A_163 = tpu.memref_slice %arg7[%dma_wait3A_161, %dma_wait3A_162] : memref<10240x128xf32, #tpu.memory_space<vmem_shared>> -> memref<10240x128xf32, #tpu.memory_space<vmem_shared>>
        tpu.wait_indirect_dma semaphore(%run_scoped3A : memref<!tpu.dma_semaphore, #tpu.memory_space<semaphore_mem>>) src(%arg12 : memref<40x128xf32, #tpu.memory_space<vmem>>) dst(%dma_wait3A_163 : memref<10240x128xf32, #tpu.memory_space<vmem_shared>>)
        tpu.yield
      }) : () -> ()
      %add3A_112 = arith.constant 2 : i32
      %add3A_113 = arith.addi %mul3A_83, %add3A_112 : i32
      %dma_start3A_114 = arith.constant 0 : i32
      %dma_start3A_115 = tpu.memref_slice %arg4[%add3A, %add3A_113, %dma_start3A_114] : memref<32x250x40xi32, #tpu.memory_space<hbm>> -> memref<1x1x40xi32, #tpu.memory_space<hbm>>
      %dma_start3A_116 = tpu.memref_squeeze %dma_start3A_115 : memref<1x1x40xi32, #tpu.memory_space<hbm>> -> memref<40xi32, #tpu.memory_space<hbm>>
      %dma_start3A_117 = arith.constant 0 : i32
      %dma_start3A_118 = tpu.memref_slice %arg4[%add3A, %add3A_113, %dma_start3A_117] : memref<32x250x40xi32, #tpu.memory_space<hbm>> -> memref<1x1x40xi32, #tpu.memory_space<hbm>>
      %dma_start3A_119 = tpu.memref_squeeze %dma_start3A_118 : memref<1x1x40xi32, #tpu.memory_space<hbm>> -> memref<40xi32, #tpu.memory_space<hbm>>
      tpu.enqueue_dma source(%dma_start3A_119 : memref<40xi32, #tpu.memory_space<hbm>>) target(%arg10 : memref<40xi32, #tpu.memory_space<vmem>>) target_semaphore(%arg16 : memref<!tpu.dma_semaphore, #tpu.memory_space<semaphore_mem>>)
      %add3A_120 = arith.constant 2 : i32
      %add3A_121 = arith.addi %mul3A_83, %add3A_120 : i32
      %dma_wait3A_122 = arith.constant 0 : i32
      %dma_wait3A_123 = tpu.memref_slice %arg3[%add3A, %add3A_121, %dma_wait3A_122] : memref<32x250x40xi32, #tpu.memory_space<hbm>> -> memref<1x1x40xi32, #tpu.memory_space<hbm>>
      %dma_wait3A_124 = tpu.memref_squeeze %dma_wait3A_123 : memref<1x1x40xi32, #tpu.memory_space<hbm>> -> memref<40xi32, #tpu.memory_space<hbm>>
      %dma_wait3A_125 = arith.constant 0 : i32
      %dma_wait3A_126 = tpu.memref_slice %arg3[%add3A, %add3A_121, %dma_wait3A_125] : memref<32x250x40xi32, #tpu.memory_space<hbm>> -> memref<1x1x40xi32, #tpu.memory_space<hbm>>
      %dma_wait3A_127 = tpu.memref_squeeze %dma_wait3A_126 : memref<1x1x40xi32, #tpu.memory_space<hbm>> -> memref<40xi32, #tpu.memory_space<hbm>>
      tpu.wait_dma2 semaphore(%arg14 : memref<!tpu.dma_semaphore, #tpu.memory_space<semaphore_mem>>) src(%dma_wait3A_127 : memref<40xi32, #tpu.memory_space<hbm>>) dst(%arg8 : memref<40xi32, #tpu.memory_space<vmem>>)
      %dma_start3A_128 = arith.constant 0 : i32
      %dma_start3A_129 = arith.constant 0 : i32
      %dma_start3A_130 = tpu.memref_slice %arg2[%dma_start3A_128, %dma_start3A_129] : memref<10000x128xf32, #tpu.memory_space<hbm>> -> memref<10000x128xf32, #tpu.memory_space<hbm>>
      tpu.enqueue_indirect_dma source(%dma_start3A_130 : memref<10000x128xf32, #tpu.memory_space<hbm>>) target(%arg12 : memref<40x128xf32, #tpu.memory_space<vmem>>) offsets(%arg8 : memref<40xi32, #tpu.memory_space<vmem>>) semaphore(%arg18 : memref<!tpu.dma_semaphore, #tpu.memory_space<semaphore_mem>>)
      %dma_wait3A_131 = arith.constant 0 : i32
      %dma_wait3A_132 = arith.constant 0 : i32
      %dma_wait3A_133 = tpu.memref_slice %arg2[%dma_wait3A_131, %dma_wait3A_132] : memref<10000x128xf32, #tpu.memory_space<hbm>> -> memref<10000x128xf32, #tpu.memory_space<hbm>>
      tpu.wait_indirect_dma semaphore(%arg19 : memref<!tpu.dma_semaphore, #tpu.memory_space<semaphore_mem>>) src(%dma_wait3A_133 : memref<10000x128xf32, #tpu.memory_space<hbm>>) dst(%arg13 : memref<40x128xf32, #tpu.memory_space<vmem>>)
      %add3A_134 = arith.constant 3 : i32
      %add3A_135 = arith.addi %mul3A_83, %add3A_134 : i32
      %dma_start3A_136 = arith.constant 0 : i32
      %dma_start3A_137 = tpu.memref_slice %arg3[%add3A, %add3A_135, %dma_start3A_136] : memref<32x250x40xi32, #tpu.memory_space<hbm>> -> memref<1x1x40xi32, #tpu.memory_space<hbm>>
      %dma_start3A_138 = tpu.memref_squeeze %dma_start3A_137 : memref<1x1x40xi32, #tpu.memory_space<hbm>> -> memref<40xi32, #tpu.memory_space<hbm>>
      %dma_start3A_139 = arith.constant 0 : i32
      %dma_start3A_140 = tpu.memref_slice %arg3[%add3A, %add3A_135, %dma_start3A_139] : memref<32x250x40xi32, #tpu.memory_space<hbm>> -> memref<1x1x40xi32, #tpu.memory_space<hbm>>
      %dma_start3A_141 = tpu.memref_squeeze %dma_start3A_140 : memref<1x1x40xi32, #tpu.memory_space<hbm>> -> memref<40xi32, #tpu.memory_space<hbm>>
      tpu.enqueue_dma source(%dma_start3A_141 : memref<40xi32, #tpu.memory_space<hbm>>) target(%arg9 : memref<40xi32, #tpu.memory_space<vmem>>) target_semaphore(%arg15 : memref<!tpu.dma_semaphore, #tpu.memory_space<semaphore_mem>>)
      %add3A_142 = arith.constant 1 : i32
      %add3A_143 = arith.addi %mul3A_83, %add3A_142 : i32
      %dma_wait3A_144 = arith.constant 0 : i32
      %dma_wait3A_145 = tpu.memref_slice %arg4[%add3A, %add3A_143, %dma_wait3A_144] : memref<32x250x40xi32, #tpu.memory_space<hbm>> -> memref<1x1x40xi32, #tpu.memory_space<hbm>>
      %dma_wait3A_146 = tpu.memref_squeeze %dma_wait3A_145 : memref<1x1x40xi32, #tpu.memory_space<hbm>> -> memref<40xi32, #tpu.memory_space<hbm>>
      %dma_wait3A_147 = arith.constant 0 : i32
      %dma_wait3A_148 = tpu.memref_slice %arg4[%add3A, %add3A_143, %dma_wait3A_147] : memref<32x250x40xi32, #tpu.memory_space<hbm>> -> memref<1x1x40xi32, #tpu.memory_space<hbm>>
      %dma_wait3A_149 = tpu.memref_squeeze %dma_wait3A_148 : memref<1x1x40xi32, #tpu.memory_space<hbm>> -> memref<40xi32, #tpu.memory_space<hbm>>
      tpu.wait_dma2 semaphore(%arg17 : memref<!tpu.dma_semaphore, #tpu.memory_space<semaphore_mem>>) src(%dma_wait3A_149 : memref<40xi32, #tpu.memory_space<hbm>>) dst(%arg11 : memref<40xi32, #tpu.memory_space<vmem>>)
      "tpu.region"() ({
        %run_scoped3A = tpu.sem_alloc : memref<!tpu.dma_semaphore, #tpu.memory_space<semaphore_mem>>
        %dma_start3A_158 = arith.constant 0 : i32
        %dma_start3A_159 = arith.constant 0 : i32
        %dma_start3A_160 = tpu.memref_slice %arg7[%dma_start3A_158, %dma_start3A_159] : memref<10240x128xf32, #tpu.memory_space<vmem_shared>> -> memref<10240x128xf32, #tpu.memory_space<vmem_shared>>
        tpu.enqueue_indirect_dma source(%arg13 : memref<40x128xf32, #tpu.memory_space<vmem>>) target(%dma_start3A_160 : memref<10240x128xf32, #tpu.memory_space<vmem_shared>>) offsets(%arg11 : memref<40xi32, #tpu.memory_space<vmem>>) semaphore(%run_scoped3A : memref<!tpu.dma_semaphore, #tpu.memory_space<semaphore_mem>>) {add = true}
        %dma_wait3A_161 = arith.constant 0 : i32
        %dma_wait3A_162 = arith.constant 0 : i32
        %dma_wait3A_163 = tpu.memref_slice %arg7[%dma_wait3A_161, %dma_wait3A_162] : memref<10240x128xf32, #tpu.memory_space<vmem_shared>> -> memref<10240x128xf32, #tpu.memory_space<vmem_shared>>
        tpu.wait_indirect_dma semaphore(%run_scoped3A : memref<!tpu.dma_semaphore, #tpu.memory_space<semaphore_mem>>) src(%arg13 : memref<40x128xf32, #tpu.memory_space<vmem>>) dst(%dma_wait3A_163 : memref<10240x128xf32, #tpu.memory_space<vmem_shared>>)
        tpu.yield
      }) : () -> ()
      %add3A_150 = arith.constant 3 : i32
      %add3A_151 = arith.addi %mul3A_83, %add3A_150 : i32
      %dma_start3A_152 = arith.constant 0 : i32
      %dma_start3A_153 = tpu.memref_slice %arg4[%add3A, %add3A_151, %dma_start3A_152] : memref<32x250x40xi32, #tpu.memory_space<hbm>> -> memref<1x1x40xi32, #tpu.memory_space<hbm>>
      %dma_start3A_154 = tpu.memref_squeeze %dma_start3A_153 : memref<1x1x40xi32, #tpu.memory_space<hbm>> -> memref<40xi32, #tpu.memory_space<hbm>>
      %dma_start3A_155 = arith.constant 0 : i32
      %dma_start3A_156 = tpu.memref_slice %arg4[%add3A, %add3A_151, %dma_start3A_155] : memref<32x250x40xi32, #tpu.memory_space<hbm>> -> memref<1x1x40xi32, #tpu.memory_space<hbm>>
      %dma_start3A_157 = tpu.memref_squeeze %dma_start3A_156 : memref<1x1x40xi32, #tpu.memory_space<hbm>> -> memref<40xi32, #tpu.memory_space<hbm>>
      tpu.enqueue_dma source(%dma_start3A_157 : memref<40xi32, #tpu.memory_space<hbm>>) target(%arg11 : memref<40xi32, #tpu.memory_space<vmem>>) target_semaphore(%arg17 : memref<!tpu.dma_semaphore, #tpu.memory_space<semaphore_mem>>)
    }
    %scan3A_45 = arith.constant 124 : i32
    %dma_wait3A_46 = arith.constant 249 : i32
    %dma_wait3A_47 = arith.constant 0 : i32
    %dma_wait3A_48 = tpu.memref_slice %arg3[%add3A, %dma_wait3A_46, %dma_wait3A_47] : memref<32x250x40xi32, #tpu.memory_space<hbm>> -> memref<1x1x40xi32, #tpu.memory_space<hbm>>
    %dma_wait3A_49 = tpu.memref_squeeze %dma_wait3A_48 : memref<1x1x40xi32, #tpu.memory_space<hbm>> -> memref<40xi32, #tpu.memory_space<hbm>>
    %dma_wait3A_50 = arith.constant 0 : i32
    %dma_wait3A_51 = tpu.memref_slice %arg3[%add3A, %dma_wait3A_46, %dma_wait3A_50] : memref<32x250x40xi32, #tpu.memory_space<hbm>> -> memref<1x1x40xi32, #tpu.memory_space<hbm>>
    %dma_wait3A_52 = tpu.memref_squeeze %dma_wait3A_51 : memref<1x1x40xi32, #tpu.memory_space<hbm>> -> memref<40xi32, #tpu.memory_space<hbm>>
    tpu.wait_dma2 semaphore(%arg15 : memref<!tpu.dma_semaphore, #tpu.memory_space<semaphore_mem>>) src(%dma_wait3A_52 : memref<40xi32, #tpu.memory_space<hbm>>) dst(%arg9 : memref<40xi32, #tpu.memory_space<vmem>>)
    %dma_start3A_53 = arith.constant 0 : i32
    %dma_start3A_54 = arith.constant 0 : i32
    %dma_start3A_55 = tpu.memref_slice %arg2[%dma_start3A_53, %dma_start3A_54] : memref<10000x128xf32, #tpu.memory_space<hbm>> -> memref<10000x128xf32, #tpu.memory_space<hbm>>
    tpu.enqueue_indirect_dma source(%dma_start3A_55 : memref<10000x128xf32, #tpu.memory_space<hbm>>) target(%arg13 : memref<40x128xf32, #tpu.memory_space<vmem>>) offsets(%arg9 : memref<40xi32, #tpu.memory_space<vmem>>) semaphore(%arg19 : memref<!tpu.dma_semaphore, #tpu.memory_space<semaphore_mem>>)
    %dma_wait3A_56 = arith.constant 0 : i32
    %dma_wait3A_57 = arith.constant 0 : i32
    %dma_wait3A_58 = tpu.memref_slice %arg2[%dma_wait3A_56, %dma_wait3A_57] : memref<10000x128xf32, #tpu.memory_space<hbm>> -> memref<10000x128xf32, #tpu.memory_space<hbm>>
    tpu.wait_indirect_dma semaphore(%arg18 : memref<!tpu.dma_semaphore, #tpu.memory_space<semaphore_mem>>) src(%dma_wait3A_58 : memref<10000x128xf32, #tpu.memory_space<hbm>>) dst(%arg12 : memref<40x128xf32, #tpu.memory_space<vmem>>)
    %dma_wait3A_59 = arith.constant 248 : i32
    %dma_wait3A_60 = arith.constant 0 : i32
    %dma_wait3A_61 = tpu.memref_slice %arg4[%add3A, %dma_wait3A_59, %dma_wait3A_60] : memref<32x250x40xi32, #tpu.memory_space<hbm>> -> memref<1x1x40xi32, #tpu.memory_space<hbm>>
    %dma_wait3A_62 = tpu.memref_squeeze %dma_wait3A_61 : memref<1x1x40xi32, #tpu.memory_space<hbm>> -> memref<40xi32, #tpu.memory_space<hbm>>
    %dma_wait3A_63 = arith.constant 0 : i32
    %dma_wait3A_64 = tpu.memref_slice %arg4[%add3A, %dma_wait3A_59, %dma_wait3A_63] : memref<32x250x40xi32, #tpu.memory_space<hbm>> -> memref<1x1x40xi32, #tpu.memory_space<hbm>>
    %dma_wait3A_65 = tpu.memref_squeeze %dma_wait3A_64 : memref<1x1x40xi32, #tpu.memory_space<hbm>> -> memref<40xi32, #tpu.memory_space<hbm>>
    tpu.wait_dma2 semaphore(%arg16 : memref<!tpu.dma_semaphore, #tpu.memory_space<semaphore_mem>>) src(%dma_wait3A_65 : memref<40xi32, #tpu.memory_space<hbm>>) dst(%arg10 : memref<40xi32, #tpu.memory_space<vmem>>)
    "tpu.region"() ({
      %run_scoped3A = tpu.sem_alloc : memref<!tpu.dma_semaphore, #tpu.memory_space<semaphore_mem>>
      %dma_start3A_81 = arith.constant 0 : i32
      %dma_start3A_82 = arith.constant 0 : i32
      %dma_start3A_83 = tpu.memref_slice %arg7[%dma_start3A_81, %dma_start3A_82] : memref<10240x128xf32, #tpu.memory_space<vmem_shared>> -> memref<10240x128xf32, #tpu.memory_space<vmem_shared>>
      tpu.enqueue_indirect_dma source(%arg12 : memref<40x128xf32, #tpu.memory_space<vmem>>) target(%dma_start3A_83 : memref<10240x128xf32, #tpu.memory_space<vmem_shared>>) offsets(%arg10 : memref<40xi32, #tpu.memory_space<vmem>>) semaphore(%run_scoped3A : memref<!tpu.dma_semaphore, #tpu.memory_space<semaphore_mem>>) {add = true}
      %dma_wait3A_84 = arith.constant 0 : i32
      %dma_wait3A_85 = arith.constant 0 : i32
      %dma_wait3A_86 = tpu.memref_slice %arg7[%dma_wait3A_84, %dma_wait3A_85] : memref<10240x128xf32, #tpu.memory_space<vmem_shared>> -> memref<10240x128xf32, #tpu.memory_space<vmem_shared>>
      tpu.wait_indirect_dma semaphore(%run_scoped3A : memref<!tpu.dma_semaphore, #tpu.memory_space<semaphore_mem>>) src(%arg12 : memref<40x128xf32, #tpu.memory_space<vmem>>) dst(%dma_wait3A_86 : memref<10240x128xf32, #tpu.memory_space<vmem_shared>>)
      tpu.yield
    }) : () -> ()
    %dma_wait3A_66 = arith.constant 0 : i32
    %dma_wait3A_67 = arith.constant 0 : i32
    %dma_wait3A_68 = tpu.memref_slice %arg2[%dma_wait3A_66, %dma_wait3A_67] : memref<10000x128xf32, #tpu.memory_space<hbm>> -> memref<10000x128xf32, #tpu.memory_space<hbm>>
    tpu.wait_indirect_dma semaphore(%arg19 : memref<!tpu.dma_semaphore, #tpu.memory_space<semaphore_mem>>) src(%dma_wait3A_68 : memref<10000x128xf32, #tpu.memory_space<hbm>>) dst(%arg13 : memref<40x128xf32, #tpu.memory_space<vmem>>)
    %dma_wait3A_69 = arith.constant 249 : i32
    %dma_wait3A_70 = arith.constant 0 : i32
    %dma_wait3A_71 = tpu.memref_slice %arg4[%add3A, %dma_wait3A_69, %dma_wait3A_70] : memref<32x250x40xi32, #tpu.memory_space<hbm>> -> memref<1x1x40xi32, #tpu.memory_space<hbm>>
    %dma_wait3A_72 = tpu.memref_squeeze %dma_wait3A_71 : memref<1x1x40xi32, #tpu.memory_space<hbm>> -> memref<40xi32, #tpu.memory_space<hbm>>
    %dma_wait3A_73 = arith.constant 0 : i32
    %dma_wait3A_74 = tpu.memref_slice %arg4[%add3A, %dma_wait3A_69, %dma_wait3A_73] : memref<32x250x40xi32, #tpu.memory_space<hbm>> -> memref<1x1x40xi32, #tpu.memory_space<hbm>>
    %dma_wait3A_75 = tpu.memref_squeeze %dma_wait3A_74 : memref<1x1x40xi32, #tpu.memory_space<hbm>> -> memref<40xi32, #tpu.memory_space<hbm>>
    tpu.wait_dma2 semaphore(%arg17 : memref<!tpu.dma_semaphore, #tpu.memory_space<semaphore_mem>>) src(%dma_wait3A_75 : memref<40xi32, #tpu.memory_space<hbm>>) dst(%arg11 : memref<40xi32, #tpu.memory_space<vmem>>)
    "tpu.region"() ({
      %run_scoped3A = tpu.sem_alloc : memref<!tpu.dma_semaphore, #tpu.memory_space<semaphore_mem>>
      %dma_start3A_81 = arith.constant 0 : i32
      %dma_start3A_82 = arith.constant 0 : i32
      %dma_start3A_83 = tpu.memref_slice %arg7[%dma_start3A_81, %dma_start3A_82] : memref<10240x128xf32, #tpu.memory_space<vmem_shared>> -> memref<10240x128xf32, #tpu.memory_space<vmem_shared>>
      tpu.enqueue_indirect_dma source(%arg13 : memref<40x128xf32, #tpu.memory_space<vmem>>) target(%dma_start3A_83 : memref<10240x128xf32, #tpu.memory_space<vmem_shared>>) offsets(%arg11 : memref<40xi32, #tpu.memory_space<vmem>>) semaphore(%run_scoped3A : memref<!tpu.dma_semaphore, #tpu.memory_space<semaphore_mem>>) {add = true}
      %dma_wait3A_84 = arith.constant 0 : i32
      %dma_wait3A_85 = arith.constant 0 : i32
      %dma_wait3A_86 = tpu.memref_slice %arg7[%dma_wait3A_84, %dma_wait3A_85] : memref<10240x128xf32, #tpu.memory_space<vmem_shared>> -> memref<10240x128xf32, #tpu.memory_space<vmem_shared>>
      tpu.wait_indirect_dma semaphore(%run_scoped3A : memref<!tpu.dma_semaphore, #tpu.memory_space<semaphore_mem>>) src(%arg13 : memref<40x128xf32, #tpu.memory_space<vmem>>) dst(%dma_wait3A_86 : memref<10240x128xf32, #tpu.memory_space<vmem_shared>>)
      tpu.yield
    }) : () -> ()
    %barrier3A_76 = arith.constant 0 : index
    tpu.barrier barrier_id(%barrier3A_76)
    %mul3A_77 = arith.constant 640 : i32
    %mul3A_78 = arith.muli %arg1, %mul3A_77 : i32
    %mul3A_79 = arith.constant 640 : i32
    %mul3A_80 = arith.muli %arg1, %mul3A_79 : i32
    "tpu.region"() ({
      %run_scoped3A = tpu.sem_alloc : memref<!tpu.dma_semaphore, #tpu.memory_space<semaphore_mem>>
      %dma_start3A_81 = arith.constant 0 : i32
      %dma_start3A_82 = arith.constant 0 : i32
      %dma_start3A_83 = tpu.memref_slice %arg6[%arg0, %dma_start3A_81, %dma_start3A_82] : memref<2x10240x128xf32, #tpu.memory_space<hbm>> -> memref<1x10240x128xf32, #tpu.memory_space<hbm>>
      %dma_start3A_84 = tpu.memref_squeeze %dma_start3A_83 : memref<1x10240x128xf32, #tpu.memory_space<hbm>> -> memref<10240x128xf32, #tpu.memory_space<hbm>>
      %dma_start3A_85 = arith.constant 0 : i32
      %dma_start3A_86 = tpu.memref_slice %dma_start3A_84[%mul3A_80, %dma_start3A_85] : memref<10240x128xf32, #tpu.memory_space<hbm>> -> memref<640x128xf32, #tpu.memory_space<hbm>>
      %dma_start3A_87 = arith.constant 0 : i32
      %dma_start3A_88 = tpu.memref_slice %arg7[%mul3A_78, %dma_start3A_87] : memref<10240x128xf32, #tpu.memory_space<vmem_shared>> -> memref<640x128xf32, #tpu.memory_space<vmem_shared>>
      tpu.enqueue_dma source(%dma_start3A_88 : memref<640x128xf32, #tpu.memory_space<vmem_shared>>) target(%dma_start3A_86 : memref<640x128xf32, #tpu.memory_space<hbm>>) target_semaphore(%run_scoped3A : memref<!tpu.dma_semaphore, #tpu.memory_space<semaphore_mem>>)
      %dma_wait3A_89 = arith.constant 0 : i32
      %dma_wait3A_90 = arith.constant 0 : i32
      %dma_wait3A_91 = tpu.memref_slice %arg6[%arg0, %dma_wait3A_89, %dma_wait3A_90] : memref<2x10240x128xf32, #tpu.memory_space<hbm>> -> memref<1x10240x128xf32, #tpu.memory_space<hbm>>
      %dma_wait3A_92 = tpu.memref_squeeze %dma_wait3A_91 : memref<1x10240x128xf32, #tpu.memory_space<hbm>> -> memref<10240x128xf32, #tpu.memory_space<hbm>>
      %dma_wait3A_93 = arith.constant 0 : i32
      %dma_wait3A_94 = tpu.memref_slice %dma_wait3A_92[%mul3A_80, %dma_wait3A_93] : memref<10240x128xf32, #tpu.memory_space<hbm>> -> memref<640x128xf32, #tpu.memory_space<hbm>>
      %dma_wait3A_95 = arith.constant 0 : i32
      %dma_wait3A_96 = tpu.memref_slice %arg7[%mul3A_78, %dma_wait3A_95] : memref<10240x128xf32, #tpu.memory_space<vmem_shared>> -> memref<640x128xf32, #tpu.memory_space<vmem_shared>>
      tpu.wait_dma2 semaphore(%run_scoped3A : memref<!tpu.dma_semaphore, #tpu.memory_space<semaphore_mem>>) src(%dma_wait3A_96 : memref<640x128xf32, #tpu.memory_space<vmem_shared>>) dst(%dma_wait3A_94 : memref<640x128xf32, #tpu.memory_space<hbm>>)
      tpu.yield
    }) : () -> ()
    return
  }
}

#map = affine_map<(d0, d1) -> (0, 0)>
#map1 = affine_map<(d0, d1) -> (0, 0, 0)>
module attributes {stable_mosaic.version = 14 : i64} {
  func.func @_sc_agg(%arg0: i32, %arg1: i32, %arg2: memref<10000x128xf32, #tpu.memory_space<hbm>>, %arg3: memref<32x250x40xi32, #tpu.memory_space<hbm>>, %arg4: memref<32x250x40xi32, #tpu.memory_space<hbm>>, %arg5: memref<10240x128xf32, #tpu.memory_space<hbm>>, %arg6: memref<2x10240x128xf32, #tpu.memory_space<hbm>>, %arg7: memref<10240x128xf32, #tpu.memory_space<vmem_shared>>, %arg8: memref<40xi32, #tpu.memory_space<vmem>>, %arg9: memref<40xi32, #tpu.memory_space<vmem>>, %arg10: memref<40xi32, #tpu.memory_space<vmem>>, %arg11: memref<40xi32, #tpu.memory_space<vmem>>, %arg12: memref<40x128xf32, #tpu.memory_space<vmem>>, %arg13: memref<40x128xf32, #tpu.memory_space<vmem>>, %arg14: memref<!tpu.dma_semaphore, #tpu.memory_space<semaphore_mem>>, %arg15: memref<!tpu.dma_semaphore, #tpu.memory_space<semaphore_mem>>, %arg16: memref<!tpu.dma_semaphore, #tpu.memory_space<semaphore_mem>>, %arg17: memref<!tpu.dma_semaphore, #tpu.memory_space<semaphore_mem>>, %arg18: memref<!tpu.dma_semaphore, #tpu.memory_space<semaphore_mem>>, %arg19: memref<!tpu.dma_semaphore, #tpu.memory_space<semaphore_mem>>) attributes {dimension_semantics = [#tpu.dimension_semantics<core_parallel>, #tpu.dimension_semantics<subcore_parallel>], iteration_bounds = array<i64: 2, 16>, scalar_prefetch = 0 : i64, scratch_operands = 13 : i64, tpu.core_type = #tpu.core_type<sc_vector_subcore>, window_params = [{transform_indices = #map}, {transform_indices = #map1}, {transform_indices = #map1}, {transform_indices = #map}, {transform_indices = #map1}]} {
    %mul3A = arith.constant 16 : i32
    %mul3A_0 = arith.muli %arg0, %mul3A : i32
    %add3A = arith.addi %mul3A_0, %arg1 : i32
    %dma_start3A = arith.constant 0 : i32
    %dma_start3A_1 = arith.constant 0 : i32
    %dma_start3A_2 = tpu.memref_slice %arg3[%add3A, %dma_start3A, %dma_start3A_1] : memref<32x250x40xi32, #tpu.memory_space<hbm>> -> memref<1x1x40xi32, #tpu.memory_space<hbm>>
    %dma_start3A_3 = tpu.memref_squeeze %dma_start3A_2 : memref<1x1x40xi32, #tpu.memory_space<hbm>> -> memref<40xi32, #tpu.memory_space<hbm>>
    %dma_start3A_4 = arith.constant 0 : i32
    %dma_start3A_5 = tpu.memref_slice %arg3[%add3A, %dma_start3A, %dma_start3A_4] : memref<32x250x40xi32, #tpu.memory_space<hbm>> -> memref<1x1x40xi32, #tpu.memory_space<hbm>>
    %dma_start3A_6 = tpu.memref_squeeze %dma_start3A_5 : memref<1x1x40xi32, #tpu.memory_space<hbm>> -> memref<40xi32, #tpu.memory_space<hbm>>
    tpu.enqueue_dma source(%dma_start3A_6 : memref<40xi32, #tpu.memory_space<hbm>>) target(%arg8 : memref<40xi32, #tpu.memory_space<vmem>>) target_semaphore(%arg14 : memref<!tpu.dma_semaphore, #tpu.memory_space<semaphore_mem>>)
    %dma_start3A_7 = arith.constant 0 : i32
    %dma_start3A_8 = arith.constant 0 : i32
    %dma_start3A_9 = tpu.memref_slice %arg4[%add3A, %dma_start3A_7, %dma_start3A_8] : memref<32x250x40xi32, #tpu.memory_space<hbm>> -> memref<1x1x40xi32, #tpu.memory_space<hbm>>
    %dma_start3A_10 = tpu.memref_squeeze %dma_start3A_9 : memref<1x1x40xi32, #tpu.memory_space<hbm>> -> memref<40xi32, #tpu.memory_space<hbm>>
    %dma_start3A_11 = arith.constant 0 : i32
    %dma_start3A_12 = tpu.memref_slice %arg4[%add3A, %dma_start3A_7, %dma_start3A_11] : memref<32x250x40xi32, #tpu.memory_space<hbm>> -> memref<1x1x40xi32, #tpu.memory_space<hbm>>
    %dma_start3A_13 = tpu.memref_squeeze %dma_start3A_12 : memref<1x1x40xi32, #tpu.memory_space<hbm>> -> memref<40xi32, #tpu.memory_space<hbm>>
    tpu.enqueue_dma source(%dma_start3A_13 : memref<40xi32, #tpu.memory_space<hbm>>) target(%arg10 : memref<40xi32, #tpu.memory_space<vmem>>) target_semaphore(%arg16 : memref<!tpu.dma_semaphore, #tpu.memory_space<semaphore_mem>>)
    %dma_start3A_14 = arith.constant 1 : i32
    %dma_start3A_15 = arith.constant 0 : i32
    %dma_start3A_16 = tpu.memref_slice %arg3[%add3A, %dma_start3A_14, %dma_start3A_15] : memref<32x250x40xi32, #tpu.memory_space<hbm>> -> memref<1x1x40xi32, #tpu.memory_space<hbm>>
    %dma_start3A_17 = tpu.memref_squeeze %dma_start3A_16 : memref<1x1x40xi32, #tpu.memory_space<hbm>> -> memref<40xi32, #tpu.memory_space<hbm>>
    %dma_start3A_18 = arith.constant 0 : i32
    %dma_start3A_19 = tpu.memref_slice %arg3[%add3A, %dma_start3A_14, %dma_start3A_18] : memref<32x250x40xi32, #tpu.memory_space<hbm>> -> memref<1x1x40xi32, #tpu.memory_space<hbm>>
    %dma_start3A_20 = tpu.memref_squeeze %dma_start3A_19 : memref<1x1x40xi32, #tpu.memory_space<hbm>> -> memref<40xi32, #tpu.memory_space<hbm>>
    tpu.enqueue_dma source(%dma_start3A_20 : memref<40xi32, #tpu.memory_space<hbm>>) target(%arg9 : memref<40xi32, #tpu.memory_space<vmem>>) target_semaphore(%arg15 : memref<!tpu.dma_semaphore, #tpu.memory_space<semaphore_mem>>)
    %dma_start3A_21 = arith.constant 1 : i32
    %dma_start3A_22 = arith.constant 0 : i32
    %dma_start3A_23 = tpu.memref_slice %arg4[%add3A, %dma_start3A_21, %dma_start3A_22] : memref<32x250x40xi32, #tpu.memory_space<hbm>> -> memref<1x1x40xi32, #tpu.memory_space<hbm>>
    %dma_start3A_24 = tpu.memref_squeeze %dma_start3A_23 : memref<1x1x40xi32, #tpu.memory_space<hbm>> -> memref<40xi32, #tpu.memory_space<hbm>>
    %dma_start3A_25 = arith.constant 0 : i32
    %dma_start3A_26 = tpu.memref_slice %arg4[%add3A, %dma_start3A_21, %dma_start3A_25] : memref<32x250x40xi32, #tpu.memory_space<hbm>> -> memref<1x1x40xi32, #tpu.memory_space<hbm>>
    %dma_start3A_27 = tpu.memref_squeeze %dma_start3A_26 : memref<1x1x40xi32, #tpu.memory_space<hbm>> -> memref<40xi32, #tpu.memory_space<hbm>>
    tpu.enqueue_dma source(%dma_start3A_27 : memref<40xi32, #tpu.memory_space<hbm>>) target(%arg11 : memref<40xi32, #tpu.memory_space<vmem>>) target_semaphore(%arg17 : memref<!tpu.dma_semaphore, #tpu.memory_space<semaphore_mem>>)
    %mul3A_28 = arith.constant 640 : i32
    %mul3A_29 = arith.muli %arg1, %mul3A_28 : i32
    %mul3A_30 = arith.constant 640 : i32
    %mul3A_31 = arith.muli %arg1, %mul3A_30 : i32
    "tpu.region"() ({
      %run_scoped3A = tpu.sem_alloc : memref<!tpu.dma_semaphore, #tpu.memory_space<semaphore_mem>>
      %dma_start3A_81 = arith.constant 0 : i32
      %dma_start3A_82 = tpu.memref_slice %arg7[%mul3A_31, %dma_start3A_81] : memref<10240x128xf32, #tpu.memory_space<vmem_shared>> -> memref<640x128xf32, #tpu.memory_space<vmem_shared>>
      %dma_start3A_83 = arith.constant 0 : i32
      %dma_start3A_84 = tpu.memref_slice %arg5[%mul3A_29, %dma_start3A_83] : memref<10240x128xf32, #tpu.memory_space<hbm>> -> memref<640x128xf32, #tpu.memory_space<hbm>>
      tpu.enqueue_dma source(%dma_start3A_84 : memref<640x128xf32, #tpu.memory_space<hbm>>) target(%dma_start3A_82 : memref<640x128xf32, #tpu.memory_space<vmem_shared>>) target_semaphore(%run_scoped3A : memref<!tpu.dma_semaphore, #tpu.memory_space<semaphore_mem>>)
      %dma_wait3A_85 = arith.constant 0 : i32
      %dma_wait3A_86 = tpu.memref_slice %arg7[%mul3A_31, %dma_wait3A_85] : memref<10240x128xf32, #tpu.memory_space<vmem_shared>> -> memref<640x128xf32, #tpu.memory_space<vmem_shared>>
      %dma_wait3A_87 = arith.constant 0 : i32
      %dma_wait3A_88 = tpu.memref_slice %arg5[%mul3A_29, %dma_wait3A_87] : memref<10240x128xf32, #tpu.memory_space<hbm>> -> memref<640x128xf32, #tpu.memory_space<hbm>>
      tpu.wait_dma2 semaphore(%run_scoped3A : memref<!tpu.dma_semaphore, #tpu.memory_space<semaphore_mem>>) src(%dma_wait3A_88 : memref<640x128xf32, #tpu.memory_space<hbm>>) dst(%dma_wait3A_86 : memref<640x128xf32, #tpu.memory_space<vmem_shared>>)
      tpu.yield
    }) : () -> ()
    %barrier3A = arith.constant 0 : index
    tpu.barrier barrier_id(%barrier3A)
    %dma_wait3A = arith.constant 0 : i32
    %dma_wait3A_32 = arith.constant 0 : i32
    %dma_wait3A_33 = tpu.memref_slice %arg3[%add3A, %dma_wait3A, %dma_wait3A_32] : memref<32x250x40xi32, #tpu.memory_space<hbm>> -> memref<1x1x40xi32, #tpu.memory_space<hbm>>
    %dma_wait3A_34 = tpu.memref_squeeze %dma_wait3A_33 : memref<1x1x40xi32, #tpu.memory_space<hbm>> -> memref<40xi32, #tpu.memory_space<hbm>>
    %dma_wait3A_35 = arith.constant 0 : i32
    %dma_wait3A_36 = tpu.memref_slice %arg3[%add3A, %dma_wait3A, %dma_wait3A_35] : memref<32x250x40xi32, #tpu.memory_space<hbm>> -> memref<1x1x40xi32, #tpu.memory_space<hbm>>
    %dma_wait3A_37 = tpu.memref_squeeze %dma_wait3A_36 : memref<1x1x40xi32, #tpu.memory_space<hbm>> -> memref<40xi32, #tpu.memory_space<hbm>>
    tpu.wait_dma2 semaphore(%arg14 : memref<!tpu.dma_semaphore, #tpu.memory_space<semaphore_mem>>) src(%dma_wait3A_37 : memref<40xi32, #tpu.memory_space<hbm>>) dst(%arg8 : memref<40xi32, #tpu.memory_space<vmem>>)
    %dma_start3A_38 = arith.constant 0 : i32
    %dma_start3A_39 = arith.constant 0 : i32
    %dma_start3A_40 = tpu.memref_slice %arg2[%dma_start3A_38, %dma_start3A_39] : memref<10000x128xf32, #tpu.memory_space<hbm>> -> memref<10000x128xf32, #tpu.memory_space<hbm>>
    tpu.enqueue_indirect_dma source(%dma_start3A_40 : memref<10000x128xf32, #tpu.memory_space<hbm>>) target(%arg12 : memref<40x128xf32, #tpu.memory_space<vmem>>) offsets(%arg8 : memref<40xi32, #tpu.memory_space<vmem>>) semaphore(%arg18 : memref<!tpu.dma_semaphore, #tpu.memory_space<semaphore_mem>>)
    %scan3A = arith.constant 0 : i32
    %scan3A_41 = arith.constant 0 : i32
    %scan3A_42 = arith.constant 124 : i32
    %scan3A_43 = arith.addi %scan3A_41, %scan3A_42 : i32
    %scan3A_44 = arith.constant 1 : i32
    scf.for %scan3A_81 = %scan3A_41 to %scan3A_43 step %scan3A_44  : i32 {
      %mul3A_82 = arith.constant 2 : i32
      %mul3A_83 = arith.muli %mul3A_82, %scan3A_81 : i32
      %add3A_84 = arith.constant 1 : i32
      %add3A_85 = arith.addi %mul3A_83, %add3A_84 : i32
      %dma_wait3A_86 = arith.constant 0 : i32
      %dma_wait3A_87 = tpu.memref_slice %arg3[%add3A, %add3A_85, %dma_wait3A_86] : memref<32x250x40xi32, #tpu.memory_space<hbm>> -> memref<1x1x40xi32, #tpu.memory_space<hbm>>
      %dma_wait3A_88 = tpu.memref_squeeze %dma_wait3A_87 : memref<1x1x40xi32, #tpu.memory_space<hbm>> -> memref<40xi32, #tpu.memory_space<hbm>>
      %dma_wait3A_89 = arith.constant 0 : i32
      %dma_wait3A_90 = tpu.memref_slice %arg3[%add3A, %add3A_85, %dma_wait3A_89] : memref<32x250x40xi32, #tpu.memory_space<hbm>> -> memref<1x1x40xi32, #tpu.memory_space<hbm>>
      %dma_wait3A_91 = tpu.memref_squeeze %dma_wait3A_90 : memref<1x1x40xi32, #tpu.memory_space<hbm>> -> memref<40xi32, #tpu.memory_space<hbm>>
      tpu.wait_dma2 semaphore(%arg15 : memref<!tpu.dma_semaphore, #tpu.memory_space<semaphore_mem>>) src(%dma_wait3A_91 : memref<40xi32, #tpu.memory_space<hbm>>) dst(%arg9 : memref<40xi32, #tpu.memory_space<vmem>>)
      %dma_start3A_92 = arith.constant 0 : i32
      %dma_start3A_93 = arith.constant 0 : i32
      %dma_start3A_94 = tpu.memref_slice %arg2[%dma_start3A_92, %dma_start3A_93] : memref<10000x128xf32, #tpu.memory_space<hbm>> -> memref<10000x128xf32, #tpu.memory_space<hbm>>
      tpu.enqueue_indirect_dma source(%dma_start3A_94 : memref<10000x128xf32, #tpu.memory_space<hbm>>) target(%arg13 : memref<40x128xf32, #tpu.memory_space<vmem>>) offsets(%arg9 : memref<40xi32, #tpu.memory_space<vmem>>) semaphore(%arg19 : memref<!tpu.dma_semaphore, #tpu.memory_space<semaphore_mem>>)
      %dma_wait3A_95 = arith.constant 0 : i32
      %dma_wait3A_96 = arith.constant 0 : i32
      %dma_wait3A_97 = tpu.memref_slice %arg2[%dma_wait3A_95, %dma_wait3A_96] : memref<10000x128xf32, #tpu.memory_space<hbm>> -> memref<10000x128xf32, #tpu.memory_space<hbm>>
      tpu.wait_indirect_dma semaphore(%arg18 : memref<!tpu.dma_semaphore, #tpu.memory_space<semaphore_mem>>) src(%dma_wait3A_97 : memref<10000x128xf32, #tpu.memory_space<hbm>>) dst(%arg12 : memref<40x128xf32, #tpu.memory_space<vmem>>)
      %add3A_98 = arith.constant 2 : i32
      %add3A_99 = arith.addi %mul3A_83, %add3A_98 : i32
      %dma_start3A_100 = arith.constant 0 : i32
      %dma_start3A_101 = tpu.memref_slice %arg3[%add3A, %add3A_99, %dma_start3A_100] : memref<32x250x40xi32, #tpu.memory_space<hbm>> -> memref<1x1x40xi32, #tpu.memory_space<hbm>>
      %dma_start3A_102 = tpu.memref_squeeze %dma_start3A_101 : memref<1x1x40xi32, #tpu.memory_space<hbm>> -> memref<40xi32, #tpu.memory_space<hbm>>
      %dma_start3A_103 = arith.constant 0 : i32
      %dma_start3A_104 = tpu.memref_slice %arg3[%add3A, %add3A_99, %dma_start3A_103] : memref<32x250x40xi32, #tpu.memory_space<hbm>> -> memref<1x1x40xi32, #tpu.memory_space<hbm>>
      %dma_start3A_105 = tpu.memref_squeeze %dma_start3A_104 : memref<1x1x40xi32, #tpu.memory_space<hbm>> -> memref<40xi32, #tpu.memory_space<hbm>>
      tpu.enqueue_dma source(%dma_start3A_105 : memref<40xi32, #tpu.memory_space<hbm>>) target(%arg8 : memref<40xi32, #tpu.memory_space<vmem>>) target_semaphore(%arg14 : memref<!tpu.dma_semaphore, #tpu.memory_space<semaphore_mem>>)
      %dma_wait3A_106 = arith.constant 0 : i32
      %dma_wait3A_107 = tpu.memref_slice %arg4[%add3A, %mul3A_83, %dma_wait3A_106] : memref<32x250x40xi32, #tpu.memory_space<hbm>> -> memref<1x1x40xi32, #tpu.memory_space<hbm>>
      %dma_wait3A_108 = tpu.memref_squeeze %dma_wait3A_107 : memref<1x1x40xi32, #tpu.memory_space<hbm>> -> memref<40xi32, #tpu.memory_space<hbm>>
      %dma_wait3A_109 = arith.constant 0 : i32
      %dma_wait3A_110 = tpu.memref_slice %arg4[%add3A, %mul3A_83, %dma_wait3A_109] : memref<32x250x40xi32, #tpu.memory_space<hbm>> -> memref<1x1x40xi32, #tpu.memory_space<hbm>>
      %dma_wait3A_111 = tpu.memref_squeeze %dma_wait3A_110 : memref<1x1x40xi32, #tpu.memory_space<hbm>> -> memref<40xi32, #tpu.memory_space<hbm>>
      tpu.wait_dma2 semaphore(%arg16 : memref<!tpu.dma_semaphore, #tpu.memory_space<semaphore_mem>>) src(%dma_wait3A_111 : memref<40xi32, #tpu.memory_space<hbm>>) dst(%arg10 : memref<40xi32, #tpu.memory_space<vmem>>)
      "tpu.region"() ({
        %run_scoped3A = tpu.sem_alloc : memref<!tpu.dma_semaphore, #tpu.memory_space<semaphore_mem>>
        %dma_start3A_158 = arith.constant 0 : i32
        %dma_start3A_159 = arith.constant 0 : i32
        %dma_start3A_160 = tpu.memref_slice %arg7[%dma_start3A_158, %dma_start3A_159] : memref<10240x128xf32, #tpu.memory_space<vmem_shared>> -> memref<10240x128xf32, #tpu.memory_space<vmem_shared>>
        tpu.enqueue_indirect_dma source(%arg12 : memref<40x128xf32, #tpu.memory_space<vmem>>) target(%dma_start3A_160 : memref<10240x128xf32, #tpu.memory_space<vmem_shared>>) offsets(%arg10 : memref<40xi32, #tpu.memory_space<vmem>>) semaphore(%run_scoped3A : memref<!tpu.dma_semaphore, #tpu.memory_space<semaphore_mem>>) {add = true}
        %dma_wait3A_161 = arith.constant 0 : i32
        %dma_wait3A_162 = arith.constant 0 : i32
        %dma_wait3A_163 = tpu.memref_slice %arg7[%dma_wait3A_161, %dma_wait3A_162] : memref<10240x128xf32, #tpu.memory_space<vmem_shared>> -> memref<10240x128xf32, #tpu.memory_space<vmem_shared>>
        tpu.wait_indirect_dma semaphore(%run_scoped3A : memref<!tpu.dma_semaphore, #tpu.memory_space<semaphore_mem>>) src(%arg12 : memref<40x128xf32, #tpu.memory_space<vmem>>) dst(%dma_wait3A_163 : memref<10240x128xf32, #tpu.memory_space<vmem_shared>>)
        tpu.yield
      }) : () -> ()
      %add3A_112 = arith.constant 2 : i32
      %add3A_113 = arith.addi %mul3A_83, %add3A_112 : i32
      %dma_start3A_114 = arith.constant 0 : i32
      %dma_start3A_115 = tpu.memref_slice %arg4[%add3A, %add3A_113, %dma_start3A_114] : memref<32x250x40xi32, #tpu.memory_space<hbm>> -> memref<1x1x40xi32, #tpu.memory_space<hbm>>
      %dma_start3A_116 = tpu.memref_squeeze %dma_start3A_115 : memref<1x1x40xi32, #tpu.memory_space<hbm>> -> memref<40xi32, #tpu.memory_space<hbm>>
      %dma_start3A_117 = arith.constant 0 : i32
      %dma_start3A_118 = tpu.memref_slice %arg4[%add3A, %add3A_113, %dma_start3A_117] : memref<32x250x40xi32, #tpu.memory_space<hbm>> -> memref<1x1x40xi32, #tpu.memory_space<hbm>>
      %dma_start3A_119 = tpu.memref_squeeze %dma_start3A_118 : memref<1x1x40xi32, #tpu.memory_space<hbm>> -> memref<40xi32, #tpu.memory_space<hbm>>
      tpu.enqueue_dma source(%dma_start3A_119 : memref<40xi32, #tpu.memory_space<hbm>>) target(%arg10 : memref<40xi32, #tpu.memory_space<vmem>>) target_semaphore(%arg16 : memref<!tpu.dma_semaphore, #tpu.memory_space<semaphore_mem>>)
      %add3A_120 = arith.constant 2 : i32
      %add3A_121 = arith.addi %mul3A_83, %add3A_120 : i32
      %dma_wait3A_122 = arith.constant 0 : i32
      %dma_wait3A_123 = tpu.memref_slice %arg3[%add3A, %add3A_121, %dma_wait3A_122] : memref<32x250x40xi32, #tpu.memory_space<hbm>> -> memref<1x1x40xi32, #tpu.memory_space<hbm>>
      %dma_wait3A_124 = tpu.memref_squeeze %dma_wait3A_123 : memref<1x1x40xi32, #tpu.memory_space<hbm>> -> memref<40xi32, #tpu.memory_space<hbm>>
      %dma_wait3A_125 = arith.constant 0 : i32
      %dma_wait3A_126 = tpu.memref_slice %arg3[%add3A, %add3A_121, %dma_wait3A_125] : memref<32x250x40xi32, #tpu.memory_space<hbm>> -> memref<1x1x40xi32, #tpu.memory_space<hbm>>
      %dma_wait3A_127 = tpu.memref_squeeze %dma_wait3A_126 : memref<1x1x40xi32, #tpu.memory_space<hbm>> -> memref<40xi32, #tpu.memory_space<hbm>>
      tpu.wait_dma2 semaphore(%arg14 : memref<!tpu.dma_semaphore, #tpu.memory_space<semaphore_mem>>) src(%dma_wait3A_127 : memref<40xi32, #tpu.memory_space<hbm>>) dst(%arg8 : memref<40xi32, #tpu.memory_space<vmem>>)
      %dma_start3A_128 = arith.constant 0 : i32
      %dma_start3A_129 = arith.constant 0 : i32
      %dma_start3A_130 = tpu.memref_slice %arg2[%dma_start3A_128, %dma_start3A_129] : memref<10000x128xf32, #tpu.memory_space<hbm>> -> memref<10000x128xf32, #tpu.memory_space<hbm>>
      tpu.enqueue_indirect_dma source(%dma_start3A_130 : memref<10000x128xf32, #tpu.memory_space<hbm>>) target(%arg12 : memref<40x128xf32, #tpu.memory_space<vmem>>) offsets(%arg8 : memref<40xi32, #tpu.memory_space<vmem>>) semaphore(%arg18 : memref<!tpu.dma_semaphore, #tpu.memory_space<semaphore_mem>>)
      %dma_wait3A_131 = arith.constant 0 : i32
      %dma_wait3A_132 = arith.constant 0 : i32
      %dma_wait3A_133 = tpu.memref_slice %arg2[%dma_wait3A_131, %dma_wait3A_132] : memref<10000x128xf32, #tpu.memory_space<hbm>> -> memref<10000x128xf32, #tpu.memory_space<hbm>>
      tpu.wait_indirect_dma semaphore(%arg19 : memref<!tpu.dma_semaphore, #tpu.memory_space<semaphore_mem>>) src(%dma_wait3A_133 : memref<10000x128xf32, #tpu.memory_space<hbm>>) dst(%arg13 : memref<40x128xf32, #tpu.memory_space<vmem>>)
      %add3A_134 = arith.constant 3 : i32
      %add3A_135 = arith.addi %mul3A_83, %add3A_134 : i32
      %dma_start3A_136 = arith.constant 0 : i32
      %dma_start3A_137 = tpu.memref_slice %arg3[%add3A, %add3A_135, %dma_start3A_136] : memref<32x250x40xi32, #tpu.memory_space<hbm>> -> memref<1x1x40xi32, #tpu.memory_space<hbm>>
      %dma_start3A_138 = tpu.memref_squeeze %dma_start3A_137 : memref<1x1x40xi32, #tpu.memory_space<hbm>> -> memref<40xi32, #tpu.memory_space<hbm>>
      %dma_start3A_139 = arith.constant 0 : i32
      %dma_start3A_140 = tpu.memref_slice %arg3[%add3A, %add3A_135, %dma_start3A_139] : memref<32x250x40xi32, #tpu.memory_space<hbm>> -> memref<1x1x40xi32, #tpu.memory_space<hbm>>
      %dma_start3A_141 = tpu.memref_squeeze %dma_start3A_140 : memref<1x1x40xi32, #tpu.memory_space<hbm>> -> memref<40xi32, #tpu.memory_space<hbm>>
      tpu.enqueue_dma source(%dma_start3A_141 : memref<40xi32, #tpu.memory_space<hbm>>) target(%arg9 : memref<40xi32, #tpu.memory_space<vmem>>) target_semaphore(%arg15 : memref<!tpu.dma_semaphore, #tpu.memory_space<semaphore_mem>>)
      %add3A_142 = arith.constant 1 : i32
      %add3A_143 = arith.addi %mul3A_83, %add3A_142 : i32
      %dma_wait3A_144 = arith.constant 0 : i32
      %dma_wait3A_145 = tpu.memref_slice %arg4[%add3A, %add3A_143, %dma_wait3A_144] : memref<32x250x40xi32, #tpu.memory_space<hbm>> -> memref<1x1x40xi32, #tpu.memory_space<hbm>>
      %dma_wait3A_146 = tpu.memref_squeeze %dma_wait3A_145 : memref<1x1x40xi32, #tpu.memory_space<hbm>> -> memref<40xi32, #tpu.memory_space<hbm>>
      %dma_wait3A_147 = arith.constant 0 : i32
      %dma_wait3A_148 = tpu.memref_slice %arg4[%add3A, %add3A_143, %dma_wait3A_147] : memref<32x250x40xi32, #tpu.memory_space<hbm>> -> memref<1x1x40xi32, #tpu.memory_space<hbm>>
      %dma_wait3A_149 = tpu.memref_squeeze %dma_wait3A_148 : memref<1x1x40xi32, #tpu.memory_space<hbm>> -> memref<40xi32, #tpu.memory_space<hbm>>
      tpu.wait_dma2 semaphore(%arg17 : memref<!tpu.dma_semaphore, #tpu.memory_space<semaphore_mem>>) src(%dma_wait3A_149 : memref<40xi32, #tpu.memory_space<hbm>>) dst(%arg11 : memref<40xi32, #tpu.memory_space<vmem>>)
      "tpu.region"() ({
        %run_scoped3A = tpu.sem_alloc : memref<!tpu.dma_semaphore, #tpu.memory_space<semaphore_mem>>
        %dma_start3A_158 = arith.constant 0 : i32
        %dma_start3A_159 = arith.constant 0 : i32
        %dma_start3A_160 = tpu.memref_slice %arg7[%dma_start3A_158, %dma_start3A_159] : memref<10240x128xf32, #tpu.memory_space<vmem_shared>> -> memref<10240x128xf32, #tpu.memory_space<vmem_shared>>
        tpu.enqueue_indirect_dma source(%arg13 : memref<40x128xf32, #tpu.memory_space<vmem>>) target(%dma_start3A_160 : memref<10240x128xf32, #tpu.memory_space<vmem_shared>>) offsets(%arg11 : memref<40xi32, #tpu.memory_space<vmem>>) semaphore(%run_scoped3A : memref<!tpu.dma_semaphore, #tpu.memory_space<semaphore_mem>>) {add = true}
        %dma_wait3A_161 = arith.constant 0 : i32
        %dma_wait3A_162 = arith.constant 0 : i32
        %dma_wait3A_163 = tpu.memref_slice %arg7[%dma_wait3A_161, %dma_wait3A_162] : memref<10240x128xf32, #tpu.memory_space<vmem_shared>> -> memref<10240x128xf32, #tpu.memory_space<vmem_shared>>
        tpu.wait_indirect_dma semaphore(%run_scoped3A : memref<!tpu.dma_semaphore, #tpu.memory_space<semaphore_mem>>) src(%arg13 : memref<40x128xf32, #tpu.memory_space<vmem>>) dst(%dma_wait3A_163 : memref<10240x128xf32, #tpu.memory_space<vmem_shared>>)
        tpu.yield
      }) : () -> ()
      %add3A_150 = arith.constant 3 : i32
      %add3A_151 = arith.addi %mul3A_83, %add3A_150 : i32
      %dma_start3A_152 = arith.constant 0 : i32
      %dma_start3A_153 = tpu.memref_slice %arg4[%add3A, %add3A_151, %dma_start3A_152] : memref<32x250x40xi32, #tpu.memory_space<hbm>> -> memref<1x1x40xi32, #tpu.memory_space<hbm>>
      %dma_start3A_154 = tpu.memref_squeeze %dma_start3A_153 : memref<1x1x40xi32, #tpu.memory_space<hbm>> -> memref<40xi32, #tpu.memory_space<hbm>>
      %dma_start3A_155 = arith.constant 0 : i32
      %dma_start3A_156 = tpu.memref_slice %arg4[%add3A, %add3A_151, %dma_start3A_155] : memref<32x250x40xi32, #tpu.memory_space<hbm>> -> memref<1x1x40xi32, #tpu.memory_space<hbm>>
      %dma_start3A_157 = tpu.memref_squeeze %dma_start3A_156 : memref<1x1x40xi32, #tpu.memory_space<hbm>> -> memref<40xi32, #tpu.memory_space<hbm>>
      tpu.enqueue_dma source(%dma_start3A_157 : memref<40xi32, #tpu.memory_space<hbm>>) target(%arg11 : memref<40xi32, #tpu.memory_space<vmem>>) target_semaphore(%arg17 : memref<!tpu.dma_semaphore, #tpu.memory_space<semaphore_mem>>)
    }
    %scan3A_45 = arith.constant 124 : i32
    %dma_wait3A_46 = arith.constant 249 : i32
    %dma_wait3A_47 = arith.constant 0 : i32
    %dma_wait3A_48 = tpu.memref_slice %arg3[%add3A, %dma_wait3A_46, %dma_wait3A_47] : memref<32x250x40xi32, #tpu.memory_space<hbm>> -> memref<1x1x40xi32, #tpu.memory_space<hbm>>
    %dma_wait3A_49 = tpu.memref_squeeze %dma_wait3A_48 : memref<1x1x40xi32, #tpu.memory_space<hbm>> -> memref<40xi32, #tpu.memory_space<hbm>>
    %dma_wait3A_50 = arith.constant 0 : i32
    %dma_wait3A_51 = tpu.memref_slice %arg3[%add3A, %dma_wait3A_46, %dma_wait3A_50] : memref<32x250x40xi32, #tpu.memory_space<hbm>> -> memref<1x1x40xi32, #tpu.memory_space<hbm>>
    %dma_wait3A_52 = tpu.memref_squeeze %dma_wait3A_51 : memref<1x1x40xi32, #tpu.memory_space<hbm>> -> memref<40xi32, #tpu.memory_space<hbm>>
    tpu.wait_dma2 semaphore(%arg15 : memref<!tpu.dma_semaphore, #tpu.memory_space<semaphore_mem>>) src(%dma_wait3A_52 : memref<40xi32, #tpu.memory_space<hbm>>) dst(%arg9 : memref<40xi32, #tpu.memory_space<vmem>>)
    %dma_start3A_53 = arith.constant 0 : i32
    %dma_start3A_54 = arith.constant 0 : i32
    %dma_start3A_55 = tpu.memref_slice %arg2[%dma_start3A_53, %dma_start3A_54] : memref<10000x128xf32, #tpu.memory_space<hbm>> -> memref<10000x128xf32, #tpu.memory_space<hbm>>
    tpu.enqueue_indirect_dma source(%dma_start3A_55 : memref<10000x128xf32, #tpu.memory_space<hbm>>) target(%arg13 : memref<40x128xf32, #tpu.memory_space<vmem>>) offsets(%arg9 : memref<40xi32, #tpu.memory_space<vmem>>) semaphore(%arg19 : memref<!tpu.dma_semaphore, #tpu.memory_space<semaphore_mem>>)
    %dma_wait3A_56 = arith.constant 0 : i32
    %dma_wait3A_57 = arith.constant 0 : i32
    %dma_wait3A_58 = tpu.memref_slice %arg2[%dma_wait3A_56, %dma_wait3A_57] : memref<10000x128xf32, #tpu.memory_space<hbm>> -> memref<10000x128xf32, #tpu.memory_space<hbm>>
    tpu.wait_indirect_dma semaphore(%arg18 : memref<!tpu.dma_semaphore, #tpu.memory_space<semaphore_mem>>) src(%dma_wait3A_58 : memref<10000x128xf32, #tpu.memory_space<hbm>>) dst(%arg12 : memref<40x128xf32, #tpu.memory_space<vmem>>)
    %dma_wait3A_59 = arith.constant 248 : i32
    %dma_wait3A_60 = arith.constant 0 : i32
    %dma_wait3A_61 = tpu.memref_slice %arg4[%add3A, %dma_wait3A_59, %dma_wait3A_60] : memref<32x250x40xi32, #tpu.memory_space<hbm>> -> memref<1x1x40xi32, #tpu.memory_space<hbm>>
    %dma_wait3A_62 = tpu.memref_squeeze %dma_wait3A_61 : memref<1x1x40xi32, #tpu.memory_space<hbm>> -> memref<40xi32, #tpu.memory_space<hbm>>
    %dma_wait3A_63 = arith.constant 0 : i32
    %dma_wait3A_64 = tpu.memref_slice %arg4[%add3A, %dma_wait3A_59, %dma_wait3A_63] : memref<32x250x40xi32, #tpu.memory_space<hbm>> -> memref<1x1x40xi32, #tpu.memory_space<hbm>>
    %dma_wait3A_65 = tpu.memref_squeeze %dma_wait3A_64 : memref<1x1x40xi32, #tpu.memory_space<hbm>> -> memref<40xi32, #tpu.memory_space<hbm>>
    tpu.wait_dma2 semaphore(%arg16 : memref<!tpu.dma_semaphore, #tpu.memory_space<semaphore_mem>>) src(%dma_wait3A_65 : memref<40xi32, #tpu.memory_space<hbm>>) dst(%arg10 : memref<40xi32, #tpu.memory_space<vmem>>)
    "tpu.region"() ({
      %run_scoped3A = tpu.sem_alloc : memref<!tpu.dma_semaphore, #tpu.memory_space<semaphore_mem>>
      %dma_start3A_81 = arith.constant 0 : i32
      %dma_start3A_82 = arith.constant 0 : i32
      %dma_start3A_83 = tpu.memref_slice %arg7[%dma_start3A_81, %dma_start3A_82] : memref<10240x128xf32, #tpu.memory_space<vmem_shared>> -> memref<10240x128xf32, #tpu.memory_space<vmem_shared>>
      tpu.enqueue_indirect_dma source(%arg12 : memref<40x128xf32, #tpu.memory_space<vmem>>) target(%dma_start3A_83 : memref<10240x128xf32, #tpu.memory_space<vmem_shared>>) offsets(%arg10 : memref<40xi32, #tpu.memory_space<vmem>>) semaphore(%run_scoped3A : memref<!tpu.dma_semaphore, #tpu.memory_space<semaphore_mem>>) {add = true}
      %dma_wait3A_84 = arith.constant 0 : i32
      %dma_wait3A_85 = arith.constant 0 : i32
      %dma_wait3A_86 = tpu.memref_slice %arg7[%dma_wait3A_84, %dma_wait3A_85] : memref<10240x128xf32, #tpu.memory_space<vmem_shared>> -> memref<10240x128xf32, #tpu.memory_space<vmem_shared>>
      tpu.wait_indirect_dma semaphore(%run_scoped3A : memref<!tpu.dma_semaphore, #tpu.memory_space<semaphore_mem>>) src(%arg12 : memref<40x128xf32, #tpu.memory_space<vmem>>) dst(%dma_wait3A_86 : memref<10240x128xf32, #tpu.memory_space<vmem_shared>>)
      tpu.yield
    }) : () -> ()
    %dma_wait3A_66 = arith.constant 0 : i32
    %dma_wait3A_67 = arith.constant 0 : i32
    %dma_wait3A_68 = tpu.memref_slice %arg2[%dma_wait3A_66, %dma_wait3A_67] : memref<10000x128xf32, #tpu.memory_space<hbm>> -> memref<10000x128xf32, #tpu.memory_space<hbm>>
    tpu.wait_indirect_dma semaphore(%arg19 : memref<!tpu.dma_semaphore, #tpu.memory_space<semaphore_mem>>) src(%dma_wait3A_68 : memref<10000x128xf32, #tpu.memory_space<hbm>>) dst(%arg13 : memref<40x128xf32, #tpu.memory_space<vmem>>)
    %dma_wait3A_69 = arith.constant 249 : i32
    %dma_wait3A_70 = arith.constant 0 : i32
    %dma_wait3A_71 = tpu.memref_slice %arg4[%add3A, %dma_wait3A_69, %dma_wait3A_70] : memref<32x250x40xi32, #tpu.memory_space<hbm>> -> memref<1x1x40xi32, #tpu.memory_space<hbm>>
    %dma_wait3A_72 = tpu.memref_squeeze %dma_wait3A_71 : memref<1x1x40xi32, #tpu.memory_space<hbm>> -> memref<40xi32, #tpu.memory_space<hbm>>
    %dma_wait3A_73 = arith.constant 0 : i32
    %dma_wait3A_74 = tpu.memref_slice %arg4[%add3A, %dma_wait3A_69, %dma_wait3A_73] : memref<32x250x40xi32, #tpu.memory_space<hbm>> -> memref<1x1x40xi32, #tpu.memory_space<hbm>>
    %dma_wait3A_75 = tpu.memref_squeeze %dma_wait3A_74 : memref<1x1x40xi32, #tpu.memory_space<hbm>> -> memref<40xi32, #tpu.memory_space<hbm>>
    tpu.wait_dma2 semaphore(%arg17 : memref<!tpu.dma_semaphore, #tpu.memory_space<semaphore_mem>>) src(%dma_wait3A_75 : memref<40xi32, #tpu.memory_space<hbm>>) dst(%arg11 : memref<40xi32, #tpu.memory_space<vmem>>)
    "tpu.region"() ({
      %run_scoped3A = tpu.sem_alloc : memref<!tpu.dma_semaphore, #tpu.memory_space<semaphore_mem>>
      %dma_start3A_81 = arith.constant 0 : i32
      %dma_start3A_82 = arith.constant 0 : i32
      %dma_start3A_83 = tpu.memref_slice %arg7[%dma_start3A_81, %dma_start3A_82] : memref<10240x128xf32, #tpu.memory_space<vmem_shared>> -> memref<10240x128xf32, #tpu.memory_space<vmem_shared>>
      tpu.enqueue_indirect_dma source(%arg13 : memref<40x128xf32, #tpu.memory_space<vmem>>) target(%dma_start3A_83 : memref<10240x128xf32, #tpu.memory_space<vmem_shared>>) offsets(%arg11 : memref<40xi32, #tpu.memory_space<vmem>>) semaphore(%run_scoped3A : memref<!tpu.dma_semaphore, #tpu.memory_space<semaphore_mem>>) {add = true}
      %dma_wait3A_84 = arith.constant 0 : i32
      %dma_wait3A_85 = arith.constant 0 : i32
      %dma_wait3A_86 = tpu.memref_slice %arg7[%dma_wait3A_84, %dma_wait3A_85] : memref<10240x128xf32, #tpu.memory_space<vmem_shared>> -> memref<10240x128xf32, #tpu.memory_space<vmem_shared>>
      tpu.wait_indirect_dma semaphore(%run_scoped3A : memref<!tpu.dma_semaphore, #tpu.memory_space<semaphore_mem>>) src(%arg13 : memref<40x128xf32, #tpu.memory_space<vmem>>) dst(%dma_wait3A_86 : memref<10240x128xf32, #tpu.memory_space<vmem_shared>>)
      tpu.yield
    }) : () -> ()
    %barrier3A_76 = arith.constant 0 : index
    tpu.barrier barrier_id(%barrier3A_76)
    %mul3A_77 = arith.constant 640 : i32
    %mul3A_78 = arith.muli %arg1, %mul3A_77 : i32
    %mul3A_79 = arith.constant 640 : i32
    %mul3A_80 = arith.muli %arg1, %mul3A_79 : i32
    "tpu.region"() ({
      %run_scoped3A = tpu.sem_alloc : memref<!tpu.dma_semaphore, #tpu.memory_space<semaphore_mem>>
      %dma_start3A_81 = arith.constant 0 : i32
      %dma_start3A_82 = arith.constant 0 : i32
      %dma_start3A_83 = tpu.memref_slice %arg6[%arg0, %dma_start3A_81, %dma_start3A_82] : memref<2x10240x128xf32, #tpu.memory_space<hbm>> -> memref<1x10240x128xf32, #tpu.memory_space<hbm>>
      %dma_start3A_84 = tpu.memref_squeeze %dma_start3A_83 : memref<1x10240x128xf32, #tpu.memory_space<hbm>> -> memref<10240x128xf32, #tpu.memory_space<hbm>>
      %dma_start3A_85 = arith.constant 0 : i32
      %dma_start3A_86 = tpu.memref_slice %dma_start3A_84[%mul3A_80, %dma_start3A_85] : memref<10240x128xf32, #tpu.memory_space<hbm>> -> memref<640x128xf32, #tpu.memory_space<hbm>>
      %dma_start3A_87 = arith.constant 0 : i32
      %dma_start3A_88 = tpu.memref_slice %arg7[%mul3A_78, %dma_start3A_87] : memref<10240x128xf32, #tpu.memory_space<vmem_shared>> -> memref<640x128xf32, #tpu.memory_space<vmem_shared>>
      tpu.enqueue_dma source(%dma_start3A_88 : memref<640x128xf32, #tpu.memory_space<vmem_shared>>) target(%dma_start3A_86 : memref<640x128xf32, #tpu.memory_space<hbm>>) target_semaphore(%run_scoped3A : memref<!tpu.dma_semaphore, #tpu.memory_space<semaphore_mem>>)
      %dma_wait3A_89 = arith.constant 0 : i32
      %dma_wait3A_90 = arith.constant 0 : i32
      %dma_wait3A_91 = tpu.memref_slice %arg6[%arg0, %dma_wait3A_89, %dma_wait3A_90] : memref<2x10240x128xf32, #tpu.memory_space<hbm>> -> memref<1x10240x128xf32, #tpu.memory_space<hbm>>
      %dma_wait3A_92 = tpu.memref_squeeze %dma_wait3A_91 : memref<1x10240x128xf32, #tpu.memory_space<hbm>> -> memref<10240x128xf32, #tpu.memory_space<hbm>>
      %dma_wait3A_93 = arith.constant 0 : i32
      %dma_wait3A_94 = tpu.memref_slice %dma_wait3A_92[%mul3A_80, %dma_wait3A_93] : memref<10240x128xf32, #tpu.memory_space<hbm>> -> memref<640x128xf32, #tpu.memory_space<hbm>>
      %dma_wait3A_95 = arith.constant 0 : i32
      %dma_wait3A_96 = tpu.memref_slice %arg7[%mul3A_78, %dma_wait3A_95] : memref<10240x128xf32, #tpu.memory_space<vmem_shared>> -> memref<640x128xf32, #tpu.memory_space<vmem_shared>>
      tpu.wait_dma2 semaphore(%run_scoped3A : memref<!tpu.dma_semaphore, #tpu.memory_space<semaphore_mem>>) src(%dma_wait3A_96 : memref<640x128xf32, #tpu.memory_space<vmem_shared>>) dst(%dma_wait3A_94 : memref<640x128xf32, #tpu.memory_space<hbm>>)
      tpu.yield
    }) : () -> ()
    return
  }
}

module attributes {stable_mosaic.version = 14 : i64} {
  func.func @_tc_mm_body(%arg0: i32, %arg1: memref<1000x128xf32, #tpu.memory_space<vmem>>, %arg2: memref<128x128xf32, #tpu.memory_space<vmem>>, %arg3: memref<1000x128xf32, #tpu.memory_space<vmem>>) attributes {dimension_semantics = [#tpu.dimension_semantics<arbitrary>], iteration_bounds = array<i64: 10>, scalar_prefetch = 0 : i64, scratch_operands = 0 : i64, tpu.core_type = #tpu.core_type<tc>, window_params = [{transform_indices = @transform_0, window_bounds = array<i64: 1000, 128>}, {pipeline_mode = #tpu.pipeline_mode<synchronous>, transform_indices = @transform_1, window_bounds = array<i64: 128, 128>}, {transform_indices = @transform_2, window_bounds = array<i64: 1000, 128>}]} {
    %get3A = arith.constant 0 : index
    %get3A_0 = arith.constant 0 : index
    %get3A_1 = vector.load %arg1[%get3A, %get3A_0] : memref<1000x128xf32, #tpu.memory_space<vmem>>, vector<1000x128xf32>
    %get3A_2 = arith.constant 0 : index
    %get3A_3 = arith.constant 0 : index
    %get3A_4 = vector.load %arg2[%get3A_2, %get3A_3] : memref<128x128xf32, #tpu.memory_space<vmem>>, vector<128x128xf32>
    %dot_general3A = arith.constant dense<0.000000e+00> : vector<1000x128xf32>
    %dot_general3A_5 = tpu.matmul %get3A_1, %get3A_4, %dot_general3A {dimension_numbers = #tpu.dot_dimension_numbers<[1], [0], [0], [1], [0, 0, 1, 1], [], []>, transpose_lhs_hint = false} : vector<1000x128xf32>, vector<128x128xf32>, vector<1000x128xf32> -> vector<1000x128xf32>
    %swap3A = arith.constant 0 : index
    %swap3A_6 = arith.constant 0 : index
    %swap3A_7 = vector.load %arg3[%swap3A, %swap3A_6] : memref<1000x128xf32, #tpu.memory_space<vmem>>, vector<1000x128xf32>
    tpu.vector_store %arg3[%swap3A, %swap3A_6], %dot_general3A_5 {strides = array<i32>} : memref<1000x128xf32, #tpu.memory_space<vmem>>, vector<1000x128xf32>,
    return
  }
  func.func @transform_0(%arg0: i32) -> (i32, i32) {
    %c0_i32 = arith.constant 0 : i32
    %c0_i32_0 = arith.constant 0 : i32
    return %arg0, %c0_i32 : i32, i32
  }
  func.func @transform_1(%arg0: i32) -> (i32, i32) {
    %c0_i32 = arith.constant 0 : i32
    %c0_i32_0 = arith.constant 0 : i32
    %c0_i32_1 = arith.constant 0 : i32
    return %c0_i32, %c0_i32_0 : i32, i32
  }
  func.func @transform_2(%arg0: i32) -> (i32, i32) {
    %c0_i32 = arith.constant 0 : i32
    %c0_i32_0 = arith.constant 0 : i32
    return %arg0, %c0_i32 : i32, i32
  }
}

module attributes {stable_mosaic.version = 14 : i64} {
  func.func @_tc0_body(%arg0: i32, %arg1: memref<2x1000x128xf32, #tpu.memory_space<vmem>>, %arg2: memref<1000x128xf32, #tpu.memory_space<vmem>>, %arg3: memref<1000x1xf32, #tpu.memory_space<vmem>>, %arg4: memref<1000x128xf32, #tpu.memory_space<vmem>>) attributes {dimension_semantics = [#tpu.dimension_semantics<arbitrary>], iteration_bounds = array<i64: 10>, scalar_prefetch = 0 : i64, scratch_operands = 0 : i64, tpu.core_type = #tpu.core_type<tc>, window_params = [{transform_indices = @transform_0, window_bounds = array<i64: 2, 1000, 128>}, {transform_indices = @transform_1, window_bounds = array<i64: 1000, 128>}, {transform_indices = @transform_2, window_bounds = array<i64: 1000, 1>}, {transform_indices = @transform_3, window_bounds = array<i64: 1000, 128>}]} {
    %get3A = arith.constant 0 : index
    %get3A_0 = arith.constant 0 : index
    %get3A_1 = arith.constant 0 : index
    %get3A_2 = vector.load %arg1[%get3A, %get3A_0, %get3A_1] : memref<2x1000x128xf32, #tpu.memory_space<vmem>>, vector<1x1000x1xf32>
    %get3A_3 = vector.shape_cast %get3A_2 : vector<1x1000x1xf32> to vector<1000x1xf32>
    %get3A_4 = arith.constant 1 : index
    %get3A_5 = arith.constant 0 : index
    %get3A_6 = arith.constant 0 : index
    %get3A_7 = vector.load %arg1[%get3A_4, %get3A_5, %get3A_6] : memref<2x1000x128xf32, #tpu.memory_space<vmem>>, vector<1x1000x1xf32>
    %get3A_8 = vector.shape_cast %get3A_7 : vector<1x1000x1xf32> to vector<1000x1xf32>
    %add3A = arith.addf %get3A_3, %get3A_8 : vector<1000x1xf32>
    %add3A_9 = arith.constant 1.000000e+00 : f32
    %add3A_10 = vector.broadcast %add3A_9 : f32 to vector<1000x1xf32>
    %add3A_11 = arith.addf %add3A, %add3A_10 : vector<1000x1xf32>
    %rsqrt3A = math.rsqrt %add3A_11 : vector<1000x1xf32>
    %swap3A = arith.constant 0 : index
    %swap3A_12 = arith.constant 0 : index
    %swap3A_13 = vector.load %arg3[%swap3A, %swap3A_12] : memref<1000x1xf32, #tpu.memory_space<vmem>>, vector<1000x1xf32>
    tpu.vector_store %arg3[%swap3A, %swap3A_12], %rsqrt3A {strides = array<i32>} : memref<1000x1xf32, #tpu.memory_space<vmem>>, vector<1000x1xf32>,
    %get3A_14 = arith.constant 0 : index
    %get3A_15 = arith.constant 0 : index
    %get3A_16 = vector.load %arg2[%get3A_14, %get3A_15] : memref<1000x128xf32, #tpu.memory_space<vmem>>, vector<1000x128xf32>
    %mul3A = vector.broadcast %rsqrt3A : vector<1000x1xf32> to vector<1000x128xf32>
    %mul3A_17 = arith.mulf %mul3A, %get3A_16 : vector<1000x128xf32>
    %swap3A_18 = arith.constant 0 : index
    %swap3A_19 = arith.constant 0 : index
    %swap3A_20 = vector.load %arg4[%swap3A_18, %swap3A_19] : memref<1000x128xf32, #tpu.memory_space<vmem>>, vector<1000x128xf32>
    tpu.vector_store %arg4[%swap3A_18, %swap3A_19], %mul3A_17 {strides = array<i32>} : memref<1000x128xf32, #tpu.memory_space<vmem>>, vector<1000x128xf32>,
    return
  }
  func.func @transform_0(%arg0: i32) -> (i32, i32, i32) {
    %c0_i32 = arith.constant 0 : i32
    %c0_i32_0 = arith.constant 0 : i32
    %c0_i32_1 = arith.constant 0 : i32
    return %c0_i32, %arg0, %c0_i32_0 : i32, i32, i32
  }
  func.func @transform_1(%arg0: i32) -> (i32, i32) {
    %c0_i32 = arith.constant 0 : i32
    %c0_i32_0 = arith.constant 0 : i32
    return %arg0, %c0_i32 : i32, i32
  }
  func.func @transform_2(%arg0: i32) -> (i32, i32) {
    %c0_i32 = arith.constant 0 : i32
    %c0_i32_0 = arith.constant 0 : i32
    return %arg0, %c0_i32 : i32, i32
  }
  func.func @transform_3(%arg0: i32) -> (i32, i32) {
    %c0_i32 = arith.constant 0 : i32
    %c0_i32_0 = arith.constant 0 : i32
    return %arg0, %c0_i32 : i32, i32
  }
}

module attributes {stable_mosaic.version = 14 : i64} {
  func.func @_tc_mid_body(%arg0: i32, %arg1: memref<2x1000x128xf32, #tpu.memory_space<vmem>>, %arg2: memref<1000x128xf32, #tpu.memory_space<vmem>>, %arg3: memref<1000x1xf32, #tpu.memory_space<vmem>>, %arg4: memref<1x128xf32, #tpu.memory_space<vmem>>, %arg5: memref<128x128xf32, #tpu.memory_space<vmem>>, %arg6: memref<1000x128xf32, #tpu.memory_space<vmem>>) attributes {dimension_semantics = [#tpu.dimension_semantics<arbitrary>], iteration_bounds = array<i64: 10>, scalar_prefetch = 0 : i64, scratch_operands = 0 : i64, tpu.core_type = #tpu.core_type<tc>, window_params = [{transform_indices = @transform_0, window_bounds = array<i64: 2, 1000, 128>}, {transform_indices = @transform_1, window_bounds = array<i64: 1000, 128>}, {transform_indices = @transform_2, window_bounds = array<i64: 1000, 1>}, {pipeline_mode = #tpu.pipeline_mode<synchronous>, transform_indices = @transform_3, window_bounds = array<i64: 1, 128>}, {pipeline_mode = #tpu.pipeline_mode<synchronous>, transform_indices = @transform_4, window_bounds = array<i64: 128, 128>}, {transform_indices = @transform_5, window_bounds = array<i64: 1000, 128>}]} {
    %get3A = arith.constant 0 : index
    %get3A_0 = arith.constant 0 : index
    %get3A_1 = vector.load %arg3[%get3A, %get3A_0] : memref<1000x1xf32, #tpu.memory_space<vmem>>, vector<1000x1xf32>
    %get3A_2 = arith.constant 0 : index
    %get3A_3 = arith.constant 0 : index
    %get3A_4 = arith.constant 0 : index
    %get3A_5 = vector.load %arg1[%get3A_2, %get3A_3, %get3A_4] : memref<2x1000x128xf32, #tpu.memory_space<vmem>>, vector<1x1000x128xf32>
    %get3A_6 = vector.shape_cast %get3A_5 : vector<1x1000x128xf32> to vector<1000x128xf32>
    %get3A_7 = arith.constant 1 : index
    %get3A_8 = arith.constant 0 : index
    %get3A_9 = arith.constant 0 : index
    %get3A_10 = vector.load %arg1[%get3A_7, %get3A_8, %get3A_9] : memref<2x1000x128xf32, #tpu.memory_space<vmem>>, vector<1x1000x128xf32>
    %get3A_11 = vector.shape_cast %get3A_10 : vector<1x1000x128xf32> to vector<1000x128xf32>
    %add3A = arith.addf %get3A_6, %get3A_11 : vector<1000x128xf32>
    %get3A_12 = arith.constant 0 : index
    %get3A_13 = arith.constant 0 : index
    %get3A_14 = vector.load %arg2[%get3A_12, %get3A_13] : memref<1000x128xf32, #tpu.memory_space<vmem>>, vector<1000x128xf32>
    %add3A_15 = arith.addf %add3A, %get3A_14 : vector<1000x128xf32>
    %mul3A = vector.broadcast %get3A_1 : vector<1000x1xf32> to vector<1000x128xf32>
    %mul3A_16 = arith.mulf %mul3A, %add3A_15 : vector<1000x128xf32>
    %get3A_17 = arith.constant 0 : index
    %get3A_18 = arith.constant 0 : index
    %get3A_19 = vector.load %arg4[%get3A_17, %get3A_18] : memref<1x128xf32, #tpu.memory_space<vmem>>, vector<1x128xf32>
    %add3A_20 = vector.broadcast %get3A_19 : vector<1x128xf32> to vector<1000x128xf32>
    %add3A_21 = arith.addf %mul3A_16, %add3A_20 : vector<1000x128xf32>
    %max3A = arith.constant 0.000000e+00 : f32
    %max3A_22 = vector.broadcast %max3A : f32 to vector<1000x128xf32>
    %max3A_23 = arith.maximumf %add3A_21, %max3A_22 : vector<1000x128xf32>
    %get3A_24 = arith.constant 0 : index
    %get3A_25 = arith.constant 0 : index
    %get3A_26 = vector.load %arg5[%get3A_24, %get3A_25] : memref<128x128xf32, #tpu.memory_space<vmem>>, vector<128x128xf32>
    %dot_general3A = arith.constant dense<0.000000e+00> : vector<1000x128xf32>
    %dot_general3A_27 = tpu.matmul %max3A_23, %get3A_26, %dot_general3A {dimension_numbers = #tpu.dot_dimension_numbers<[1], [0], [0], [1], [0, 0, 1, 1], [], []>, transpose_lhs_hint = false} : vector<1000x128xf32>, vector<128x128xf32>, vector<1000x128xf32> -> vector<1000x128xf32>
    %mul3A_28 = vector.broadcast %get3A_1 : vector<1000x1xf32> to vector<1000x128xf32>
    %mul3A_29 = arith.mulf %mul3A_28, %dot_general3A_27 : vector<1000x128xf32>
    %swap3A = arith.constant 0 : index
    %swap3A_30 = arith.constant 0 : index
    %swap3A_31 = vector.load %arg6[%swap3A, %swap3A_30] : memref<1000x128xf32, #tpu.memory_space<vmem>>, vector<1000x128xf32>
    tpu.vector_store %arg6[%swap3A, %swap3A_30], %mul3A_29 {strides = array<i32>} : memref<1000x128xf32, #tpu.memory_space<vmem>>, vector<1000x128xf32>,
    return
  }
  func.func @transform_0(%arg0: i32) -> (i32, i32, i32) {
    %c0_i32 = arith.constant 0 : i32
    %c0_i32_0 = arith.constant 0 : i32
    %c0_i32_1 = arith.constant 0 : i32
    return %c0_i32, %arg0, %c0_i32_0 : i32, i32, i32
  }
  func.func @transform_1(%arg0: i32) -> (i32, i32) {
    %c0_i32 = arith.constant 0 : i32
    %c0_i32_0 = arith.constant 0 : i32
    return %arg0, %c0_i32 : i32, i32
  }
  func.func @transform_2(%arg0: i32) -> (i32, i32) {
    %c0_i32 = arith.constant 0 : i32
    %c0_i32_0 = arith.constant 0 : i32
    return %arg0, %c0_i32 : i32, i32
  }
  func.func @transform_3(%arg0: i32) -> (i32, i32) {
    %c0_i32 = arith.constant 0 : i32
    %c0_i32_0 = arith.constant 0 : i32
    %c0_i32_1 = arith.constant 0 : i32
    return %c0_i32, %c0_i32_0 : i32, i32
  }
  func.func @transform_4(%arg0: i32) -> (i32, i32) {
    %c0_i32 = arith.constant 0 : i32
    %c0_i32_0 = arith.constant 0 : i32
    %c0_i32_1 = arith.constant 0 : i32
    return %c0_i32, %c0_i32_0 : i32, i32
  }
  func.func @transform_5(%arg0: i32) -> (i32, i32) {
    %c0_i32 = arith.constant 0 : i32
    %c0_i32_0 = arith.constant 0 : i32
    return %arg0, %c0_i32 : i32, i32
  }
}

module attributes {stable_mosaic.version = 14 : i64} {
  func.func @_tc_fin_body(%arg0: i32, %arg1: memref<2x1000x128xf32, #tpu.memory_space<vmem>>, %arg2: memref<1000x128xf32, #tpu.memory_space<vmem>>, %arg3: memref<1000x1xf32, #tpu.memory_space<vmem>>, %arg4: memref<1x128xf32, #tpu.memory_space<vmem>>, %arg5: memref<1000x128xf32, #tpu.memory_space<vmem>>) attributes {dimension_semantics = [#tpu.dimension_semantics<arbitrary>], iteration_bounds = array<i64: 10>, scalar_prefetch = 0 : i64, scratch_operands = 0 : i64, tpu.core_type = #tpu.core_type<tc>, window_params = [{transform_indices = @transform_0, window_bounds = array<i64: 2, 1000, 128>}, {transform_indices = @transform_1, window_bounds = array<i64: 1000, 128>}, {transform_indices = @transform_2, window_bounds = array<i64: 1000, 1>}, {pipeline_mode = #tpu.pipeline_mode<synchronous>, transform_indices = @transform_3, window_bounds = array<i64: 1, 128>}, {transform_indices = @transform_4, window_bounds = array<i64: 1000, 128>}]} {
    %get3A = arith.constant 0 : index
    %get3A_0 = arith.constant 0 : index
    %get3A_1 = vector.load %arg3[%get3A, %get3A_0] : memref<1000x1xf32, #tpu.memory_space<vmem>>, vector<1000x1xf32>
    %get3A_2 = arith.constant 0 : index
    %get3A_3 = arith.constant 0 : index
    %get3A_4 = arith.constant 0 : index
    %get3A_5 = vector.load %arg1[%get3A_2, %get3A_3, %get3A_4] : memref<2x1000x128xf32, #tpu.memory_space<vmem>>, vector<1x1000x128xf32>
    %get3A_6 = vector.shape_cast %get3A_5 : vector<1x1000x128xf32> to vector<1000x128xf32>
    %get3A_7 = arith.constant 1 : index
    %get3A_8 = arith.constant 0 : index
    %get3A_9 = arith.constant 0 : index
    %get3A_10 = vector.load %arg1[%get3A_7, %get3A_8, %get3A_9] : memref<2x1000x128xf32, #tpu.memory_space<vmem>>, vector<1x1000x128xf32>
    %get3A_11 = vector.shape_cast %get3A_10 : vector<1x1000x128xf32> to vector<1000x128xf32>
    %add3A = arith.addf %get3A_6, %get3A_11 : vector<1000x128xf32>
    %get3A_12 = arith.constant 0 : index
    %get3A_13 = arith.constant 0 : index
    %get3A_14 = vector.load %arg2[%get3A_12, %get3A_13] : memref<1000x128xf32, #tpu.memory_space<vmem>>, vector<1000x128xf32>
    %add3A_15 = arith.addf %add3A, %get3A_14 : vector<1000x128xf32>
    %mul3A = vector.broadcast %get3A_1 : vector<1000x1xf32> to vector<1000x128xf32>
    %mul3A_16 = arith.mulf %mul3A, %add3A_15 : vector<1000x128xf32>
    %get3A_17 = arith.constant 0 : index
    %get3A_18 = arith.constant 0 : index
    %get3A_19 = vector.load %arg4[%get3A_17, %get3A_18] : memref<1x128xf32, #tpu.memory_space<vmem>>, vector<1x128xf32>
    %add3A_20 = vector.broadcast %get3A_19 : vector<1x128xf32> to vector<1000x128xf32>
    %add3A_21 = arith.addf %mul3A_16, %add3A_20 : vector<1000x128xf32>
    %swap3A = arith.constant 0 : index
    %swap3A_22 = arith.constant 0 : index
    %swap3A_23 = vector.load %arg5[%swap3A, %swap3A_22] : memref<1000x128xf32, #tpu.memory_space<vmem>>, vector<1000x128xf32>
    tpu.vector_store %arg5[%swap3A, %swap3A_22], %add3A_21 {strides = array<i32>} : memref<1000x128xf32, #tpu.memory_space<vmem>>, vector<1000x128xf32>,
    return
  }
  func.func @transform_0(%arg0: i32) -> (i32, i32, i32) {
    %c0_i32 = arith.constant 0 : i32
    %c0_i32_0 = arith.constant 0 : i32
    %c0_i32_1 = arith.constant 0 : i32
    return %c0_i32, %arg0, %c0_i32_0 : i32, i32, i32
  }
  func.func @transform_1(%arg0: i32) -> (i32, i32) {
    %c0_i32 = arith.constant 0 : i32
    %c0_i32_0 = arith.constant 0 : i32
    return %arg0, %c0_i32 : i32, i32
  }
  func.func @transform_2(%arg0: i32) -> (i32, i32) {
    %c0_i32 = arith.constant 0 : i32
    %c0_i32_0 = arith.constant 0 : i32
    return %arg0, %c0_i32 : i32, i32
  }
  func.func @transform_3(%arg0: i32) -> (i32, i32) {
    %c0_i32 = arith.constant 0 : i32
    %c0_i32_0 = arith.constant 0 : i32
    %c0_i32_1 = arith.constant 0 : i32
    return %c0_i32, %c0_i32_0 : i32, i32
  }
  func.func @transform_4(%arg0: i32) -> (i32, i32) {
    %c0_i32 = arith.constant 0 : i32
    %c0_i32_0 = arith.constant 0 : i32
    return %arg0, %c0_i32 : i32, i32
  }
}

</mosaic_0001>

<sc_bundles>
// kernel: kernel.11.cloned.1.call-start
scs
__scs_entry_jumppad:
0x0: {  	(pc) =	sbr.rel $0x88, $3  }
0x1: {  	(tag) =	ssettag $0x0;
	lr =	simm.s32 $0x1  }
0x2: {  	[smem:$0x3F99] =	sst lr;
	_ =	strace $0xD0000000  }
0x3: {  	_ = 	snop  }
0x4: {  	_ = 	snop  }
0x5: {  	_ = 	snop  }
0x6: {  	_ = 	snop  }
0x7: {  	_ = 	snop  }
__scs_overlays_trampoline_lowered:
0x8: {  	[smem:$0x3FA8] =	sst s0  }
0x9: {  	[smem:$0x3FA9] =	sst s1  }
0xa: {  	[smem:$0x3FAA] =	sst s2  }
0xb: {  	[smem:$0x3FAB] =	sst s3  }
0xc: {  	[smem:$0x3FAC] =	sst s4  }
0xd: {  	[smem:$0x3FAD] =	sst s5  }
0xe: {  	[smem:$0x3FAE] =	sst s6  }
0xf: {  	[smem:$0x3FAF] =	sst s7  }
0x10: {  	[smem:$0x3FB0] =	sst s8  }
0x11: {  	[smem:$0x3FB1] =	sst s9;
	s0 =	simm.s32 @!p0 $0x0  }
0x12: {  	s1 =	sld [smem:$0x3F97];
	s0 =	simm.s32 @p0 $0x1  }
0x13: {  	[smem:$0x3FB2] =	sst s0;
	s0 =	simm.s32 @!p1 $0x0  }
0x14: {  	s2 =	sld [smem:$0x3F96];
	s0 =	simm.s32 @p1 $0x1  }
0x15: {  	[smem:$0x3FB3] =	sst s0;
	s0 =	simm.s32 @!p2 $0x0  }
0x16: {  	s3 =	sld [smem:$0x3FDB];
	s0 =	simm.s32 @p2 $0x1  }
0x17: {  	s4 =	simm.s32 $0x1BF5;
	[smem:$0x3FB5] =	sst s0  }
0x18: {  	s0 =	sld [smem:$0x3F98];
	_ =	swait.ge [sflag:s4], $0x0  }
0x19: {  	s7 =	sld [smem:$0x3F99]  }
0x1a: {  	s8 =	sadd.s32 $0xFFFFE003, lr  }
0x1b: {  	s9 =	sadd.s32 $0xFFFFFEF7, lr;
	s5 =	simm.s32 $0xFFFFFFFF;
	p2 =	slt.u32 s8, $0xFFFFF086  }
0x1c: {  	p1 =	slt.u32 s9, $0xF7A;
	s5 =	simm.s32 @!p2 $0x0  }
0x1d: {  	s5 =	simm.s32 @p1 $0x1;
	p0 =	seq.s32 s7, s2  }
0x1e: {  	s7 =	smul.u32 @!p0 $0xF7A, s2;
	p2 =	seq.s32 @!p0 s5, $0x0  }
0x1f: {  	s9 =	smul.u32 $0xF7A, s1;
	s8 =	simm.s32 @!p0 $0x1BF5;
	p2 =	por !p2, p0  }
0x20: {  	[sflag:s8] =	ssyncset.s32 @!p0 $0xFFFFF086;
	s6 =	sadd.s32 @!p0 s3, s7;
	s7 =	simm.s32 @!p0 $0x108  }
0x21: {  	s3 =	sadd.s32 s3, s9;
	s6 =	sadd.s32 @!p0 $0x88, s6;
	s7 =	simm.s32 @p2 $0x1082  }
0x22: {  	[simem:s7], [sflag:s8] =	dma.local @!p0 [hbm:s6], $0xF7A  }
0x23: {  	s9 =	sor.u32 $0xD0000000, s2;
	s6 =	simm.s32 $0x108;
	_ =	swait.ge @!p0 [sflag:s8], $0x0  }
0x24: {  	s3 =	sadd.s32 $0x88, s3;
	s6 =	simm.s32 @!p1 $0x1082;
	[sflag:s4] =	ssyncset.s32 $0xFFFFF086  }
0x25: {  	[simem:s6], [sflag:s4] =	dma.local [hbm:s3], $0xF7A  }
0x26: {  	[smem:$0x3F99] =	sst s1;
	(tag) =	ssettag s2;
	_ =	strace s9  }
0x27: {  	s1 =	sld [smem:$0x3FA9]  }
0x28: {  	s2 =	sld [smem:$0x3FAA]  }
0x29: {  	s4 =	sld [smem:$0x3FAC]  }
0x2a: {  	p0 =	seq.s32 s5, $0x0;
	s5 =	sld [smem:$0x3FAD]  }
0x2b: {  	s6 =	sld [smem:$0x3FAE]  }
0x2c: {  	s7 =	sld [smem:$0x3FAF]  }
0x2d: {  	s3 =	simm.s32 $0x108;
	s8 =	sld [smem:$0x3FB0]  }
0x2e: {  	s3 =	simm.s32 @!p0 $0x1082;
	s9 =	sld [smem:$0x3FB1]  }
0x2f: {  	lr =	sadd.s32 s0, s3;
	s0 =	sld [smem:$0x3FA8]  }
0x30: {  	s3 =	sld [smem:$0x3FAB]  }
0x31: {  	[smem:$0x3FB4] =	sst s10  }
0x32: {  	s10 =	sld [smem:$0x3FB2];
	_ =	sdelay $0x3  }
0x33: {  	p0 =	seq.s32 s10, $0x1;
	s10 =	sld [smem:$0x3FB4];
	_ =	sdelay $0x3  }
0x34: {  	[smem:$0x3FB4] =	sst s10  }
0x35: {  	s10 =	sld [smem:$0x3FB3];
	_ =	sdelay $0x3  }
0x36: {  	p1 =	seq.s32 s10, $0x1;
	s10 =	sld [smem:$0x3FB4];
	_ =	sdelay $0x3  }
0x37: {  	[smem:$0x3FB4] =	sst s10  }
0x38: {  	s10 =	sld [smem:$0x3FB5]  }
0x39: {  	_ = 	snop;
	(pc) =	sbr.ind lr, $3  }
0x3a: {  	_ = 	snop  }
0x3b: {  	_ = 	snop  }
0x3c: {  	p2 =	seq.s32 s10, $0x1;
	s10 =	sld [smem:$0x3FB4]  }
0x3d: {  	_ =	shalt  }
0x3e: {  	_ =	shalt  }
0x3f: {  	_ =	shalt  }
0x40: {  	_ =	shalt  }
0x41: {  	_ =	shalt  }
0x42: {  	_ =	shalt  }
0x43: {  	_ =	shalt  }
0x44: {  	_ =	shalt  }
0x45: {  	_ =	shalt  }
0x46: {  	_ =	shalt  }
0x47: {  	_ =	shalt  }
0x48: {  	_ =	shalt  }
0x49: {  	_ =	shalt  }
0x4a: {  	_ =	shalt  }
0x4b: {  	_ =	shalt  }
0x4c: {  	_ =	shalt  }
0x4d: {  	_ =	shalt  }
0x4e: {  	_ =	shalt  }
0x4f: {  	_ =	shalt  }
0x50: {  	_ =	shalt  }
0x51: {  	_ =	shalt  }
0x52: {  	_ =	shalt  }
0x53: {  	_ =	shalt  }
0x54: {  	_ =	shalt  }
0x55: {  	_ =	shalt  }
0x56: {  	_ =	shalt  }
0x57: {  	_ =	shalt  }
0x58: {  	_ =	shalt  }
0x59: {  	_ =	shalt  }
0x5a: {  	_ =	shalt  }
0x5b: {  	_ =	shalt  }
0x5c: {  	_ =	shalt  }
0x5d: {  	_ =	shalt  }
0x5e: {  	_ =	shalt  }
0x5f: {  	_ =	shalt  }
0x60: {  	_ =	shalt  }
0x61: {  	_ =	shalt  }
0x62: {  	_ =	shalt  }
0x63: {  	_ =	shalt  }
0x64: {  	_ =	shalt  }
0x65: {  	_ =	shalt  }
0x66: {  	_ =	shalt  }
0x67: {  	_ =	shalt  }
0x68: {  	_ =	shalt  }
0x69: {  	_ =	shalt  }
0x6a: {  	_ =	shalt  }
0x6b: {  	_ =	shalt  }
0x6c: {  	_ =	shalt  }
0x6d: {  	_ =	shalt  }
0x6e: {  	_ =	shalt  }
0x6f: {  	_ =	shalt  }
0x70: {  	_ =	shalt  }
0x71: {  	_ =	shalt  }
0x72: {  	_ =	shalt  }
0x73: {  	_ =	shalt  }
0x74: {  	_ =	shalt  }
0x75: {  	_ =	shalt  }
0x76: {  	_ =	shalt  }
0x77: {  	_ =	shalt  }
0x78: {  	_ =	shalt  }
0x79: {  	_ =	shalt  }
0x7a: {  	_ =	shalt  }
0x7b: {  	_ =	shalt  }
0x7c: {  	_ =	shalt  }
0x7d: {  	_ =	shalt  }
0x7e: {  	_ =	shalt  }
0x7f: {  	_ =	shalt  }
0x80: {  	_ =	shalt  }
0x81: {  	_ =	shalt  }
0x82: {  	_ =	shalt  }
0x83: {  	_ =	shalt  }
0x84: {  	_ =	shalt  }
0x85: {  	_ =	shalt  }
0x86: {  	_ =	shalt  }
0x87: {  	_ =	shalt  }
.Lfunc_end0:
.L_simem_size_0:
called_computation_lowered:
.L_overlay_start_0:
0x88: {  	s2 =	sld [smem:$0x3FD9]  }
0x89: {  	s3 =	sld [smem:$0x3FFE];
	_ =	sdelay $0x1  }
0x8a: {  	s1 =	srdreg.scid  }
0x8b: {  	s0 =	sand.u32 $0x1, s1  }
0x8c: {  	s17 =	sshll.u32 s0, $0xA;
	s2 =	sadd.s32 s3, s2  }
0x8d: {  	s2 =	sadd.s32 s2, s17  }
0x8e: {  	[smem:$0x3FC0] =	sst s2  }
0x8f: {  	_ = 	snop  }
0x90: {  	s2 =	sld [smem:$0x3FD0];
	(tm) =	ssettm $0x1  }
0x91: {  	s18 =	sld [smem:$0x3FFB];
	_ =	sdelay $0x3  }
0x92: {  	_ =	strace s18  }
0x93: {  	s3 =	sld [smem:$0x3FFC];
	_ =	sdelay $0x3  }
0x94: {  	_ =	strace s3  }
0x95: {  	s3 =	sld [smem:$0x3FFD];
	_ =	sdelay $0x3  }
0x96: {  	_ =	strace s3  }
0x97: {  	_ =	strace $0x8FFFFFFF  }
0x98: {  	s19 =	sld [smem:$0x3FDB];
	_ =	sdelay $0x1  }
0x99: {  	s4 =	simm.s32 $_scs_section_size  }
0x9a: {  	s5 =	simm.s32 $_size__tile_overlayer_lowered;
	s6 =	simm.s32 $_tile_overlayer_lowered  }
0x9b: {  	s22 =	simm.s32 $0x1BFF;
	s21 =	sshll.u32 s6, $0x1;
	s3 =	sadd.s32 s4, s19  }
0x9c: {  	s7 =	simm.s32 $0x0;
	s20 =	sshll.u32 s5, $0x1;
	s5 =	sadd.s32 s21, s3  }
0x9d: {  	[timem:s7], [sflag:s22] =	dma.local [hbm:s5], s20  }
0x9e: {  	_ =	swait.ge [sflag:s22], s20  }
0x9f: {  	s4 =	ssub.s32 $0x0, s20;
	[sflag:s22] =	ssyncset.done $0x0  }
0xa0: {  	[sflag:s22] =	ssyncadd.s32 s4;
	_ =	sdelay $0x1  }
0xa1: {  	s23 =	simm.s32 $0x1B8B  }
0xa2: {  	_ =	swait.ge [sflag:s23], $0x1  }
0xa3: {  	[sflag:s23] =	ssyncset.done $0x0  }
0xa4: {  	s25 =	simm.s32 $0x1B8E;
	s24 =	sld [smem:$0x3FFE];
	[sflag:s23] =	ssyncadd.s32 $0xFFFFFFFF  }
0xa5: {  	s26 =	simm.s32 $execute0_lowered;
	[smem:$0x3FD2] =	sst s25  }
0xa6: {  	s5 =	sshll.u32 s26, $0x1;
	_ =	strace $0x80000046;
	[dreg:$0x1] =	wrdreg $0xFFFFFFFF  }
0xa7: {  	s28 =	simm.s32 $_size_execute0_lowered;
	s3 =	sadd.s32 s3, s5;
	[dreg:$0x0] =	wrdreg $0x0  }
0xa8: {  	s5 =	sshll.u32 s28, $0x1;
	[dreg:$0x2] =	wrdreg s3  }
0xa9: {  	[dreg:$0x3] =	wrdreg s5  }
0xaa: {  	[dreg:$0x4] =	wrdreg $0xC0  }
0xab: {  	_ =	task [dreg:s7], $0x5FFFF  }
0xac: {  	[dreg:$0x1] =	wrdreg $0xFFFFFFFF  }
0xad: {  	[dreg:$0x0] =	wrdreg $0x60  }
0xae: {  	[dreg:$0x2] =	wrdreg s24  }
0xaf: {  	[dreg:$0x3] =	wrdreg s2  }
0xb0: {  	[dreg:$0x4] =	wrdreg $0x0  }
0xb1: {  	[dreg:$0x5] =	wrdreg $0x9  }
0xb2: {  	_ =	task.clear_ibuf [dreg:s7], $0x6FFFF;
	_ =	strace $0x90000046  }
0xb3: {  	s29 =	simm.s32 $0x9;
	_ =	strace $0x80000048  }
0xb4: {  	_ =	swait.ge [sflag:s29], $0x1  }
0xb5: {  	[sflag:s29] =	ssyncadd.s32 $0xFFFFFFFF  }
0xb6: {  	_ =	strace $0x90000048  }
0xb7: {  	_ =	sfence  }
0xb8: {  	s30 =	sld [smem:$0x0];
	_ =	sdelay $0x2  }
0xb9: {  	s31 =	sshll.u32 s1, $0xD;
	s1 =	sshrl.u32 s1, $0x2  }
0xba: {  	s3 =	sand.u32 $0x4000, s31;
	s1 =	sadd.s32 s1, s30  }
0xbb: {  	s0 =	sor.u32 s3, s0;
	s1 =	sshll.u32 s1, $0x11  }
0xbc: {  	s0 =	sor.u32 s1, s0  }
0xbd: {  	s0 =	sadd.s32 $0x8F2B, s0  }
0xbe: {  	[sflag:s0] =	ssyncadd.remote.s32 $0x1  }
0xbf: {  	_ =	sfence.sel $0xFFFF  }
0xc0: {  	[dreg:$0x0] =	wrdreg $0xFFFFFFFF;
	(pc) =	sbr.abs _section_cstart, $3  }
0xc1: {  	[dreg:$0x1] =	wrdreg $0xFFFFFFFF  }
0xc2: {  	_ =	task.clear_ibuf [dreg:s7], $0x2FFFF;
	_ =	strace $0x9FFFFFFF  }
0xc3: {  	(tm) =	ssettm $0x7FFFFFFF  }
tec
execute0_lowered:
.L_overlay_start_1:
0x0: {  	(tag) =	ssettag $0x1  }
0x1: {  	s5 =	rddreg [dreg:$0x0]  }
0x2: {  	s2 =	rddreg [dreg:$0x1]  }
0x3: {  	s3 =	rddreg [dreg:$0x2]  }
0x4: {  	s0 =	rddreg [dreg:$0x3];
	s4 =	simm.s32 $0x0;
	s1 =	stileid.u32  }
0x5: {  	s6 =	srdreg.scid;
	s14 =	simm.s32 $0x1;
	s15 =	simm.s32 $0x2  }
0x6: {  	[smem:$0x7FF] =	sst s4;
	s16 =	smul.u32 $0x2800, s1;
	s6 =	sand.u32 $0x1, s6  }
0x7: {  	s8 =	sshll.u32 s1, $0xC;
	s10 =	smul.u32 $0x50000, s1;
	s29 =	sshll.u32 s1, $0x6  }
0x8: {  	_ =	strace $0x80000047;
	s7 =	smul.u32 $0x28000, s6;
	s9 =	ssub.s32 $0x2, s6  }
0x9: {  	s8 =	sadd.s32 s8, s5;
	s30 =	sshll.u32 s6, $0x10;
	s6 =	sor.u32 $0x1C03, s29  }
0xa: {  	s11 =	sadd.s32 s16, s5;
	s12 =	sshrl.u32 s9, $0x1;
	s28 =	sshrl.u32 s10, $0x2  }
0xb: {  	s31 =	sadd.s32 s30, s8;
	s13 =	sadd.s32 s7, s5;
	s9 =	ssub.s32 s9, s12  }
0xc: {  	s10 =	sadd.s32 s28, s3;
	s5 =	sadd.s32 $0x22C00, s11;
	s7 =	sadd.s32 $0x2C00, s31  }
0xd: {  	s11 =	simm.s32 $0x14000;
	s12 =	simm.s32 $0x1C000;
	s17 =	sadd.s32 $0x4AC00, s13  }
0xe: {  	s8 =	smax.u32 s9, $0x1;
	s9 =	sshrl.u32 s10, $0x3;
	s10 =	simm.s32 $0x3  }
0xf: {  	s13 =	simm.s32 $0x28;
	s16 =	sadd.s32 s16, s17;
	s17 =	simm.s32 $0x0  }
.LBB2_1:
0x10: {  	[spmem:s9], [sflag:s6] =	dma.local [hbm:s5], $0x2800  }
0x11: {  	_ =	swait.ge [sflag:s10], $0x2800  }
0x12: {  	[sflag:s10] =	ssyncset.done $0x0  }
0x13: {  	[sflag:s10] =	ssyncadd.s32 $0xFFFFD800  }
0x14: {  	[tilespmem:s11], [sflag:$0x3] =	stream.linear.gather [hbm4b:s7+s4], $0x7D00, $0x38;
	[tilespmem:$0x1D400] =	vst v63  }
0x15: {  	_ =	swait.ge [sflag:s10], $0x7D00  }
0x16: {  	[sflag:s10] =	ssyncset.done $0x0  }
0x17: {  	[sflag:s10] =	ssyncadd.s32 $0xFFFF8300  }
0x18: {  	[tilespmem:s12], [sflag:$0x3] =	stream.linear.gather [hbm4b:s2+s4], $0x1400, $0x38;
	[tilespmem:$0x1D400] =	vst v63  }
0x19: {  	_ =	swait.ge [sflag:s10], $0x1400  }
0x1a: {  	[sflag:s10] =	ssyncset.done $0x0  }
0x1b: {  	[sflag:s10] =	ssyncadd.s32 $0xFFFFEC00  }
0x1c: {  	s18 =	simm.s32 $0x14000;
	[bflag:$0x0] =	sbarrier.arrive $0xFFFF  }
0x1d: {  	[spmem:s3] =	stream.indirect.scatter.add.f32 [tilespmem:s12], [sflag:$0x1], $0x80, s18, s13, $0xb8;
	[tilespmem:$0x1D400] =	vst v63  }
0x1e: {  	s31 =	simm.s32 $0x14080  }
0x1f: {  	[spmem:s3] =	stream.indirect.scatter.add.f32 [tilespmem:s12], [sflag:$0x2], $0x80, s31, s13, $0xb8;
	[tilespmem:$0x1D400] =	vst v63  }
0x20: {  	_ =	swait.ge [sflag:s14], $0x1400  }
0x21: {  	[sflag:s14] =	ssyncset.done $0x0  }
0x22: {  	[sflag:s14] =	ssyncadd.s32 $0xFFFFEC00  }
0x23: {  	_ =	swait.ge [sflag:s15], $0x1400  }
0x24: {  	s19 =	simm.s32 $0x800;
	s18 =	simm.s32 $0x100;
	[sflag:s15] =	ssyncset.done $0x0  }
.LBB2_2:
0x25: {  	s20 =	sadd.s32 $0x14000, s18  }
0x26: {  	[sflag:s15] =	ssyncadd.s32 $0xFFFFEC00;
	s21 =	smov.u32 s19;
	s22 =	sadd.s32 $0x400, s19  }
0x27: {  	[spmem:s3] =	stream.indirect.scatter.add.f32 [tilespmem:s12], [sflag:$0x1], $0x80, s20, s13, $0xb8;
	[tilespmem:$0x1D400] =	vst v63  }
0x28: {  	p0 =	sne.s32 s19, $0x1F000;
	s18 =	sadd.s32 $0x14080, s18  }
0x29: {  	[spmem:s3] =	stream.indirect.scatter.add.f32 [tilespmem:s12], [sflag:$0x2], $0x80, s18, s13, $0xb8;
	[tilespmem:$0x1D400] =	vst v63  }
.Ltmp0:
0x2a: {  	_ =	swait.ge [sflag:s14], $0x1400;
	(pc) =	sbr.rel @p0 .LBB2_2-.Ltmp0, $4  }
0x2b: {  	[sflag:s14] =	ssyncset.done $0x0  }
0x2c: {  	[sflag:s14] =	ssyncadd.s32 $0xFFFFEC00  }
0x2d: {  	_ =	swait.ge [sflag:s15], $0x1400  }
0x2e: {  	s19 =	smov.u32 s22;
	s18 =	sshra.s32 s21, $0x2;
	[sflag:s15] =	ssyncset.done $0x0  }
0x2f: {  	s19 =	sadd.s32 $0x14000, s18;
	[sflag:s15] =	ssyncadd.s32 $0xFFFFEC00  }
0x30: {  	[spmem:s3] =	stream.indirect.scatter.add.f32 [tilespmem:s12], [sflag:$0x1], $0x80, s19, s13, $0xb8;
	[tilespmem:$0x1D400] =	vst v63  }
0x31: {  	s31 =	sadd.s32 $0x14080, s18  }
0x32: {  	[spmem:s3] =	stream.indirect.scatter.add.f32 [tilespmem:s12], [sflag:$0x2], $0x80, s31, s13, $0xb8;
	[tilespmem:$0x1D400] =	vst v63  }
0x33: {  	_ =	swait.ge [sflag:s14], $0x1400  }
0x34: {  	[sflag:s14] =	ssyncset.done $0x0  }
0x35: {  	[sflag:s14] =	ssyncadd.s32 $0xFFFFEC00  }
0x36: {  	_ =	swait.ge [sflag:s15], $0x1400  }
0x37: {  	s17 =	sadd.s32 $0x1, s17;
	[sflag:s15] =	ssyncset.done $0x0  }
0x38: {  	p0 =	sne.s32 s17, s8;
	[sflag:s15] =	ssyncadd.s32 $0xFFFFEC00  }
.Ltmp1:
0x39: {  	[bflag:$0x0] =	sbarrier.arrive $0xFFFF;
	(pc) =	sbr.rel @p0 .LBB2_1-.Ltmp1, $4  }
0x3a: {  	[hbm:s16], [sflag:s6] =	dma.local [spmem:s9], $0x2800  }
0x3b: {  	_ =	swait.ge [sflag:s10], $0x2800  }
0x3c: {  	[sflag:s10] =	ssyncset.done $0x0  }
0x3d: {  	[sflag:s10] =	ssyncadd.s32 $0xFFFFD800  }
0x3e: {  	_ =	sfence.sel $0x180000  }
0x3f: {  	[bflag:$0x0] =	sbarrier.arrive $0xFFFF  }
0x40: {  	p0 =	sne.s32 s1, $0x0;
	_ =	strace $0x90000047  }
0x41: {  	s0 =	sadd.s32 @!p0 $0x100000, s0;
	[bflag:$0x2] =	sbarrier.arrive $0xFFFF  }
0x42: {  	[sflag:s0] =	ssyncadd.tile.s32 @!p0 $0x1;
	_ =	shalt  }
.Lfunc_end2:
_tile_overlayer_lowered:
.L_overlay_start_2:
0x43: {  	(tag) =	ssettag $0x2  }
0x44: {  	s0 =	rddreg [dreg:$0x0];
	s2 =	stileid.u32  }
0x45: {  	s1 =	rddreg [dreg:$0x1];
	p0 =	sne.s32 s2, $0x0  }
0x46: {  	s3 =	rddreg [dreg:$0x2];
	[bflag:$0x3] =	sbarrier.arrive $0xFFFF;
	s2 =	simm.s32 @!p0 $0x1C03  }
0x47: {  	[timem:s3], [sflag:s2] =	dma.local @!p0 [hbm:s0], s1  }
0x48: {  	s0 =	simm.s32 @!p0 $0x3  }
0x49: {  	_ =	swait.ge @!p0 [sflag:s0], s1  }
0x4a: {  	s1 =	ssub.s32 @!p0 $0x0, s1;
	[sflag:s0] =	ssyncset.done @!p0 $0x0  }
0x4b: {  	[sflag:s0] =	ssyncadd.s32 @!p0 s1  }
0x4c: {  	[bflag:$0x3] =	sbarrier.arrive $0xFFFF  }
0x4d: {  	_ =	shalt  }

// kernel: kernel.14.cloned.1.call-start
scs
__scs_entry_jumppad:
0x0: {  	(pc) =	sbr.rel $0x88, $3  }
0x1: {  	(tag) =	ssettag $0x0;
	lr =	simm.s32 $0x1  }
0x2: {  	[smem:$0x3F99] =	sst lr;
	_ =	strace $0xD0000000  }
0x3: {  	_ = 	snop  }
0x4: {  	_ = 	snop  }
0x5: {  	_ = 	snop  }
0x6: {  	_ = 	snop  }
0x7: {  	_ = 	snop  }
__scs_overlays_trampoline_lowered:
0x8: {  	[smem:$0x3FA8] =	sst s0  }
0x9: {  	[smem:$0x3FA9] =	sst s1  }
0xa: {  	[smem:$0x3FAA] =	sst s2  }
0xb: {  	[smem:$0x3FAB] =	sst s3  }
0xc: {  	[smem:$0x3FAC] =	sst s4  }
0xd: {  	[smem:$0x3FAD] =	sst s5  }
0xe: {  	[smem:$0x3FAE] =	sst s6  }
0xf: {  	[smem:$0x3FAF] =	sst s7  }
0x10: {  	[smem:$0x3FB0] =	sst s8  }
0x11: {  	[smem:$0x3FB1] =	sst s9;
	s0 =	simm.s32 @!p0 $0x0  }
0x12: {  	s1 =	sld [smem:$0x3F97];
	s0 =	simm.s32 @p0 $0x1  }
0x13: {  	[smem:$0x3FB2] =	sst s0;
	s0 =	simm.s32 @!p1 $0x0  }
0x14: {  	s2 =	sld [smem:$0x3F96];
	s0 =	simm.s32 @p1 $0x1  }
0x15: {  	[smem:$0x3FB3] =	sst s0;
	s0 =	simm.s32 @!p2 $0x0  }
0x16: {  	s3 =	sld [smem:$0x3FDB];
	s0 =	simm.s32 @p2 $0x1  }
0x17: {  	s4 =	simm.s32 $0x1BF5;
	[smem:$0x3FB5] =	sst s0  }
0x18: {  	s0 =	sld [smem:$0x3F98];
	_ =	swait.ge [sflag:s4], $0x0  }
0x19: {  	s7 =	sld [smem:$0x3F99]  }
0x1a: {  	s8 =	sadd.s32 $0xFFFFE003, lr  }
0x1b: {  	s9 =	sadd.s32 $0xFFFFFEF7, lr;
	s5 =	simm.s32 $0xFFFFFFFF;
	p2 =	slt.u32 s8, $0xFFFFF086  }
0x1c: {  	p1 =	slt.u32 s9, $0xF7A;
	s5 =	simm.s32 @!p2 $0x0  }
0x1d: {  	s5 =	simm.s32 @p1 $0x1;
	p0 =	seq.s32 s7, s2  }
0x1e: {  	s7 =	smul.u32 @!p0 $0xF7A, s2;
	p2 =	seq.s32 @!p0 s5, $0x0  }
0x1f: {  	s9 =	smul.u32 $0xF7A, s1;
	s8 =	simm.s32 @!p0 $0x1BF5;
	p2 =	por !p2, p0  }
0x20: {  	[sflag:s8] =	ssyncset.s32 @!p0 $0xFFFFF086;
	s6 =	sadd.s32 @!p0 s3, s7;
	s7 =	simm.s32 @!p0 $0x108  }
0x21: {  	s3 =	sadd.s32 s3, s9;
	s6 =	sadd.s32 @!p0 $0x88, s6;
	s7 =	simm.s32 @p2 $0x1082  }
0x22: {  	[simem:s7], [sflag:s8] =	dma.local @!p0 [hbm:s6], $0xF7A  }
0x23: {  	s9 =	sor.u32 $0xD0000000, s2;
	s6 =	simm.s32 $0x108;
	_ =	swait.ge @!p0 [sflag:s8], $0x0  }
0x24: {  	s3 =	sadd.s32 $0x88, s3;
	s6 =	simm.s32 @!p1 $0x1082;
	[sflag:s4] =	ssyncset.s32 $0xFFFFF086  }
0x25: {  	[simem:s6], [sflag:s4] =	dma.local [hbm:s3], $0xF7A  }
0x26: {  	[smem:$0x3F99] =	sst s1;
	(tag) =	ssettag s2;
	_ =	strace s9  }
0x27: {  	s1 =	sld [smem:$0x3FA9]  }
0x28: {  	s2 =	sld [smem:$0x3FAA]  }
0x29: {  	s4 =	sld [smem:$0x3FAC]  }
0x2a: {  	p0 =	seq.s32 s5, $0x0;
	s5 =	sld [smem:$0x3FAD]  }
0x2b: {  	s6 =	sld [smem:$0x3FAE]  }
0x2c: {  	s7 =	sld [smem:$0x3FAF]  }
0x2d: {  	s3 =	simm.s32 $0x108;
	s8 =	sld [smem:$0x3FB0]  }
0x2e: {  	s3 =	simm.s32 @!p0 $0x1082;
	s9 =	sld [smem:$0x3FB1]  }
0x2f: {  	lr =	sadd.s32 s0, s3;
	s0 =	sld [smem:$0x3FA8]  }
0x30: {  	s3 =	sld [smem:$0x3FAB]  }
0x31: {  	[smem:$0x3FB4] =	sst s10  }
0x32: {  	s10 =	sld [smem:$0x3FB2];
	_ =	sdelay $0x3  }
0x33: {  	p0 =	seq.s32 s10, $0x1;
	s10 =	sld [smem:$0x3FB4];
	_ =	sdelay $0x3  }
0x34: {  	[smem:$0x3FB4] =	sst s10  }
0x35: {  	s10 =	sld [smem:$0x3FB3];
	_ =	sdelay $0x3  }
0x36: {  	p1 =	seq.s32 s10, $0x1;
	s10 =	sld [smem:$0x3FB4];
	_ =	sdelay $0x3  }
0x37: {  	[smem:$0x3FB4] =	sst s10  }
0x38: {  	s10 =	sld [smem:$0x3FB5]  }
0x39: {  	_ = 	snop;
	(pc) =	sbr.ind lr, $3  }
0x3a: {  	_ = 	snop  }
0x3b: {  	_ = 	snop  }
0x3c: {  	p2 =	seq.s32 s10, $0x1;
	s10 =	sld [smem:$0x3FB4]  }
0x3d: {  	_ =	shalt  }
0x3e: {  	_ =	shalt  }
0x3f: {  	_ =	shalt  }
0x40: {  	_ =	shalt  }
0x41: {  	_ =	shalt  }
0x42: {  	_ =	shalt  }
0x43: {  	_ =	shalt  }
0x44: {  	_ =	shalt  }
0x45: {  	_ =	shalt  }
0x46: {  	_ =	shalt  }
0x47: {  	_ =	shalt  }
0x48: {  	_ =	shalt  }
0x49: {  	_ =	shalt  }
0x4a: {  	_ =	shalt  }
0x4b: {  	_ =	shalt  }
0x4c: {  	_ =	shalt  }
0x4d: {  	_ =	shalt  }
0x4e: {  	_ =	shalt  }
0x4f: {  	_ =	shalt  }
0x50: {  	_ =	shalt  }
0x51: {  	_ =	shalt  }
0x52: {  	_ =	shalt  }
0x53: {  	_ =	shalt  }
0x54: {  	_ =	shalt  }
0x55: {  	_ =	shalt  }
0x56: {  	_ =	shalt  }
0x57: {  	_ =	shalt  }
0x58: {  	_ =	shalt  }
0x59: {  	_ =	shalt  }
0x5a: {  	_ =	shalt  }
0x5b: {  	_ =	shalt  }
0x5c: {  	_ =	shalt  }
0x5d: {  	_ =	shalt  }
0x5e: {  	_ =	shalt  }
0x5f: {  	_ =	shalt  }
0x60: {  	_ =	shalt  }
0x61: {  	_ =	shalt  }
0x62: {  	_ =	shalt  }
0x63: {  	_ =	shalt  }
0x64: {  	_ =	shalt  }
0x65: {  	_ =	shalt  }
0x66: {  	_ =	shalt  }
0x67: {  	_ =	shalt  }
0x68: {  	_ =	shalt  }
0x69: {  	_ =	shalt  }
0x6a: {  	_ =	shalt  }
0x6b: {  	_ =	shalt  }
0x6c: {  	_ =	shalt  }
0x6d: {  	_ =	shalt  }
0x6e: {  	_ =	shalt  }
0x6f: {  	_ =	shalt  }
0x70: {  	_ =	shalt  }
0x71: {  	_ =	shalt  }
0x72: {  	_ =	shalt  }
0x73: {  	_ =	shalt  }
0x74: {  	_ =	shalt  }
0x75: {  	_ =	shalt  }
0x76: {  	_ =	shalt  }
0x77: {  	_ =	shalt  }
0x78: {  	_ =	shalt  }
0x79: {  	_ =	shalt  }
0x7a: {  	_ =	shalt  }
0x7b: {  	_ =	shalt  }
0x7c: {  	_ =	shalt  }
0x7d: {  	_ =	shalt  }
0x7e: {  	_ =	shalt  }
0x7f: {  	_ =	shalt  }
0x80: {  	_ =	shalt  }
0x81: {  	_ =	shalt  }
0x82: {  	_ =	shalt  }
0x83: {  	_ =	shalt  }
0x84: {  	_ =	shalt  }
0x85: {  	_ =	shalt  }
0x86: {  	_ =	shalt  }
0x87: {  	_ =	shalt  }
.Lfunc_end0:
.L_simem_size_0:
called_computation.1_lowered:
.L_overlay_start_0:
0x88: {  	s2 =	sld [smem:$0x3FD9]  }
0x89: {  	s3 =	sld [smem:$0x3FFE];
	_ =	sdelay $0x1  }
0x8a: {  	s1 =	srdreg.scid  }
0x8b: {  	s0 =	sand.u32 $0x1, s1  }
0x8c: {  	s17 =	sshll.u32 s0, $0xA;
	s2 =	sadd.s32 s3, s2  }
0x8d: {  	s2 =	sadd.s32 s2, s17  }
0x8e: {  	[smem:$0x3FC0] =	sst s2  }
0x8f: {  	_ = 	snop  }
0x90: {  	s2 =	sld [smem:$0x3FD0];
	(tm) =	ssettm $0x1  }
0x91: {  	s18 =	sld [smem:$0x3FFB];
	_ =	sdelay $0x3  }
0x92: {  	_ =	strace s18  }
0x93: {  	s3 =	sld [smem:$0x3FFC];
	_ =	sdelay $0x3  }
0x94: {  	_ =	strace s3  }
0x95: {  	s3 =	sld [smem:$0x3FFD];
	_ =	sdelay $0x3  }
0x96: {  	_ =	strace s3  }
0x97: {  	_ =	strace $0x8FFFFFFF  }
0x98: {  	s19 =	sld [smem:$0x3FDB];
	_ =	sdelay $0x1  }
0x99: {  	s4 =	simm.s32 $_scs_section_size  }
0x9a: {  	s5 =	simm.s32 $_size__tile_overlayer_lowered;
	s6 =	simm.s32 $_tile_overlayer_lowered  }
0x9b: {  	s22 =	simm.s32 $0x1BFF;
	s21 =	sshll.u32 s6, $0x1;
	s3 =	sadd.s32 s4, s19  }
0x9c: {  	s7 =	simm.s32 $0x0;
	s20 =	sshll.u32 s5, $0x1;
	s5 =	sadd.s32 s21, s3  }
0x9d: {  	[timem:s7], [sflag:s22] =	dma.local [hbm:s5], s20  }
0x9e: {  	_ =	swait.ge [sflag:s22], s20  }
0x9f: {  	s4 =	ssub.s32 $0x0, s20;
	[sflag:s22] =	ssyncset.done $0x0  }
0xa0: {  	[sflag:s22] =	ssyncadd.s32 s4;
	_ =	sdelay $0x1  }
0xa1: {  	s23 =	simm.s32 $0x1B8B  }
0xa2: {  	_ =	swait.ge [sflag:s23], $0x1  }
0xa3: {  	[sflag:s23] =	ssyncset.done $0x0  }
0xa4: {  	s25 =	simm.s32 $0x1B8E;
	s24 =	sld [smem:$0x3FFE];
	[sflag:s23] =	ssyncadd.s32 $0xFFFFFFFF  }
0xa5: {  	s26 =	simm.s32 $execute0_lowered;
	[smem:$0x3FD2] =	sst s25  }
0xa6: {  	s5 =	sshll.u32 s26, $0x1;
	_ =	strace $0x80000049;
	[dreg:$0x1] =	wrdreg $0xFFFFFFFF  }
0xa7: {  	s28 =	simm.s32 $_size_execute0_lowered;
	s3 =	sadd.s32 s3, s5;
	[dreg:$0x0] =	wrdreg $0x0  }
0xa8: {  	s5 =	sshll.u32 s28, $0x1;
	[dreg:$0x2] =	wrdreg s3  }
0xa9: {  	[dreg:$0x3] =	wrdreg s5  }
0xaa: {  	[dreg:$0x4] =	wrdreg $0xC0  }
0xab: {  	_ =	task [dreg:s7], $0x5FFFF  }
0xac: {  	[dreg:$0x1] =	wrdreg $0xFFFFFFFF  }
0xad: {  	[dreg:$0x0] =	wrdreg $0x60  }
0xae: {  	[dreg:$0x2] =	wrdreg s2  }
0xaf: {  	[dreg:$0x3] =	wrdreg s24  }
0xb0: {  	[dreg:$0x4] =	wrdreg $0x0  }
0xb1: {  	[dreg:$0x5] =	wrdreg $0x9  }
0xb2: {  	_ =	task.clear_ibuf [dreg:s7], $0x6FFFF;
	_ =	strace $0x90000049  }
0xb3: {  	s29 =	simm.s32 $0x9;
	_ =	strace $0x8000004B  }
0xb4: {  	_ =	swait.ge [sflag:s29], $0x1  }
0xb5: {  	[sflag:s29] =	ssyncadd.s32 $0xFFFFFFFF  }
0xb6: {  	_ =	strace $0x9000004B  }
0xb7: {  	_ =	sfence  }
0xb8: {  	s30 =	sld [smem:$0x0];
	_ =	sdelay $0x2  }
0xb9: {  	s31 =	sshll.u32 s1, $0xD;
	s1 =	sshrl.u32 s1, $0x2  }
0xba: {  	s3 =	sand.u32 $0x4000, s31;
	s1 =	sadd.s32 s1, s30  }
0xbb: {  	s0 =	sor.u32 s3, s0;
	s1 =	sshll.u32 s1, $0x11  }
0xbc: {  	s0 =	sor.u32 s1, s0  }
0xbd: {  	s0 =	sadd.s32 $0x8F2B, s0  }
0xbe: {  	[sflag:s0] =	ssyncadd.remote.s32 $0x1  }
0xbf: {  	_ =	sfence.sel $0xFFFF  }
0xc0: {  	[dreg:$0x0] =	wrdreg $0xFFFFFFFF;
	(pc) =	sbr.abs _section_cstart, $3  }
0xc1: {  	[dreg:$0x1] =	wrdreg $0xFFFFFFFF  }
0xc2: {  	_ =	task.clear_ibuf [dreg:s7], $0x2FFFF;
	_ =	strace $0x9FFFFFFF  }
0xc3: {  	(tm) =	ssettm $0x7FFFFFFF  }
tec
execute0_lowered:
.L_overlay_start_1:
0x0: {  	(tag) =	ssettag $0x1  }
0x1: {  	s1 =	rddreg [dreg:$0x0]  }
0x2: {  	s0 =	rddreg [dreg:$0x1]  }
0x3: {  	s3 =	rddreg [dreg:$0x2];
	s4 =	simm.s32 $0x0  }
0x4: {  	s15 =	stileid.u32;
	s2 =	srdreg.scid;
	s16 =	simm.s32 $0x14100  }
0x5: {  	s17 =	simm.s32 $0x14080;
	s18 =	simm.s32 $0x14180;
	s20 =	simm.s32 $0x7  }
0x6: {  	s21 =	simm.s32 $0x1;
	s28 =	simm.s32 $0x5;
	s29 =	simm.s32 $0x3  }
0x7: {  	s30 =	simm.s32 $0x6;
	s31 =	simm.s32 $0x4;
	[smem:$0x7FF] =	sst s4  }
0x8: {  	s8 =	smul.u32 $0x2800, s15;
	s2 =	sand.u32 $0x1, s2;
	s5 =	sadd.s32 $0x9AC00, s0  }
0x9: {  	s6 =	sadd.s32 $0x2C00, s0;
	s10 =	sshll.u32 s15, $0xF;
	s11 =	smul.u32 $0x50000, s15  }
0xa: {  	s26 =	sshll.u32 s15, $0x6;
	s15 =	simm.s32 $0x14000;
	_ =	strace $0x8000004A  }
0xb: {  	s7 =	smul.u32 $0x28000, s2;
	s9 =	sshll.u32 s2, $0x13;
	s2 =	ssub.s32 $0x2, s2  }
0xc: {  	s12 =	sadd.s32 s8, s0;
	s22 =	sshrl.u32 s2, $0x1;
	s14 =	sshrl.u32 s11, $0x2  }
0xd: {  	s0 =	sadd.s32 s7, s0;
	s7 =	sor.u32 s10, s9;
	s2 =	ssub.s32 s2, s22  }
0xe: {  	s19 =	sadd.s32 s14, s3;
	s12 =	sadd.s32 $0x22C00, s12;
	s10 =	sshrl.u32 s7, $0x3  }
0xf: {  	s22 =	simm.s32 $0x28;
	s0 =	sadd.s32 $0x4AC00, s0;
	s23 =	sadd.s32 s5, s10  }
0x10: {  	s14 =	smax.u32 s2, $0x1;
	s24 =	sadd.s32 s6, s10;
	[dreg:$0x4] =	wrdreg s23  }
0x11: {  	s19 =	sshrl.u32 s19, $0x3;
	s13 =	sor.u32 $0x10, s10;
	[dreg:$0x5] =	wrdreg s24  }
0x12: {  	s25 =	sadd.s32 s5, s13;
	s11 =	sadd.s32 s6, s13;
	s13 =	sor.u32 $0x1C07, s26  }
0x13: {  	s23 =	simm.s32 $0x14200;
	s24 =	sadd.s32 s8, s0;
	s26 =	simm.s32 $0x15600  }
0x14: {  	s0 =	simm.s32 $0x0;
	[dreg:$0x6] =	wrdreg s25;
	s25 =	simm.s32 $0x2  }
.LBB2_1:
0x15: {  	s2 =	rddreg [dreg:$0x4]  }
0x16: {  	[tilespmem:s15], [sflag:$0x1] =	stream.linear.gather [hbm4b:s2+s4], $0x80, $0x38;
	[tilespmem:$0x16A00] =	vst v63  }
0x17: {  	s10 =	rddreg [dreg:$0x5]  }
0x18: {  	[tilespmem:s16], [sflag:$0x3] =	stream.linear.gather [hbm4b:s10+s4], $0x80, $0x38;
	[tilespmem:$0x16A00] =	vst v63  }
0x19: {  	s8 =	rddreg [dreg:$0x6]  }
0x1a: {  	[tilespmem:s17], [sflag:$0x2] =	stream.linear.gather [hbm4b:s8+s4], $0x80, $0x38;
	[tilespmem:$0x16A00] =	vst v63  }
0x1b: {  	_ = 	snop  }
0x1c: {  	[tilespmem:s18], [sflag:$0x4] =	stream.linear.gather [hbm4b:s11+s4], $0x80, $0x38;
	[tilespmem:$0x16A00] =	vst v63  }
0x1d: {  	[spmem:s19], [sflag:s13] =	dma.local [hbm:s12], $0x2800  }
0x1e: {  	_ =	swait.ge [sflag:s20], $0x2800  }
0x1f: {  	[sflag:s20] =	ssyncset.done $0x0  }
0x20: {  	[sflag:s20] =	ssyncadd.s32 $0xFFFFD800  }
0x21: {  	[bflag:$0x0] =	sbarrier.arrive $0xFFFF  }
0x22: {  	_ =	swait.ge [sflag:s21], $0x80  }
0x23: {  	[sflag:s21] =	ssyncset.done $0x0  }
0x24: {  	[sflag:s21] =	ssyncadd.s32 $0xFFFFFF80  }
0x25: {  	[tilespmem:s23], [sflag:$0x5] =	stream.indirect.gather [hbm4b:s1+s22], $0x80, s15, s22, $0xb8;
	[tilespmem:$0x16A00] =	vst v63  }
0x26: {  	s9 =	simm.s32 $0x100;
	_ =	swait.ge [sflag:s25], $0x80  }
0x27: {  	s8 =	sand.u32 $0xFC00, s9;
	[sflag:s25] =	ssyncset.done $0x0  }
0x28: {  	s2 =	sand.u32 $0x300, s9;
	s8 =	sadd.s32 s7, s8;
	[sflag:s25] =	ssyncadd.s32 $0xFFFFFF80  }
0x29: {  	[tilespmem:s26], [sflag:$0x6] =	stream.indirect.gather [hbm4b:s1+s22], $0x80, s17, s22, $0xb8;
	[tilespmem:$0x16A00] =	vst v63  }
0x2a: {  	s2 =	sor.u32 s2, s8;
	_ =	swait.ge [sflag:s28], $0x1400  }
0x2b: {  	s2 =	sshrl.u32 s2, $0x3;
	[sflag:s28] =	ssyncset.done $0x0  }
0x2c: {  	s10 =	sadd.s32 s5, s2;
	[sflag:s28] =	ssyncadd.s32 $0xFFFFEC00  }
0x2d: {  	[tilespmem:s15], [sflag:$0x1] =	stream.linear.gather [hbm4b:s10+s4], $0x80, $0x38;
	[tilespmem:$0x16A00] =	vst v63  }
0x2e: {  	_ =	swait.ge [sflag:s29], $0x80  }
0x2f: {  	[sflag:s29] =	ssyncset.done $0x0  }
0x30: {  	[sflag:s29] =	ssyncadd.s32 $0xFFFFFF80  }
0x31: {  	[spmem:s3] =	stream.indirect.scatter.add.f32 [tilespmem:s23], [sflag:$0x7], $0x80, s16, s22, $0xb8;
	[tilespmem:$0x16A00] =	vst v63  }
0x32: {  	_ =	swait.ge [sflag:s20], $0x1400  }
0x33: {  	[sflag:s20] =	ssyncset.done $0x0  }
0x34: {  	s2 =	sadd.s32 s6, s2;
	[sflag:s20] =	ssyncadd.s32 $0xFFFFEC00  }
0x35: {  	[tilespmem:s16], [sflag:$0x3] =	stream.linear.gather [hbm4b:s2+s4], $0x80, $0x38;
	[tilespmem:$0x16A00] =	vst v63  }
0x36: {  	s9 =	simm.s32 $0x180;
	_ =	swait.ge [sflag:s21], $0x80  }
0x37: {  	s10 =	sand.u32 $0xFC00, s9;
	[sflag:s21] =	ssyncset.done $0x0  }
0x38: {  	s8 =	sadd.s32 s7, s10;
	s2 =	sand.u32 $0x380, s9;
	[sflag:s21] =	ssyncadd.s32 $0xFFFFFF80  }
0x39: {  	[tilespmem:s23], [sflag:$0x5] =	stream.indirect.gather [hbm4b:s1+s22], $0x80, s15, s22, $0xb8;
	[tilespmem:$0x16A00] =	vst v63  }
0x3a: {  	s2 =	sor.u32 s2, s8;
	_ =	swait.ge [sflag:s30], $0x1400  }
0x3b: {  	s8 =	sshrl.u32 s2, $0x3;
	[sflag:s30] =	ssyncset.done $0x0  }
0x3c: {  	s2 =	sadd.s32 s5, s8;
	[sflag:s30] =	ssyncadd.s32 $0xFFFFEC00  }
0x3d: {  	[tilespmem:s17], [sflag:$0x2] =	stream.linear.gather [hbm4b:s2+s4], $0x80, $0x38;
	[tilespmem:$0x16A00] =	vst v63  }
0x3e: {  	_ =	swait.ge [sflag:s31], $0x80  }
0x3f: {  	[sflag:s31] =	ssyncset.done $0x0  }
0x40: {  	[sflag:s31] =	ssyncadd.s32 $0xFFFFFF80  }
0x41: {  	[spmem:s3] =	stream.indirect.scatter.add.f32 [tilespmem:s26], [sflag:$0x7], $0x80, s18, s22, $0xb8;
	[tilespmem:$0x16A00] =	vst v63  }
0x42: {  	_ =	swait.ge [sflag:s20], $0x1400  }
0x43: {  	s8 =	sadd.s32 s6, s8;
	s2 =	simm.s32 $0x280;
	[sflag:s20] =	ssyncset.done $0x0  }
.LBB2_2:
0x44: {  	p0 =	sne.s32 s2, $0x7C80  }
0x45: {  	[sflag:s20] =	ssyncadd.s32 $0xFFFFEC00;
	s9 =	smov.u32 s2;
	s2 =	sadd.s32 $0x100, s2  }
0x46: {  	[tilespmem:s18], [sflag:$0x4] =	stream.linear.gather [hbm4b:s8+s4], $0x80, $0x38;
	[tilespmem:$0x16A00] =	vst v63  }
0x47: {  	s8 =	sadd.s32 $0xFFFFFF80, s9;
	_ =	swait.ge [sflag:s25], $0x80  }
0x48: {  	s10 =	sand.u32 $0xFC00, s8;
	s8 =	sand.u32 $0x300, s8;
	[sflag:s25] =	ssyncset.done $0x0  }
0x49: {  	s10 =	sadd.s32 s7, s10;
	[sflag:s25] =	ssyncadd.s32 $0xFFFFFF80  }
0x4a: {  	[tilespmem:s26], [sflag:$0x6] =	stream.indirect.gather [hbm4b:s1+s22], $0x80, s17, s22, $0xb8;
	[tilespmem:$0x16A00] =	vst v63  }
0x4b: {  	s8 =	sor.u32 s8, s10;
	_ =	swait.ge [sflag:s28], $0x1400  }
0x4c: {  	s8 =	sshrl.u32 s8, $0x3;
	[sflag:s28] =	ssyncset.done $0x0  }
0x4d: {  	s10 =	sadd.s32 s5, s8;
	[sflag:s28] =	ssyncadd.s32 $0xFFFFEC00  }
0x4e: {  	[tilespmem:s15], [sflag:$0x1] =	stream.linear.gather [hbm4b:s10+s4], $0x80, $0x38;
	[tilespmem:$0x16A00] =	vst v63  }
0x4f: {  	_ =	swait.ge [sflag:s29], $0x80  }
0x50: {  	[sflag:s29] =	ssyncset.done $0x0  }
0x51: {  	[sflag:s29] =	ssyncadd.s32 $0xFFFFFF80  }
0x52: {  	[spmem:s3] =	stream.indirect.scatter.add.f32 [tilespmem:s23], [sflag:$0x7], $0x80, s16, s22, $0xb8;
	[tilespmem:$0x16A00] =	vst v63  }
0x53: {  	_ =	swait.ge [sflag:s20], $0x1400  }
0x54: {  	s8 =	sadd.s32 s6, s8;
	[sflag:s20] =	ssyncset.done $0x0  }
0x55: {  	[sflag:s20] =	ssyncadd.s32 $0xFFFFEC00  }
0x56: {  	[tilespmem:s16], [sflag:$0x3] =	stream.linear.gather [hbm4b:s8+s4], $0x80, $0x38;
	[tilespmem:$0x16A00] =	vst v63  }
0x57: {  	_ =	swait.ge [sflag:s21], $0x80  }
0x58: {  	s8 =	sand.u32 $0xFC00, s9;
	[sflag:s21] =	ssyncset.done $0x0  }
0x59: {  	s9 =	sand.u32 $0x380, s9;
	s8 =	sadd.s32 s7, s8;
	[sflag:s21] =	ssyncadd.s32 $0xFFFFFF80  }
0x5a: {  	[tilespmem:s23], [sflag:$0x5] =	stream.indirect.gather [hbm4b:s1+s22], $0x80, s15, s22, $0xb8;
	[tilespmem:$0x16A00] =	vst v63  }
0x5b: {  	s8 =	sor.u32 s9, s8;
	_ =	swait.ge [sflag:s30], $0x1400  }
0x5c: {  	s8 =	sshrl.u32 s8, $0x3;
	[sflag:s30] =	ssyncset.done $0x0  }
0x5d: {  	s9 =	sadd.s32 s5, s8;
	[sflag:s30] =	ssyncadd.s32 $0xFFFFEC00  }
0x5e: {  	[tilespmem:s17], [sflag:$0x2] =	stream.linear.gather [hbm4b:s9+s4], $0x80, $0x38;
	[tilespmem:$0x16A00] =	vst v63  }
0x5f: {  	_ =	swait.ge [sflag:s31], $0x80  }
.Ltmp0:
0x60: {  	[sflag:s31] =	ssyncset.done $0x0;
	(pc) =	sbr.rel @p0 .LBB2_2-.Ltmp0, $4  }
0x61: {  	[sflag:s31] =	ssyncadd.s32 $0xFFFFFF80  }
0x62: {  	[spmem:s3] =	stream.indirect.scatter.add.f32 [tilespmem:s26], [sflag:$0x7], $0x80, s18, s22, $0xb8;
	[tilespmem:$0x16A00] =	vst v63  }
0x63: {  	_ =	swait.ge [sflag:s20], $0x1400  }
0x64: {  	s8 =	sadd.s32 s6, s8;
	[sflag:s20] =	ssyncset.done $0x0  }
0x65: {  	[sflag:s20] =	ssyncadd.s32 $0xFFFFEC00  }
0x66: {  	[tilespmem:s18], [sflag:$0x4] =	stream.linear.gather [hbm4b:s8+s4], $0x80, $0x38;
	[tilespmem:$0x16A00] =	vst v63  }
0x67: {  	_ =	swait.ge [sflag:s25], $0x80  }
0x68: {  	[sflag:s25] =	ssyncset.done $0x0  }
0x69: {  	[sflag:s25] =	ssyncadd.s32 $0xFFFFFF80  }
0x6a: {  	[tilespmem:s26], [sflag:$0x6] =	stream.indirect.gather [hbm4b:s1+s22], $0x80, s17, s22, $0xb8;
	[tilespmem:$0x16A00] =	vst v63  }
0x6b: {  	_ =	swait.ge [sflag:s28], $0x1400  }
0x6c: {  	[sflag:s28] =	ssyncset.done $0x0  }
0x6d: {  	[sflag:s28] =	ssyncadd.s32 $0xFFFFEC00  }
0x6e: {  	_ =	swait.ge [sflag:s29], $0x80  }
0x6f: {  	[sflag:s29] =	ssyncset.done $0x0  }
0x70: {  	[sflag:s29] =	ssyncadd.s32 $0xFFFFFF80  }
0x71: {  	[spmem:s3] =	stream.indirect.scatter.add.f32 [tilespmem:s23], [sflag:$0x7], $0x80, s16, s22, $0xb8;
	[tilespmem:$0x16A00] =	vst v63  }
0x72: {  	_ =	swait.ge [sflag:s20], $0x1400  }
0x73: {  	[sflag:s20] =	ssyncset.done $0x0  }
0x74: {  	[sflag:s20] =	ssyncadd.s32 $0xFFFFEC00  }
0x75: {  	_ =	swait.ge [sflag:s30], $0x1400  }
0x76: {  	[sflag:s30] =	ssyncset.done $0x0  }
0x77: {  	[sflag:s30] =	ssyncadd.s32 $0xFFFFEC00  }
0x78: {  	_ =	swait.ge [sflag:s31], $0x80  }
0x79: {  	[sflag:s31] =	ssyncset.done $0x0  }
0x7a: {  	[sflag:s31] =	ssyncadd.s32 $0xFFFFFF80  }
0x7b: {  	[spmem:s3] =	stream.indirect.scatter.add.f32 [tilespmem:s26], [sflag:$0x7], $0x80, s18, s22, $0xb8;
	[tilespmem:$0x16A00] =	vst v63  }
0x7c: {  	_ =	swait.ge [sflag:s20], $0x1400  }
0x7d: {  	s0 =	sadd.s32 $0x1, s0;
	[sflag:s20] =	ssyncset.done $0x0  }
0x7e: {  	p0 =	sne.s32 s0, s14;
	[sflag:s20] =	ssyncadd.s32 $0xFFFFEC00  }
.Ltmp1:
0x7f: {  	[bflag:$0x0] =	sbarrier.arrive $0xFFFF;
	(pc) =	sbr.rel @p0 .LBB2_1-.Ltmp1, $4  }
0x80: {  	[hbm:s24], [sflag:s13] =	dma.local [spmem:s19], $0x2800  }
0x81: {  	_ =	swait.ge [sflag:s20], $0x2800  }
0x82: {  	[sflag:s20] =	ssyncset.done $0x0  }
0x83: {  	[sflag:s20] =	ssyncadd.s32 $0xFFFFD800  }
0x84: {  	_ =	sfence.sel $0x180000  }
0x85: {  	[bflag:$0x0] =	sbarrier.arrive $0xFFFF  }
0x86: {  	_ =	strace $0x9000004A  }
0x87: {  	s0 =	stileid.u32;
	[bflag:$0x2] =	sbarrier.arrive $0xFFFF  }
0x88: {  	p0 =	sne.s32 s0, $0x0;
	s0 =	rddreg [dreg:$0x3]  }
0x89: {  	s0 =	sadd.s32 @!p0 $0x100000, s0  }
0x8a: {  	[sflag:s0] =	ssyncadd.tile.s32 @!p0 $0x1;
	_ =	shalt  }
.Lfunc_end2:
_tile_overlayer_lowered:
.L_overlay_start_2:
0x8b: {  	(tag) =	ssettag $0x2  }
0x8c: {  	s0 =	rddreg [dreg:$0x0];
	s2 =	stileid.u32  }
0x8d: {  	s1 =	rddreg [dreg:$0x1];
	p0 =	sne.s32 s2, $0x0  }
0x8e: {  	s3 =	rddreg [dreg:$0x2];
	[bflag:$0x3] =	sbarrier.arrive $0xFFFF;
	s2 =	simm.s32 @!p0 $0x1C07  }
0x8f: {  	[timem:s3], [sflag:s2] =	dma.local @!p0 [hbm:s0], s1  }
0x90: {  	s0 =	simm.s32 @!p0 $0x7  }
0x91: {  	_ =	swait.ge @!p0 [sflag:s0], s1  }
0x92: {  	s1 =	ssub.s32 @!p0 $0x0, s1;
	[sflag:s0] =	ssyncset.done @!p0 $0x0  }
0x93: {  	[sflag:s0] =	ssyncadd.s32 @!p0 s1  }
0x94: {  	[bflag:$0x3] =	sbarrier.arrive $0xFFFF  }
0x95: {  	_ =	shalt  }

// kernel: kernel.17.cloned.1.call-start
scs
__scs_entry_jumppad:
0x0: {  	(pc) =	sbr.rel $0x88, $3  }
0x1: {  	(tag) =	ssettag $0x0;
	lr =	simm.s32 $0x1  }
0x2: {  	[smem:$0x3F99] =	sst lr;
	_ =	strace $0xD0000000  }
0x3: {  	_ = 	snop  }
0x4: {  	_ = 	snop  }
0x5: {  	_ = 	snop  }
0x6: {  	_ = 	snop  }
0x7: {  	_ = 	snop  }
__scs_overlays_trampoline_lowered:
0x8: {  	[smem:$0x3FA8] =	sst s0  }
0x9: {  	[smem:$0x3FA9] =	sst s1  }
0xa: {  	[smem:$0x3FAA] =	sst s2  }
0xb: {  	[smem:$0x3FAB] =	sst s3  }
0xc: {  	[smem:$0x3FAC] =	sst s4  }
0xd: {  	[smem:$0x3FAD] =	sst s5  }
0xe: {  	[smem:$0x3FAE] =	sst s6  }
0xf: {  	[smem:$0x3FAF] =	sst s7  }
0x10: {  	[smem:$0x3FB0] =	sst s8  }
0x11: {  	[smem:$0x3FB1] =	sst s9;
	s0 =	simm.s32 @!p0 $0x0  }
0x12: {  	s1 =	sld [smem:$0x3F97];
	s0 =	simm.s32 @p0 $0x1  }
0x13: {  	[smem:$0x3FB2] =	sst s0;
	s0 =	simm.s32 @!p1 $0x0  }
0x14: {  	s2 =	sld [smem:$0x3F96];
	s0 =	simm.s32 @p1 $0x1  }
0x15: {  	[smem:$0x3FB3] =	sst s0;
	s0 =	simm.s32 @!p2 $0x0  }
0x16: {  	s3 =	sld [smem:$0x3FDB];
	s0 =	simm.s32 @p2 $0x1  }
0x17: {  	s4 =	simm.s32 $0x1BF5;
	[smem:$0x3FB5] =	sst s0  }
0x18: {  	s0 =	sld [smem:$0x3F98];
	_ =	swait.ge [sflag:s4], $0x0  }
0x19: {  	s7 =	sld [smem:$0x3F99]  }
0x1a: {  	s8 =	sadd.s32 $0xFFFFE003, lr  }
0x1b: {  	s9 =	sadd.s32 $0xFFFFFEF7, lr;
	s5 =	simm.s32 $0xFFFFFFFF;
	p2 =	slt.u32 s8, $0xFFFFF086  }
0x1c: {  	p1 =	slt.u32 s9, $0xF7A;
	s5 =	simm.s32 @!p2 $0x0  }
0x1d: {  	s5 =	simm.s32 @p1 $0x1;
	p0 =	seq.s32 s7, s2  }
0x1e: {  	s7 =	smul.u32 @!p0 $0xF7A, s2;
	p2 =	seq.s32 @!p0 s5, $0x0  }
0x1f: {  	s9 =	smul.u32 $0xF7A, s1;
	s8 =	simm.s32 @!p0 $0x1BF5;
	p2 =	por !p2, p0  }
0x20: {  	[sflag:s8] =	ssyncset.s32 @!p0 $0xFFFFF086;
	s6 =	sadd.s32 @!p0 s3, s7;
	s7 =	simm.s32 @!p0 $0x108  }
0x21: {  	s3 =	sadd.s32 s3, s9;
	s6 =	sadd.s32 @!p0 $0x88, s6;
	s7 =	simm.s32 @p2 $0x1082  }
0x22: {  	[simem:s7], [sflag:s8] =	dma.local @!p0 [hbm:s6], $0xF7A  }
0x23: {  	s9 =	sor.u32 $0xD0000000, s2;
	s6 =	simm.s32 $0x108;
	_ =	swait.ge @!p0 [sflag:s8], $0x0  }
0x24: {  	s3 =	sadd.s32 $0x88, s3;
	s6 =	simm.s32 @!p1 $0x1082;
	[sflag:s4] =	ssyncset.s32 $0xFFFFF086  }
0x25: {  	[simem:s6], [sflag:s4] =	dma.local [hbm:s3], $0xF7A  }
0x26: {  	[smem:$0x3F99] =	sst s1;
	(tag) =	ssettag s2;
	_ =	strace s9  }
0x27: {  	s1 =	sld [smem:$0x3FA9]  }
0x28: {  	s2 =	sld [smem:$0x3FAA]  }
0x29: {  	s4 =	sld [smem:$0x3FAC]  }
0x2a: {  	p0 =	seq.s32 s5, $0x0;
	s5 =	sld [smem:$0x3FAD]  }
0x2b: {  	s6 =	sld [smem:$0x3FAE]  }
0x2c: {  	s7 =	sld [smem:$0x3FAF]  }
0x2d: {  	s3 =	simm.s32 $0x108;
	s8 =	sld [smem:$0x3FB0]  }
0x2e: {  	s3 =	simm.s32 @!p0 $0x1082;
	s9 =	sld [smem:$0x3FB1]  }
0x2f: {  	lr =	sadd.s32 s0, s3;
	s0 =	sld [smem:$0x3FA8]  }
0x30: {  	s3 =	sld [smem:$0x3FAB]  }
0x31: {  	[smem:$0x3FB4] =	sst s10  }
0x32: {  	s10 =	sld [smem:$0x3FB2];
	_ =	sdelay $0x3  }
0x33: {  	p0 =	seq.s32 s10, $0x1;
	s10 =	sld [smem:$0x3FB4];
	_ =	sdelay $0x3  }
0x34: {  	[smem:$0x3FB4] =	sst s10  }
0x35: {  	s10 =	sld [smem:$0x3FB3];
	_ =	sdelay $0x3  }
0x36: {  	p1 =	seq.s32 s10, $0x1;
	s10 =	sld [smem:$0x3FB4];
	_ =	sdelay $0x3  }
0x37: {  	[smem:$0x3FB4] =	sst s10  }
0x38: {  	s10 =	sld [smem:$0x3FB5]  }
0x39: {  	_ = 	snop;
	(pc) =	sbr.ind lr, $3  }
0x3a: {  	_ = 	snop  }
0x3b: {  	_ = 	snop  }
0x3c: {  	p2 =	seq.s32 s10, $0x1;
	s10 =	sld [smem:$0x3FB4]  }
0x3d: {  	_ =	shalt  }
0x3e: {  	_ =	shalt  }
0x3f: {  	_ =	shalt  }
0x40: {  	_ =	shalt  }
0x41: {  	_ =	shalt  }
0x42: {  	_ =	shalt  }
0x43: {  	_ =	shalt  }
0x44: {  	_ =	shalt  }
0x45: {  	_ =	shalt  }
0x46: {  	_ =	shalt  }
0x47: {  	_ =	shalt  }
0x48: {  	_ =	shalt  }
0x49: {  	_ =	shalt  }
0x4a: {  	_ =	shalt  }
0x4b: {  	_ =	shalt  }
0x4c: {  	_ =	shalt  }
0x4d: {  	_ =	shalt  }
0x4e: {  	_ =	shalt  }
0x4f: {  	_ =	shalt  }
0x50: {  	_ =	shalt  }
0x51: {  	_ =	shalt  }
0x52: {  	_ =	shalt  }
0x53: {  	_ =	shalt  }
0x54: {  	_ =	shalt  }
0x55: {  	_ =	shalt  }
0x56: {  	_ =	shalt  }
0x57: {  	_ =	shalt  }
0x58: {  	_ =	shalt  }
0x59: {  	_ =	shalt  }
0x5a: {  	_ =	shalt  }
0x5b: {  	_ =	shalt  }
0x5c: {  	_ =	shalt  }
0x5d: {  	_ =	shalt  }
0x5e: {  	_ =	shalt  }
0x5f: {  	_ =	shalt  }
0x60: {  	_ =	shalt  }
0x61: {  	_ =	shalt  }
0x62: {  	_ =	shalt  }
0x63: {  	_ =	shalt  }
0x64: {  	_ =	shalt  }
0x65: {  	_ =	shalt  }
0x66: {  	_ =	shalt  }
0x67: {  	_ =	shalt  }
0x68: {  	_ =	shalt  }
0x69: {  	_ =	shalt  }
0x6a: {  	_ =	shalt  }
0x6b: {  	_ =	shalt  }
0x6c: {  	_ =	shalt  }
0x6d: {  	_ =	shalt  }
0x6e: {  	_ =	shalt  }
0x6f: {  	_ =	shalt  }
0x70: {  	_ =	shalt  }
0x71: {  	_ =	shalt  }
0x72: {  	_ =	shalt  }
0x73: {  	_ =	shalt  }
0x74: {  	_ =	shalt  }
0x75: {  	_ =	shalt  }
0x76: {  	_ =	shalt  }
0x77: {  	_ =	shalt  }
0x78: {  	_ =	shalt  }
0x79: {  	_ =	shalt  }
0x7a: {  	_ =	shalt  }
0x7b: {  	_ =	shalt  }
0x7c: {  	_ =	shalt  }
0x7d: {  	_ =	shalt  }
0x7e: {  	_ =	shalt  }
0x7f: {  	_ =	shalt  }
0x80: {  	_ =	shalt  }
0x81: {  	_ =	shalt  }
0x82: {  	_ =	shalt  }
0x83: {  	_ =	shalt  }
0x84: {  	_ =	shalt  }
0x85: {  	_ =	shalt  }
0x86: {  	_ =	shalt  }
0x87: {  	_ =	shalt  }
.Lfunc_end0:
.L_simem_size_0:
called_computation.2_lowered:
.L_overlay_start_0:
0x88: {  	s2 =	sld [smem:$0x3FD9]  }
0x89: {  	s3 =	sld [smem:$0x3FFE];
	_ =	sdelay $0x1  }
0x8a: {  	s1 =	srdreg.scid  }
0x8b: {  	s0 =	sand.u32 $0x1, s1  }
0x8c: {  	s17 =	sshll.u32 s0, $0xA;
	s2 =	sadd.s32 s3, s2  }
0x8d: {  	s2 =	sadd.s32 s2, s17  }
0x8e: {  	[smem:$0x3FC0] =	sst s2  }
0x8f: {  	_ = 	snop  }
0x90: {  	s2 =	sld [smem:$0x3FD0];
	(tm) =	ssettm $0x1  }
0x91: {  	s18 =	sld [smem:$0x3FFB];
	_ =	sdelay $0x3  }
0x92: {  	_ =	strace s18  }
0x93: {  	s3 =	sld [smem:$0x3FFC];
	_ =	sdelay $0x3  }
0x94: {  	_ =	strace s3  }
0x95: {  	s3 =	sld [smem:$0x3FFD];
	_ =	sdelay $0x3  }
0x96: {  	_ =	strace s3  }
0x97: {  	_ =	strace $0x8FFFFFFF  }
0x98: {  	s19 =	sld [smem:$0x3FDB];
	_ =	sdelay $0x1  }
0x99: {  	s4 =	simm.s32 $_scs_section_size  }
0x9a: {  	s5 =	simm.s32 $_size__tile_overlayer_lowered;
	s6 =	simm.s32 $_tile_overlayer_lowered  }
0x9b: {  	s22 =	simm.s32 $0x1BFF;
	s21 =	sshll.u32 s6, $0x1;
	s3 =	sadd.s32 s4, s19  }
0x9c: {  	s7 =	simm.s32 $0x0;
	s20 =	sshll.u32 s5, $0x1;
	s5 =	sadd.s32 s21, s3  }
0x9d: {  	[timem:s7], [sflag:s22] =	dma.local [hbm:s5], s20  }
0x9e: {  	_ =	swait.ge [sflag:s22], s20  }
0x9f: {  	s4 =	ssub.s32 $0x0, s20;
	[sflag:s22] =	ssyncset.done $0x0  }
0xa0: {  	[sflag:s22] =	ssyncadd.s32 s4;
	_ =	sdelay $0x1  }
0xa1: {  	s23 =	simm.s32 $0x1B8B  }
0xa2: {  	_ =	swait.ge [sflag:s23], $0x1  }
0xa3: {  	[sflag:s23] =	ssyncset.done $0x0  }
0xa4: {  	s25 =	simm.s32 $0x1B8E;
	s24 =	sld [smem:$0x3FFE];
	[sflag:s23] =	ssyncadd.s32 $0xFFFFFFFF  }
0xa5: {  	s26 =	simm.s32 $execute0_lowered;
	[smem:$0x3FD2] =	sst s25  }
0xa6: {  	s5 =	sshll.u32 s26, $0x1;
	_ =	strace $0x8000004C;
	[dreg:$0x1] =	wrdreg $0xFFFFFFFF  }
0xa7: {  	s28 =	simm.s32 $_size_execute0_lowered;
	s3 =	sadd.s32 s3, s5;
	[dreg:$0x0] =	wrdreg $0x0  }
0xa8: {  	s5 =	sshll.u32 s28, $0x1;
	[dreg:$0x2] =	wrdreg s3  }
0xa9: {  	[dreg:$0x3] =	wrdreg s5  }
0xaa: {  	[dreg:$0x4] =	wrdreg $0xC0  }
0xab: {  	_ =	task [dreg:s7], $0x5FFFF  }
0xac: {  	[dreg:$0x1] =	wrdreg $0xFFFFFFFF  }
0xad: {  	[dreg:$0x0] =	wrdreg $0x60  }
0xae: {  	[dreg:$0x2] =	wrdreg s2  }
0xaf: {  	[dreg:$0x3] =	wrdreg s24  }
0xb0: {  	[dreg:$0x4] =	wrdreg $0x0  }
0xb1: {  	[dreg:$0x5] =	wrdreg $0x9  }
0xb2: {  	_ =	task.clear_ibuf [dreg:s7], $0x6FFFF;
	_ =	strace $0x9000004C  }
0xb3: {  	s29 =	simm.s32 $0x9;
	_ =	strace $0x8000004E  }
0xb4: {  	_ =	swait.ge [sflag:s29], $0x1  }
0xb5: {  	[sflag:s29] =	ssyncadd.s32 $0xFFFFFFFF  }
0xb6: {  	_ =	strace $0x9000004E  }
0xb7: {  	_ =	sfence  }
0xb8: {  	s30 =	sld [smem:$0x0];
	_ =	sdelay $0x2  }
0xb9: {  	s31 =	sshll.u32 s1, $0xD;
	s1 =	sshrl.u32 s1, $0x2  }
0xba: {  	s3 =	sand.u32 $0x4000, s31;
	s1 =	sadd.s32 s1, s30  }
0xbb: {  	s0 =	sor.u32 s3, s0;
	s1 =	sshll.u32 s1, $0x11  }
0xbc: {  	s0 =	sor.u32 s1, s0  }
0xbd: {  	s0 =	sadd.s32 $0x8F2B, s0  }
0xbe: {  	[sflag:s0] =	ssyncadd.remote.s32 $0x1  }
0xbf: {  	_ =	sfence.sel $0xFFFF  }
0xc0: {  	[dreg:$0x0] =	wrdreg $0xFFFFFFFF;
	(pc) =	sbr.abs _section_cstart, $3  }
0xc1: {  	[dreg:$0x1] =	wrdreg $0xFFFFFFFF  }
0xc2: {  	_ =	task.clear_ibuf [dreg:s7], $0x2FFFF;
	_ =	strace $0x9FFFFFFF  }
0xc3: {  	(tm) =	ssettm $0x7FFFFFFF  }
tec
execute0_lowered:
.L_overlay_start_1:
0x0: {  	(tag) =	ssettag $0x1  }
0x1: {  	s1 =	rddreg [dreg:$0x0]  }
0x2: {  	s0 =	rddreg [dreg:$0x1]  }
0x3: {  	s3 =	rddreg [dreg:$0x2];
	s4 =	simm.s32 $0x0  }
0x4: {  	s15 =	stileid.u32;
	s2 =	srdreg.scid;
	s16 =	simm.s32 $0x14100  }
0x5: {  	s17 =	simm.s32 $0x14080;
	s18 =	simm.s32 $0x14180;
	s20 =	simm.s32 $0x7  }
0x6: {  	s21 =	simm.s32 $0x1;
	s28 =	simm.s32 $0x5;
	s29 =	simm.s32 $0x3  }
0x7: {  	s30 =	simm.s32 $0x6;
	s31 =	simm.s32 $0x4;
	[smem:$0x7FF] =	sst s4  }
0x8: {  	s8 =	smul.u32 $0x2800, s15;
	s2 =	sand.u32 $0x1, s2;
	s5 =	sadd.s32 $0x9AC00, s0  }
0x9: {  	s6 =	sadd.s32 $0x2C00, s0;
	s10 =	sshll.u32 s15, $0xF;
	s11 =	smul.u32 $0x50000, s15  }
0xa: {  	s26 =	sshll.u32 s15, $0x6;
	s15 =	simm.s32 $0x14000;
	_ =	strace $0x8000004D  }
0xb: {  	s7 =	smul.u32 $0x28000, s2;
	s9 =	sshll.u32 s2, $0x13;
	s2 =	ssub.s32 $0x2, s2  }
0xc: {  	s12 =	sadd.s32 s8, s0;
	s22 =	sshrl.u32 s2, $0x1;
	s14 =	sshrl.u32 s11, $0x2  }
0xd: {  	s0 =	sadd.s32 s7, s0;
	s7 =	sor.u32 s10, s9;
	s2 =	ssub.s32 s2, s22  }
0xe: {  	s19 =	sadd.s32 s14, s3;
	s12 =	sadd.s32 $0x22C00, s12;
	s10 =	sshrl.u32 s7, $0x3  }
0xf: {  	s22 =	simm.s32 $0x28;
	s0 =	sadd.s32 $0x4AC00, s0;
	s23 =	sadd.s32 s5, s10  }
0x10: {  	s14 =	smax.u32 s2, $0x1;
	s24 =	sadd.s32 s6, s10;
	[dreg:$0x4] =	wrdreg s23  }
0x11: {  	s19 =	sshrl.u32 s19, $0x3;
	s13 =	sor.u32 $0x10, s10;
	[dreg:$0x5] =	wrdreg s24  }
0x12: {  	s25 =	sadd.s32 s5, s13;
	s11 =	sadd.s32 s6, s13;
	s13 =	sor.u32 $0x1C07, s26  }
0x13: {  	s23 =	simm.s32 $0x14200;
	s24 =	sadd.s32 s8, s0;
	s26 =	simm.s32 $0x15600  }
0x14: {  	s0 =	simm.s32 $0x0;
	[dreg:$0x6] =	wrdreg s25;
	s25 =	simm.s32 $0x2  }
.LBB2_1:
0x15: {  	s2 =	rddreg [dreg:$0x4]  }
0x16: {  	[tilespmem:s15], [sflag:$0x1] =	stream.linear.gather [hbm4b:s2+s4], $0x80, $0x38;
	[tilespmem:$0x16A00] =	vst v63  }
0x17: {  	s10 =	rddreg [dreg:$0x5]  }
0x18: {  	[tilespmem:s16], [sflag:$0x3] =	stream.linear.gather [hbm4b:s10+s4], $0x80, $0x38;
	[tilespmem:$0x16A00] =	vst v63  }
0x19: {  	s8 =	rddreg [dreg:$0x6]  }
0x1a: {  	[tilespmem:s17], [sflag:$0x2] =	stream.linear.gather [hbm4b:s8+s4], $0x80, $0x38;
	[tilespmem:$0x16A00] =	vst v63  }
0x1b: {  	_ = 	snop  }
0x1c: {  	[tilespmem:s18], [sflag:$0x4] =	stream.linear.gather [hbm4b:s11+s4], $0x80, $0x38;
	[tilespmem:$0x16A00] =	vst v63  }
0x1d: {  	[spmem:s19], [sflag:s13] =	dma.local [hbm:s12], $0x2800  }
0x1e: {  	_ =	swait.ge [sflag:s20], $0x2800  }
0x1f: {  	[sflag:s20] =	ssyncset.done $0x0  }
0x20: {  	[sflag:s20] =	ssyncadd.s32 $0xFFFFD800  }
0x21: {  	[bflag:$0x0] =	sbarrier.arrive $0xFFFF  }
0x22: {  	_ =	swait.ge [sflag:s21], $0x80  }
0x23: {  	[sflag:s21] =	ssyncset.done $0x0  }
0x24: {  	[sflag:s21] =	ssyncadd.s32 $0xFFFFFF80  }
0x25: {  	[tilespmem:s23], [sflag:$0x5] =	stream.indirect.gather [hbm4b:s1+s22], $0x80, s15, s22, $0xb8;
	[tilespmem:$0x16A00] =	vst v63  }
0x26: {  	s9 =	simm.s32 $0x100;
	_ =	swait.ge [sflag:s25], $0x80  }
0x27: {  	s8 =	sand.u32 $0xFC00, s9;
	[sflag:s25] =	ssyncset.done $0x0  }
0x28: {  	s2 =	sand.u32 $0x300, s9;
	s8 =	sadd.s32 s7, s8;
	[sflag:s25] =	ssyncadd.s32 $0xFFFFFF80  }
0x29: {  	[tilespmem:s26], [sflag:$0x6] =	stream.indirect.gather [hbm4b:s1+s22], $0x80, s17, s22, $0xb8;
	[tilespmem:$0x16A00] =	vst v63  }
0x2a: {  	s2 =	sor.u32 s2, s8;
	_ =	swait.ge [sflag:s28], $0x1400  }
0x2b: {  	s2 =	sshrl.u32 s2, $0x3;
	[sflag:s28] =	ssyncset.done $0x0  }
0x2c: {  	s10 =	sadd.s32 s5, s2;
	[sflag:s28] =	ssyncadd.s32 $0xFFFFEC00  }
0x2d: {  	[tilespmem:s15], [sflag:$0x1] =	stream.linear.gather [hbm4b:s10+s4], $0x80, $0x38;
	[tilespmem:$0x16A00] =	vst v63  }
0x2e: {  	_ =	swait.ge [sflag:s29], $0x80  }
0x2f: {  	[sflag:s29] =	ssyncset.done $0x0  }
0x30: {  	[sflag:s29] =	ssyncadd.s32 $0xFFFFFF80  }
0x31: {  	[spmem:s3] =	stream.indirect.scatter.add.f32 [tilespmem:s23], [sflag:$0x7], $0x80, s16, s22, $0xb8;
	[tilespmem:$0x16A00] =	vst v63  }
0x32: {  	_ =	swait.ge [sflag:s20], $0x1400  }
0x33: {  	[sflag:s20] =	ssyncset.done $0x0  }
0x34: {  	s2 =	sadd.s32 s6, s2;
	[sflag:s20] =	ssyncadd.s32 $0xFFFFEC00  }
0x35: {  	[tilespmem:s16], [sflag:$0x3] =	stream.linear.gather [hbm4b:s2+s4], $0x80, $0x38;
	[tilespmem:$0x16A00] =	vst v63  }
0x36: {  	s9 =	simm.s32 $0x180;
	_ =	swait.ge [sflag:s21], $0x80  }
0x37: {  	s10 =	sand.u32 $0xFC00, s9;
	[sflag:s21] =	ssyncset.done $0x0  }
0x38: {  	s8 =	sadd.s32 s7, s10;
	s2 =	sand.u32 $0x380, s9;
	[sflag:s21] =	ssyncadd.s32 $0xFFFFFF80  }
0x39: {  	[tilespmem:s23], [sflag:$0x5] =	stream.indirect.gather [hbm4b:s1+s22], $0x80, s15, s22, $0xb8;
	[tilespmem:$0x16A00] =	vst v63  }
0x3a: {  	s2 =	sor.u32 s2, s8;
	_ =	swait.ge [sflag:s30], $0x1400  }
0x3b: {  	s8 =	sshrl.u32 s2, $0x3;
	[sflag:s30] =	ssyncset.done $0x0  }
0x3c: {  	s2 =	sadd.s32 s5, s8;
	[sflag:s30] =	ssyncadd.s32 $0xFFFFEC00  }
0x3d: {  	[tilespmem:s17], [sflag:$0x2] =	stream.linear.gather [hbm4b:s2+s4], $0x80, $0x38;
	[tilespmem:$0x16A00] =	vst v63  }
0x3e: {  	_ =	swait.ge [sflag:s31], $0x80  }
0x3f: {  	[sflag:s31] =	ssyncset.done $0x0  }
0x40: {  	[sflag:s31] =	ssyncadd.s32 $0xFFFFFF80  }
0x41: {  	[spmem:s3] =	stream.indirect.scatter.add.f32 [tilespmem:s26], [sflag:$0x7], $0x80, s18, s22, $0xb8;
	[tilespmem:$0x16A00] =	vst v63  }
0x42: {  	_ =	swait.ge [sflag:s20], $0x1400  }
0x43: {  	s8 =	sadd.s32 s6, s8;
	s2 =	simm.s32 $0x280;
	[sflag:s20] =	ssyncset.done $0x0  }
.LBB2_2:
0x44: {  	p0 =	sne.s32 s2, $0x7C80  }
0x45: {  	[sflag:s20] =	ssyncadd.s32 $0xFFFFEC00;
	s9 =	smov.u32 s2;
	s2 =	sadd.s32 $0x100, s2  }
0x46: {  	[tilespmem:s18], [sflag:$0x4] =	stream.linear.gather [hbm4b:s8+s4], $0x80, $0x38;
	[tilespmem:$0x16A00] =	vst v63  }
0x47: {  	s8 =	sadd.s32 $0xFFFFFF80, s9;
	_ =	swait.ge [sflag:s25], $0x80  }
0x48: {  	s10 =	sand.u32 $0xFC00, s8;
	s8 =	sand.u32 $0x300, s8;
	[sflag:s25] =	ssyncset.done $0x0  }
0x49: {  	s10 =	sadd.s32 s7, s10;
	[sflag:s25] =	ssyncadd.s32 $0xFFFFFF80  }
0x4a: {  	[tilespmem:s26], [sflag:$0x6] =	stream.indirect.gather [hbm4b:s1+s22], $0x80, s17, s22, $0xb8;
	[tilespmem:$0x16A00] =	vst v63  }
0x4b: {  	s8 =	sor.u32 s8, s10;
	_ =	swait.ge [sflag:s28], $0x1400  }
0x4c: {  	s8 =	sshrl.u32 s8, $0x3;
	[sflag:s28] =	ssyncset.done $0x0  }
0x4d: {  	s10 =	sadd.s32 s5, s8;
	[sflag:s28] =	ssyncadd.s32 $0xFFFFEC00  }
0x4e: {  	[tilespmem:s15], [sflag:$0x1] =	stream.linear.gather [hbm4b:s10+s4], $0x80, $0x38;
	[tilespmem:$0x16A00] =	vst v63  }
0x4f: {  	_ =	swait.ge [sflag:s29], $0x80  }
0x50: {  	[sflag:s29] =	ssyncset.done $0x0  }
0x51: {  	[sflag:s29] =	ssyncadd.s32 $0xFFFFFF80  }
0x52: {  	[spmem:s3] =	stream.indirect.scatter.add.f32 [tilespmem:s23], [sflag:$0x7], $0x80, s16, s22, $0xb8;
	[tilespmem:$0x16A00] =	vst v63  }
0x53: {  	_ =	swait.ge [sflag:s20], $0x1400  }
0x54: {  	s8 =	sadd.s32 s6, s8;
	[sflag:s20] =	ssyncset.done $0x0  }
0x55: {  	[sflag:s20] =	ssyncadd.s32 $0xFFFFEC00  }
0x56: {  	[tilespmem:s16], [sflag:$0x3] =	stream.linear.gather [hbm4b:s8+s4], $0x80, $0x38;
	[tilespmem:$0x16A00] =	vst v63  }
0x57: {  	_ =	swait.ge [sflag:s21], $0x80  }
0x58: {  	s8 =	sand.u32 $0xFC00, s9;
	[sflag:s21] =	ssyncset.done $0x0  }
0x59: {  	s9 =	sand.u32 $0x380, s9;
	s8 =	sadd.s32 s7, s8;
	[sflag:s21] =	ssyncadd.s32 $0xFFFFFF80  }
0x5a: {  	[tilespmem:s23], [sflag:$0x5] =	stream.indirect.gather [hbm4b:s1+s22], $0x80, s15, s22, $0xb8;
	[tilespmem:$0x16A00] =	vst v63  }
0x5b: {  	s8 =	sor.u32 s9, s8;
	_ =	swait.ge [sflag:s30], $0x1400  }
0x5c: {  	s8 =	sshrl.u32 s8, $0x3;
	[sflag:s30] =	ssyncset.done $0x0  }
0x5d: {  	s9 =	sadd.s32 s5, s8;
	[sflag:s30] =	ssyncadd.s32 $0xFFFFEC00  }
0x5e: {  	[tilespmem:s17], [sflag:$0x2] =	stream.linear.gather [hbm4b:s9+s4], $0x80, $0x38;
	[tilespmem:$0x16A00] =	vst v63  }
0x5f: {  	_ =	swait.ge [sflag:s31], $0x80  }
.Ltmp0:
0x60: {  	[sflag:s31] =	ssyncset.done $0x0;
	(pc) =	sbr.rel @p0 .LBB2_2-.Ltmp0, $4  }
0x61: {  	[sflag:s31] =	ssyncadd.s32 $0xFFFFFF80  }
0x62: {  	[spmem:s3] =	stream.indirect.scatter.add.f32 [tilespmem:s26], [sflag:$0x7], $0x80, s18, s22, $0xb8;
	[tilespmem:$0x16A00] =	vst v63  }
0x63: {  	_ =	swait.ge [sflag:s20], $0x1400  }
0x64: {  	s8 =	sadd.s32 s6, s8;
	[sflag:s20] =	ssyncset.done $0x0  }
0x65: {  	[sflag:s20] =	ssyncadd.s32 $0xFFFFEC00  }
0x66: {  	[tilespmem:s18], [sflag:$0x4] =	stream.linear.gather [hbm4b:s8+s4], $0x80, $0x38;
	[tilespmem:$0x16A00] =	vst v63  }
0x67: {  	_ =	swait.ge [sflag:s25], $0x80  }
0x68: {  	[sflag:s25] =	ssyncset.done $0x0  }
0x69: {  	[sflag:s25] =	ssyncadd.s32 $0xFFFFFF80  }
0x6a: {  	[tilespmem:s26], [sflag:$0x6] =	stream.indirect.gather [hbm4b:s1+s22], $0x80, s17, s22, $0xb8;
	[tilespmem:$0x16A00] =	vst v63  }
0x6b: {  	_ =	swait.ge [sflag:s28], $0x1400  }
0x6c: {  	[sflag:s28] =	ssyncset.done $0x0  }
0x6d: {  	[sflag:s28] =	ssyncadd.s32 $0xFFFFEC00  }
0x6e: {  	_ =	swait.ge [sflag:s29], $0x80  }
0x6f: {  	[sflag:s29] =	ssyncset.done $0x0  }
0x70: {  	[sflag:s29] =	ssyncadd.s32 $0xFFFFFF80  }
0x71: {  	[spmem:s3] =	stream.indirect.scatter.add.f32 [tilespmem:s23], [sflag:$0x7], $0x80, s16, s22, $0xb8;
	[tilespmem:$0x16A00] =	vst v63  }
0x72: {  	_ =	swait.ge [sflag:s20], $0x1400  }
0x73: {  	[sflag:s20] =	ssyncset.done $0x0  }
0x74: {  	[sflag:s20] =	ssyncadd.s32 $0xFFFFEC00  }
0x75: {  	_ =	swait.ge [sflag:s30], $0x1400  }
0x76: {  	[sflag:s30] =	ssyncset.done $0x0  }
0x77: {  	[sflag:s30] =	ssyncadd.s32 $0xFFFFEC00  }
0x78: {  	_ =	swait.ge [sflag:s31], $0x80  }
0x79: {  	[sflag:s31] =	ssyncset.done $0x0  }
0x7a: {  	[sflag:s31] =	ssyncadd.s32 $0xFFFFFF80  }
0x7b: {  	[spmem:s3] =	stream.indirect.scatter.add.f32 [tilespmem:s26], [sflag:$0x7], $0x80, s18, s22, $0xb8;
	[tilespmem:$0x16A00] =	vst v63  }
0x7c: {  	_ =	swait.ge [sflag:s20], $0x1400  }
0x7d: {  	s0 =	sadd.s32 $0x1, s0;
	[sflag:s20] =	ssyncset.done $0x0  }
0x7e: {  	p0 =	sne.s32 s0, s14;
	[sflag:s20] =	ssyncadd.s32 $0xFFFFEC00  }
.Ltmp1:
0x7f: {  	[bflag:$0x0] =	sbarrier.arrive $0xFFFF;
	(pc) =	sbr.rel @p0 .LBB2_1-.Ltmp1, $4  }
0x80: {  	[hbm:s24], [sflag:s13] =	dma.local [spmem:s19], $0x2800  }
0x81: {  	_ =	swait.ge [sflag:s20], $0x2800  }
0x82: {  	[sflag:s20] =	ssyncset.done $0x0  }
0x83: {  	[sflag:s20] =	ssyncadd.s32 $0xFFFFD800  }
0x84: {  	_ =	sfence.sel $0x180000  }
0x85: {  	[bflag:$0x0] =	sbarrier.arrive $0xFFFF  }
0x86: {  	_ =	strace $0x9000004D  }
0x87: {  	s0 =	stileid.u32;
	[bflag:$0x2] =	sbarrier.arrive $0xFFFF  }
0x88: {  	p0 =	sne.s32 s0, $0x0;
	s0 =	rddreg [dreg:$0x3]  }
0x89: {  	s0 =	sadd.s32 @!p0 $0x100000, s0  }
0x8a: {  	[sflag:s0] =	ssyncadd.tile.s32 @!p0 $0x1;
	_ =	shalt  }
.Lfunc_end2:
_tile_overlayer_lowered:
.L_overlay_start_2:
0x8b: {  	(tag) =	ssettag $0x2  }
0x8c: {  	s0 =	rddreg [dreg:$0x0];
	s2 =	stileid.u32  }
0x8d: {  	s1 =	rddreg [dreg:$0x1];
	p0 =	sne.s32 s2, $0x0  }
0x8e: {  	s3 =	rddreg [dreg:$0x2];
	[bflag:$0x3] =	sbarrier.arrive $0xFFFF;
	s2 =	simm.s32 @!p0 $0x1C07  }
0x8f: {  	[timem:s3], [sflag:s2] =	dma.local @!p0 [hbm:s0], s1  }
0x90: {  	s0 =	simm.s32 @!p0 $0x7  }
0x91: {  	_ =	swait.ge @!p0 [sflag:s0], s1  }
0x92: {  	s1 =	ssub.s32 @!p0 $0x0, s1;
	[sflag:s0] =	ssyncset.done @!p0 $0x0  }
0x93: {  	[sflag:s0] =	ssyncadd.s32 @!p0 s1  }
0x94: {  	[bflag:$0x3] =	sbarrier.arrive $0xFFFF  }
0x95: {  	_ =	shalt  }

// kernel: kernel.20.cloned.1.call-start
scs
__scs_entry_jumppad:
0x0: {  	(pc) =	sbr.rel $0x88, $3  }
0x1: {  	(tag) =	ssettag $0x0;
	lr =	simm.s32 $0x1  }
0x2: {  	[smem:$0x3F99] =	sst lr;
	_ =	strace $0xD0000000  }
0x3: {  	_ = 	snop  }
0x4: {  	_ = 	snop  }
0x5: {  	_ = 	snop  }
0x6: {  	_ = 	snop  }
0x7: {  	_ = 	snop  }
__scs_overlays_trampoline_lowered:
0x8: {  	[smem:$0x3FA8] =	sst s0  }
0x9: {  	[smem:$0x3FA9] =	sst s1  }
0xa: {  	[smem:$0x3FAA] =	sst s2  }
0xb: {  	[smem:$0x3FAB] =	sst s3  }
0xc: {  	[smem:$0x3FAC] =	sst s4  }
0xd: {  	[smem:$0x3FAD] =	sst s5  }
0xe: {  	[smem:$0x3FAE] =	sst s6  }
0xf: {  	[smem:$0x3FAF] =	sst s7  }
0x10: {  	[smem:$0x3FB0] =	sst s8  }
0x11: {  	[smem:$0x3FB1] =	sst s9;
	s0 =	simm.s32 @!p0 $0x0  }
0x12: {  	s1 =	sld [smem:$0x3F97];
	s0 =	simm.s32 @p0 $0x1  }
0x13: {  	[smem:$0x3FB2] =	sst s0;
	s0 =	simm.s32 @!p1 $0x0  }
0x14: {  	s2 =	sld [smem:$0x3F96];
	s0 =	simm.s32 @p1 $0x1  }
0x15: {  	[smem:$0x3FB3] =	sst s0;
	s0 =	simm.s32 @!p2 $0x0  }
0x16: {  	s3 =	sld [smem:$0x3FDB];
	s0 =	simm.s32 @p2 $0x1  }
0x17: {  	s4 =	simm.s32 $0x1BF5;
	[smem:$0x3FB5] =	sst s0  }
0x18: {  	s0 =	sld [smem:$0x3F98];
	_ =	swait.ge [sflag:s4], $0x0  }
0x19: {  	s7 =	sld [smem:$0x3F99]  }
0x1a: {  	s8 =	sadd.s32 $0xFFFFE003, lr  }
0x1b: {  	s9 =	sadd.s32 $0xFFFFFEF7, lr;
	s5 =	simm.s32 $0xFFFFFFFF;
	p2 =	slt.u32 s8, $0xFFFFF086  }
0x1c: {  	p1 =	slt.u32 s9, $0xF7A;
	s5 =	simm.s32 @!p2 $0x0  }
0x1d: {  	s5 =	simm.s32 @p1 $0x1;
	p0 =	seq.s32 s7, s2  }
0x1e: {  	s7 =	smul.u32 @!p0 $0xF7A, s2;
	p2 =	seq.s32 @!p0 s5, $0x0  }
0x1f: {  	s9 =	smul.u32 $0xF7A, s1;
	s8 =	simm.s32 @!p0 $0x1BF5;
	p2 =	por !p2, p0  }
0x20: {  	[sflag:s8] =	ssyncset.s32 @!p0 $0xFFFFF086;
	s6 =	sadd.s32 @!p0 s3, s7;
	s7 =	simm.s32 @!p0 $0x108  }
0x21: {  	s3 =	sadd.s32 s3, s9;
	s6 =	sadd.s32 @!p0 $0x88, s6;
	s7 =	simm.s32 @p2 $0x1082  }
0x22: {  	[simem:s7], [sflag:s8] =	dma.local @!p0 [hbm:s6], $0xF7A  }
0x23: {  	s9 =	sor.u32 $0xD0000000, s2;
	s6 =	simm.s32 $0x108;
	_ =	swait.ge @!p0 [sflag:s8], $0x0  }
0x24: {  	s3 =	sadd.s32 $0x88, s3;
	s6 =	simm.s32 @!p1 $0x1082;
	[sflag:s4] =	ssyncset.s32 $0xFFFFF086  }
0x25: {  	[simem:s6], [sflag:s4] =	dma.local [hbm:s3], $0xF7A  }
0x26: {  	[smem:$0x3F99] =	sst s1;
	(tag) =	ssettag s2;
	_ =	strace s9  }
0x27: {  	s1 =	sld [smem:$0x3FA9]  }
0x28: {  	s2 =	sld [smem:$0x3FAA]  }
0x29: {  	s4 =	sld [smem:$0x3FAC]  }
0x2a: {  	p0 =	seq.s32 s5, $0x0;
	s5 =	sld [smem:$0x3FAD]  }
0x2b: {  	s6 =	sld [smem:$0x3FAE]  }
0x2c: {  	s7 =	sld [smem:$0x3FAF]  }
0x2d: {  	s3 =	simm.s32 $0x108;
	s8 =	sld [smem:$0x3FB0]  }
0x2e: {  	s3 =	simm.s32 @!p0 $0x1082;
	s9 =	sld [smem:$0x3FB1]  }
0x2f: {  	lr =	sadd.s32 s0, s3;
	s0 =	sld [smem:$0x3FA8]  }
0x30: {  	s3 =	sld [smem:$0x3FAB]  }
0x31: {  	[smem:$0x3FB4] =	sst s10  }
0x32: {  	s10 =	sld [smem:$0x3FB2];
	_ =	sdelay $0x3  }
0x33: {  	p0 =	seq.s32 s10, $0x1;
	s10 =	sld [smem:$0x3FB4];
	_ =	sdelay $0x3  }
0x34: {  	[smem:$0x3FB4] =	sst s10  }
0x35: {  	s10 =	sld [smem:$0x3FB3];
	_ =	sdelay $0x3  }
0x36: {  	p1 =	seq.s32 s10, $0x1;
	s10 =	sld [smem:$0x3FB4];
	_ =	sdelay $0x3  }
0x37: {  	[smem:$0x3FB4] =	sst s10  }
0x38: {  	s10 =	sld [smem:$0x3FB5]  }
0x39: {  	_ = 	snop;
	(pc) =	sbr.ind lr, $3  }
0x3a: {  	_ = 	snop  }
0x3b: {  	_ = 	snop  }
0x3c: {  	p2 =	seq.s32 s10, $0x1;
	s10 =	sld [smem:$0x3FB4]  }
0x3d: {  	_ =	shalt  }
0x3e: {  	_ =	shalt  }
0x3f: {  	_ =	shalt  }
0x40: {  	_ =	shalt  }
0x41: {  	_ =	shalt  }
0x42: {  	_ =	shalt  }
0x43: {  	_ =	shalt  }
0x44: {  	_ =	shalt  }
0x45: {  	_ =	shalt  }
0x46: {  	_ =	shalt  }
0x47: {  	_ =	shalt  }
0x48: {  	_ =	shalt  }
0x49: {  	_ =	shalt  }
0x4a: {  	_ =	shalt  }
0x4b: {  	_ =	shalt  }
0x4c: {  	_ =	shalt  }
0x4d: {  	_ =	shalt  }
0x4e: {  	_ =	shalt  }
0x4f: {  	_ =	shalt  }
0x50: {  	_ =	shalt  }
0x51: {  	_ =	shalt  }
0x52: {  	_ =	shalt  }
0x53: {  	_ =	shalt  }
0x54: {  	_ =	shalt  }
0x55: {  	_ =	shalt  }
0x56: {  	_ =	shalt  }
0x57: {  	_ =	shalt  }
0x58: {  	_ =	shalt  }
0x59: {  	_ =	shalt  }
0x5a: {  	_ =	shalt  }
0x5b: {  	_ =	shalt  }
0x5c: {  	_ =	shalt  }
0x5d: {  	_ =	shalt  }
0x5e: {  	_ =	shalt  }
0x5f: {  	_ =	shalt  }
0x60: {  	_ =	shalt  }
0x61: {  	_ =	shalt  }
0x62: {  	_ =	shalt  }
0x63: {  	_ =	shalt  }
0x64: {  	_ =	shalt  }
0x65: {  	_ =	shalt  }
0x66: {  	_ =	shalt  }
0x67: {  	_ =	shalt  }
0x68: {  	_ =	shalt  }
0x69: {  	_ =	shalt  }
0x6a: {  	_ =	shalt  }
0x6b: {  	_ =	shalt  }
0x6c: {  	_ =	shalt  }
0x6d: {  	_ =	shalt  }
0x6e: {  	_ =	shalt  }
0x6f: {  	_ =	shalt  }
0x70: {  	_ =	shalt  }
0x71: {  	_ =	shalt  }
0x72: {  	_ =	shalt  }
0x73: {  	_ =	shalt  }
0x74: {  	_ =	shalt  }
0x75: {  	_ =	shalt  }
0x76: {  	_ =	shalt  }
0x77: {  	_ =	shalt  }
0x78: {  	_ =	shalt  }
0x79: {  	_ =	shalt  }
0x7a: {  	_ =	shalt  }
0x7b: {  	_ =	shalt  }
0x7c: {  	_ =	shalt  }
0x7d: {  	_ =	shalt  }
0x7e: {  	_ =	shalt  }
0x7f: {  	_ =	shalt  }
0x80: {  	_ =	shalt  }
0x81: {  	_ =	shalt  }
0x82: {  	_ =	shalt  }
0x83: {  	_ =	shalt  }
0x84: {  	_ =	shalt  }
0x85: {  	_ =	shalt  }
0x86: {  	_ =	shalt  }
0x87: {  	_ =	shalt  }
.Lfunc_end0:
.L_simem_size_0:
called_computation.3_lowered:
.L_overlay_start_0:
0x88: {  	s2 =	sld [smem:$0x3FD9]  }
0x89: {  	s3 =	sld [smem:$0x3FFE];
	_ =	sdelay $0x1  }
0x8a: {  	s1 =	srdreg.scid  }
0x8b: {  	s0 =	sand.u32 $0x1, s1  }
0x8c: {  	s17 =	sshll.u32 s0, $0xA;
	s2 =	sadd.s32 s3, s2  }
0x8d: {  	s2 =	sadd.s32 s2, s17  }
0x8e: {  	[smem:$0x3FC0] =	sst s2  }
0x8f: {  	_ = 	snop  }
0x90: {  	s2 =	sld [smem:$0x3FD0];
	(tm) =	ssettm $0x1  }
0x91: {  	s18 =	sld [smem:$0x3FFB];
	_ =	sdelay $0x3  }
0x92: {  	_ =	strace s18  }
0x93: {  	s3 =	sld [smem:$0x3FFC];
	_ =	sdelay $0x3  }
0x94: {  	_ =	strace s3  }
0x95: {  	s3 =	sld [smem:$0x3FFD];
	_ =	sdelay $0x3  }
0x96: {  	_ =	strace s3  }
0x97: {  	_ =	strace $0x8FFFFFFF  }
0x98: {  	s19 =	sld [smem:$0x3FDB];
	_ =	sdelay $0x1  }
0x99: {  	s4 =	simm.s32 $_scs_section_size  }
0x9a: {  	s5 =	simm.s32 $_size__tile_overlayer_lowered;
	s6 =	simm.s32 $_tile_overlayer_lowered  }
0x9b: {  	s22 =	simm.s32 $0x1BFF;
	s21 =	sshll.u32 s6, $0x1;
	s3 =	sadd.s32 s4, s19  }
0x9c: {  	s7 =	simm.s32 $0x0;
	s20 =	sshll.u32 s5, $0x1;
	s5 =	sadd.s32 s21, s3  }
0x9d: {  	[timem:s7], [sflag:s22] =	dma.local [hbm:s5], s20  }
0x9e: {  	_ =	swait.ge [sflag:s22], s20  }
0x9f: {  	s4 =	ssub.s32 $0x0, s20;
	[sflag:s22] =	ssyncset.done $0x0  }
0xa0: {  	[sflag:s22] =	ssyncadd.s32 s4;
	_ =	sdelay $0x1  }
0xa1: {  	s23 =	simm.s32 $0x1B8B  }
0xa2: {  	_ =	swait.ge [sflag:s23], $0x1  }
0xa3: {  	[sflag:s23] =	ssyncset.done $0x0  }
0xa4: {  	s25 =	simm.s32 $0x1B8E;
	s24 =	sld [smem:$0x3FFE];
	[sflag:s23] =	ssyncadd.s32 $0xFFFFFFFF  }
0xa5: {  	s26 =	simm.s32 $execute0_lowered;
	[smem:$0x3FD2] =	sst s25  }
0xa6: {  	s5 =	sshll.u32 s26, $0x1;
	_ =	strace $0x8000004F;
	[dreg:$0x1] =	wrdreg $0xFFFFFFFF  }
0xa7: {  	s28 =	simm.s32 $_size_execute0_lowered;
	s3 =	sadd.s32 s3, s5;
	[dreg:$0x0] =	wrdreg $0x0  }
0xa8: {  	s5 =	sshll.u32 s28, $0x1;
	[dreg:$0x2] =	wrdreg s3  }
0xa9: {  	[dreg:$0x3] =	wrdreg s5  }
0xaa: {  	[dreg:$0x4] =	wrdreg $0xC0  }
0xab: {  	_ =	task [dreg:s7], $0x5FFFF  }
0xac: {  	[dreg:$0x1] =	wrdreg $0xFFFFFFFF  }
0xad: {  	[dreg:$0x0] =	wrdreg $0x60  }
0xae: {  	[dreg:$0x2] =	wrdreg s2  }
0xaf: {  	[dreg:$0x3] =	wrdreg s24  }
0xb0: {  	[dreg:$0x4] =	wrdreg $0x0  }
0xb1: {  	[dreg:$0x5] =	wrdreg $0x9  }
0xb2: {  	_ =	task.clear_ibuf [dreg:s7], $0x6FFFF;
	_ =	strace $0x9000004F  }
0xb3: {  	s29 =	simm.s32 $0x9;
	_ =	strace $0x80000051  }
0xb4: {  	_ =	swait.ge [sflag:s29], $0x1  }
0xb5: {  	[sflag:s29] =	ssyncadd.s32 $0xFFFFFFFF  }
0xb6: {  	_ =	strace $0x90000051  }
0xb7: {  	_ =	sfence  }
0xb8: {  	s30 =	sld [smem:$0x0];
	_ =	sdelay $0x2  }
0xb9: {  	s31 =	sshll.u32 s1, $0xD;
	s1 =	sshrl.u32 s1, $0x2  }
0xba: {  	s3 =	sand.u32 $0x4000, s31;
	s1 =	sadd.s32 s1, s30  }
0xbb: {  	s0 =	sor.u32 s3, s0;
	s1 =	sshll.u32 s1, $0x11  }
0xbc: {  	s0 =	sor.u32 s1, s0  }
0xbd: {  	s0 =	sadd.s32 $0x8F2B, s0  }
0xbe: {  	[sflag:s0] =	ssyncadd.remote.s32 $0x1  }
0xbf: {  	_ =	sfence.sel $0xFFFF  }
0xc0: {  	[dreg:$0x0] =	wrdreg $0xFFFFFFFF;
	(pc) =	sbr.abs _section_cstart, $3  }
0xc1: {  	[dreg:$0x1] =	wrdreg $0xFFFFFFFF  }
0xc2: {  	_ =	task.clear_ibuf [dreg:s7], $0x2FFFF;
	_ =	strace $0x9FFFFFFF  }
0xc3: {  	(tm) =	ssettm $0x7FFFFFFF  }
tec
execute0_lowered:
.L_overlay_start_1:
0x0: {  	(tag) =	ssettag $0x1  }
0x1: {  	s1 =	rddreg [dreg:$0x0]  }
0x2: {  	s0 =	rddreg [dreg:$0x1]  }
0x3: {  	s3 =	rddreg [dreg:$0x2];
	s4 =	simm.s32 $0x0  }
0x4: {  	s15 =	stileid.u32;
	s2 =	srdreg.scid;
	s16 =	simm.s32 $0x14100  }
0x5: {  	s17 =	simm.s32 $0x14080;
	s18 =	simm.s32 $0x14180;
	s20 =	simm.s32 $0x7  }
0x6: {  	s21 =	simm.s32 $0x1;
	s28 =	simm.s32 $0x5;
	s29 =	simm.s32 $0x3  }
0x7: {  	s30 =	simm.s32 $0x6;
	s31 =	simm.s32 $0x4;
	[smem:$0x7FF] =	sst s4  }
0x8: {  	s8 =	smul.u32 $0x2800, s15;
	s2 =	sand.u32 $0x1, s2;
	s5 =	sadd.s32 $0x9AC00, s0  }
0x9: {  	s6 =	sadd.s32 $0x2C00, s0;
	s10 =	sshll.u32 s15, $0xF;
	s11 =	smul.u32 $0x50000, s15  }
0xa: {  	s26 =	sshll.u32 s15, $0x6;
	s15 =	simm.s32 $0x14000;
	_ =	strace $0x80000050  }
0xb: {  	s7 =	smul.u32 $0x28000, s2;
	s9 =	sshll.u32 s2, $0x13;
	s2 =	ssub.s32 $0x2, s2  }
0xc: {  	s12 =	sadd.s32 s8, s0;
	s22 =	sshrl.u32 s2, $0x1;
	s14 =	sshrl.u32 s11, $0x2  }
0xd: {  	s0 =	sadd.s32 s7, s0;
	s7 =	sor.u32 s10, s9;
	s2 =	ssub.s32 s2, s22  }
0xe: {  	s19 =	sadd.s32 s14, s3;
	s12 =	sadd.s32 $0x22C00, s12;
	s10 =	sshrl.u32 s7, $0x3  }
0xf: {  	s22 =	simm.s32 $0x28;
	s0 =	sadd.s32 $0x4AC00, s0;
	s23 =	sadd.s32 s5, s10  }
0x10: {  	s14 =	smax.u32 s2, $0x1;
	s24 =	sadd.s32 s6, s10;
	[dreg:$0x4] =	wrdreg s23  }
0x11: {  	s19 =	sshrl.u32 s19, $0x3;
	s13 =	sor.u32 $0x10, s10;
	[dreg:$0x5] =	wrdreg s24  }
0x12: {  	s25 =	sadd.s32 s5, s13;
	s11 =	sadd.s32 s6, s13;
	s13 =	sor.u32 $0x1C07, s26  }
0x13: {  	s23 =	simm.s32 $0x14200;
	s24 =	sadd.s32 s8, s0;
	s26 =	simm.s32 $0x15600  }
0x14: {  	s0 =	simm.s32 $0x0;
	[dreg:$0x6] =	wrdreg s25;
	s25 =	simm.s32 $0x2  }
.LBB2_1:
0x15: {  	s2 =	rddreg [dreg:$0x4]  }
0x16: {  	[tilespmem:s15], [sflag:$0x1] =	stream.linear.gather [hbm4b:s2+s4], $0x80, $0x38;
	[tilespmem:$0x16A00] =	vst v63  }
0x17: {  	s10 =	rddreg [dreg:$0x5]  }
0x18: {  	[tilespmem:s16], [sflag:$0x3] =	stream.linear.gather [hbm4b:s10+s4], $0x80, $0x38;
	[tilespmem:$0x16A00] =	vst v63  }
0x19: {  	s8 =	rddreg [dreg:$0x6]  }
0x1a: {  	[tilespmem:s17], [sflag:$0x2] =	stream.linear.gather [hbm4b:s8+s4], $0x80, $0x38;
	[tilespmem:$0x16A00] =	vst v63  }
0x1b: {  	_ = 	snop  }
0x1c: {  	[tilespmem:s18], [sflag:$0x4] =	stream.linear.gather [hbm4b:s11+s4], $0x80, $0x38;
	[tilespmem:$0x16A00] =	vst v63  }
0x1d: {  	[spmem:s19], [sflag:s13] =	dma.local [hbm:s12], $0x2800  }
0x1e: {  	_ =	swait.ge [sflag:s20], $0x2800  }
0x1f: {  	[sflag:s20] =	ssyncset.done $0x0  }
0x20: {  	[sflag:s20] =	ssyncadd.s32 $0xFFFFD800  }
0x21: {  	[bflag:$0x0] =	sbarrier.arrive $0xFFFF  }
0x22: {  	_ =	swait.ge [sflag:s21], $0x80  }
0x23: {  	[sflag:s21] =	ssyncset.done $0x0  }
0x24: {  	[sflag:s21] =	ssyncadd.s32 $0xFFFFFF80  }
0x25: {  	[tilespmem:s23], [sflag:$0x5] =	stream.indirect.gather [hbm4b:s1+s22], $0x80, s15, s22, $0xb8;
	[tilespmem:$0x16A00] =	vst v63  }
0x26: {  	s9 =	simm.s32 $0x100;
	_ =	swait.ge [sflag:s25], $0x80  }
0x27: {  	s8 =	sand.u32 $0xFC00, s9;
	[sflag:s25] =	ssyncset.done $0x0  }
0x28: {  	s2 =	sand.u32 $0x300, s9;
	s8 =	sadd.s32 s7, s8;
	[sflag:s25] =	ssyncadd.s32 $0xFFFFFF80  }
0x29: {  	[tilespmem:s26], [sflag:$0x6] =	stream.indirect.gather [hbm4b:s1+s22], $0x80, s17, s22, $0xb8;
	[tilespmem:$0x16A00] =	vst v63  }
0x2a: {  	s2 =	sor.u32 s2, s8;
	_ =	swait.ge [sflag:s28], $0x1400  }
0x2b: {  	s2 =	sshrl.u32 s2, $0x3;
	[sflag:s28] =	ssyncset.done $0x0  }
0x2c: {  	s10 =	sadd.s32 s5, s2;
	[sflag:s28] =	ssyncadd.s32 $0xFFFFEC00  }
0x2d: {  	[tilespmem:s15], [sflag:$0x1] =	stream.linear.gather [hbm4b:s10+s4], $0x80, $0x38;
	[tilespmem:$0x16A00] =	vst v63  }
0x2e: {  	_ =	swait.ge [sflag:s29], $0x80  }
0x2f: {  	[sflag:s29] =	ssyncset.done $0x0  }
0x30: {  	[sflag:s29] =	ssyncadd.s32 $0xFFFFFF80  }
0x31: {  	[spmem:s3] =	stream.indirect.scatter.add.f32 [tilespmem:s23], [sflag:$0x7], $0x80, s16, s22, $0xb8;
	[tilespmem:$0x16A00] =	vst v63  }
0x32: {  	_ =	swait.ge [sflag:s20], $0x1400  }
0x33: {  	[sflag:s20] =	ssyncset.done $0x0  }
0x34: {  	s2 =	sadd.s32 s6, s2;
	[sflag:s20] =	ssyncadd.s32 $0xFFFFEC00  }
0x35: {  	[tilespmem:s16], [sflag:$0x3] =	stream.linear.gather [hbm4b:s2+s4], $0x80, $0x38;
	[tilespmem:$0x16A00] =	vst v63  }
0x36: {  	s9 =	simm.s32 $0x180;
	_ =	swait.ge [sflag:s21], $0x80  }
0x37: {  	s10 =	sand.u32 $0xFC00, s9;
	[sflag:s21] =	ssyncset.done $0x0  }
0x38: {  	s8 =	sadd.s32 s7, s10;
	s2 =	sand.u32 $0x380, s9;
	[sflag:s21] =	ssyncadd.s32 $0xFFFFFF80  }
0x39: {  	[tilespmem:s23], [sflag:$0x5] =	stream.indirect.gather [hbm4b:s1+s22], $0x80, s15, s22, $0xb8;
	[tilespmem:$0x16A00] =	vst v63  }
0x3a: {  	s2 =	sor.u32 s2, s8;
	_ =	swait.ge [sflag:s30], $0x1400  }
0x3b: {  	s8 =	sshrl.u32 s2, $0x3;
	[sflag:s30] =	ssyncset.done $0x0  }
0x3c: {  	s2 =	sadd.s32 s5, s8;
	[sflag:s30] =	ssyncadd.s32 $0xFFFFEC00  }
0x3d: {  	[tilespmem:s17], [sflag:$0x2] =	stream.linear.gather [hbm4b:s2+s4], $0x80, $0x38;
	[tilespmem:$0x16A00] =	vst v63  }
0x3e: {  	_ =	swait.ge [sflag:s31], $0x80  }
0x3f: {  	[sflag:s31] =	ssyncset.done $0x0  }
0x40: {  	[sflag:s31] =	ssyncadd.s32 $0xFFFFFF80  }
0x41: {  	[spmem:s3] =	stream.indirect.scatter.add.f32 [tilespmem:s26], [sflag:$0x7], $0x80, s18, s22, $0xb8;
	[tilespmem:$0x16A00] =	vst v63  }
0x42: {  	_ =	swait.ge [sflag:s20], $0x1400  }
0x43: {  	s8 =	sadd.s32 s6, s8;
	s2 =	simm.s32 $0x280;
	[sflag:s20] =	ssyncset.done $0x0  }
.LBB2_2:
0x44: {  	p0 =	sne.s32 s2, $0x7C80  }
0x45: {  	[sflag:s20] =	ssyncadd.s32 $0xFFFFEC00;
	s9 =	smov.u32 s2;
	s2 =	sadd.s32 $0x100, s2  }
0x46: {  	[tilespmem:s18], [sflag:$0x4] =	stream.linear.gather [hbm4b:s8+s4], $0x80, $0x38;
	[tilespmem:$0x16A00] =	vst v63  }
0x47: {  	s8 =	sadd.s32 $0xFFFFFF80, s9;
	_ =	swait.ge [sflag:s25], $0x80  }
0x48: {  	s10 =	sand.u32 $0xFC00, s8;
	s8 =	sand.u32 $0x300, s8;
	[sflag:s25] =	ssyncset.done $0x0  }
0x49: {  	s10 =	sadd.s32 s7, s10;
	[sflag:s25] =	ssyncadd.s32 $0xFFFFFF80  }
0x4a: {  	[tilespmem:s26], [sflag:$0x6] =	stream.indirect.gather [hbm4b:s1+s22], $0x80, s17, s22, $0xb8;
	[tilespmem:$0x16A00] =	vst v63  }
0x4b: {  	s8 =	sor.u32 s8, s10;
	_ =	swait.ge [sflag:s28], $0x1400  }
0x4c: {  	s8 =	sshrl.u32 s8, $0x3;
	[sflag:s28] =	ssyncset.done $0x0  }
0x4d: {  	s10 =	sadd.s32 s5, s8;
	[sflag:s28] =	ssyncadd.s32 $0xFFFFEC00  }
0x4e: {  	[tilespmem:s15], [sflag:$0x1] =	stream.linear.gather [hbm4b:s10+s4], $0x80, $0x38;
	[tilespmem:$0x16A00] =	vst v63  }
0x4f: {  	_ =	swait.ge [sflag:s29], $0x80  }
0x50: {  	[sflag:s29] =	ssyncset.done $0x0  }
0x51: {  	[sflag:s29] =	ssyncadd.s32 $0xFFFFFF80  }
0x52: {  	[spmem:s3] =	stream.indirect.scatter.add.f32 [tilespmem:s23], [sflag:$0x7], $0x80, s16, s22, $0xb8;
	[tilespmem:$0x16A00] =	vst v63  }
0x53: {  	_ =	swait.ge [sflag:s20], $0x1400  }
0x54: {  	s8 =	sadd.s32 s6, s8;
	[sflag:s20] =	ssyncset.done $0x0  }
0x55: {  	[sflag:s20] =	ssyncadd.s32 $0xFFFFEC00  }
0x56: {  	[tilespmem:s16], [sflag:$0x3] =	stream.linear.gather [hbm4b:s8+s4], $0x80, $0x38;
	[tilespmem:$0x16A00] =	vst v63  }
0x57: {  	_ =	swait.ge [sflag:s21], $0x80  }
0x58: {  	s8 =	sand.u32 $0xFC00, s9;
	[sflag:s21] =	ssyncset.done $0x0  }
0x59: {  	s9 =	sand.u32 $0x380, s9;
	s8 =	sadd.s32 s7, s8;
	[sflag:s21] =	ssyncadd.s32 $0xFFFFFF80  }
0x5a: {  	[tilespmem:s23], [sflag:$0x5] =	stream.indirect.gather [hbm4b:s1+s22], $0x80, s15, s22, $0xb8;
	[tilespmem:$0x16A00] =	vst v63  }
0x5b: {  	s8 =	sor.u32 s9, s8;
	_ =	swait.ge [sflag:s30], $0x1400  }
0x5c: {  	s8 =	sshrl.u32 s8, $0x3;
	[sflag:s30] =	ssyncset.done $0x0  }
0x5d: {  	s9 =	sadd.s32 s5, s8;
	[sflag:s30] =	ssyncadd.s32 $0xFFFFEC00  }
0x5e: {  	[tilespmem:s17], [sflag:$0x2] =	stream.linear.gather [hbm4b:s9+s4], $0x80, $0x38;
	[tilespmem:$0x16A00] =	vst v63  }
0x5f: {  	_ =	swait.ge [sflag:s31], $0x80  }
.Ltmp0:
0x60: {  	[sflag:s31] =	ssyncset.done $0x0;
	(pc) =	sbr.rel @p0 .LBB2_2-.Ltmp0, $4  }
0x61: {  	[sflag:s31] =	ssyncadd.s32 $0xFFFFFF80  }
0x62: {  	[spmem:s3] =	stream.indirect.scatter.add.f32 [tilespmem:s26], [sflag:$0x7], $0x80, s18, s22, $0xb8;
	[tilespmem:$0x16A00] =	vst v63  }
0x63: {  	_ =	swait.ge [sflag:s20], $0x1400  }
0x64: {  	s8 =	sadd.s32 s6, s8;
	[sflag:s20] =	ssyncset.done $0x0  }
0x65: {  	[sflag:s20] =	ssyncadd.s32 $0xFFFFEC00  }
0x66: {  	[tilespmem:s18], [sflag:$0x4] =	stream.linear.gather [hbm4b:s8+s4], $0x80, $0x38;
	[tilespmem:$0x16A00] =	vst v63  }
0x67: {  	_ =	swait.ge [sflag:s25], $0x80  }
0x68: {  	[sflag:s25] =	ssyncset.done $0x0  }
0x69: {  	[sflag:s25] =	ssyncadd.s32 $0xFFFFFF80  }
0x6a: {  	[tilespmem:s26], [sflag:$0x6] =	stream.indirect.gather [hbm4b:s1+s22], $0x80, s17, s22, $0xb8;
	[tilespmem:$0x16A00] =	vst v63  }
0x6b: {  	_ =	swait.ge [sflag:s28], $0x1400  }
0x6c: {  	[sflag:s28] =	ssyncset.done $0x0  }
0x6d: {  	[sflag:s28] =	ssyncadd.s32 $0xFFFFEC00  }
0x6e: {  	_ =	swait.ge [sflag:s29], $0x80  }
0x6f: {  	[sflag:s29] =	ssyncset.done $0x0  }
0x70: {  	[sflag:s29] =	ssyncadd.s32 $0xFFFFFF80  }
0x71: {  	[spmem:s3] =	stream.indirect.scatter.add.f32 [tilespmem:s23], [sflag:$0x7], $0x80, s16, s22, $0xb8;
	[tilespmem:$0x16A00] =	vst v63  }
0x72: {  	_ =	swait.ge [sflag:s20], $0x1400  }
0x73: {  	[sflag:s20] =	ssyncset.done $0x0  }
0x74: {  	[sflag:s20] =	ssyncadd.s32 $0xFFFFEC00  }
0x75: {  	_ =	swait.ge [sflag:s30], $0x1400  }
0x76: {  	[sflag:s30] =	ssyncset.done $0x0  }
0x77: {  	[sflag:s30] =	ssyncadd.s32 $0xFFFFEC00  }
0x78: {  	_ =	swait.ge [sflag:s31], $0x80  }
0x79: {  	[sflag:s31] =	ssyncset.done $0x0  }
0x7a: {  	[sflag:s31] =	ssyncadd.s32 $0xFFFFFF80  }
0x7b: {  	[spmem:s3] =	stream.indirect.scatter.add.f32 [tilespmem:s26], [sflag:$0x7], $0x80, s18, s22, $0xb8;
	[tilespmem:$0x16A00] =	vst v63  }
0x7c: {  	_ =	swait.ge [sflag:s20], $0x1400  }
0x7d: {  	s0 =	sadd.s32 $0x1, s0;
	[sflag:s20] =	ssyncset.done $0x0  }
0x7e: {  	p0 =	sne.s32 s0, s14;
	[sflag:s20] =	ssyncadd.s32 $0xFFFFEC00  }
.Ltmp1:
0x7f: {  	[bflag:$0x0] =	sbarrier.arrive $0xFFFF;
	(pc) =	sbr.rel @p0 .LBB2_1-.Ltmp1, $4  }
0x80: {  	[hbm:s24], [sflag:s13] =	dma.local [spmem:s19], $0x2800  }
0x81: {  	_ =	swait.ge [sflag:s20], $0x2800  }
0x82: {  	[sflag:s20] =	ssyncset.done $0x0  }
0x83: {  	[sflag:s20] =	ssyncadd.s32 $0xFFFFD800  }
0x84: {  	_ =	sfence.sel $0x180000  }
0x85: {  	[bflag:$0x0] =	sbarrier.arrive $0xFFFF  }
0x86: {  	_ =	strace $0x90000050  }
0x87: {  	s0 =	stileid.u32;
	[bflag:$0x2] =	sbarrier.arrive $0xFFFF  }
0x88: {  	p0 =	sne.s32 s0, $0x0;
	s0 =	rddreg [dreg:$0x3]  }
0x89: {  	s0 =	sadd.s32 @!p0 $0x100000, s0  }
0x8a: {  	[sflag:s0] =	ssyncadd.tile.s32 @!p0 $0x1;
	_ =	shalt  }
.Lfunc_end2:
_tile_overlayer_lowered:
.L_overlay_start_2:
0x8b: {  	(tag) =	ssettag $0x2  }
0x8c: {  	s0 =	rddreg [dreg:$0x0];
	s2 =	stileid.u32  }
0x8d: {  	s1 =	rddreg [dreg:$0x1];
	p0 =	sne.s32 s2, $0x0  }
0x8e: {  	s3 =	rddreg [dreg:$0x2];
	[bflag:$0x3] =	sbarrier.arrive $0xFFFF;
	s2 =	simm.s32 @!p0 $0x1C07  }
0x8f: {  	[timem:s3], [sflag:s2] =	dma.local @!p0 [hbm:s0], s1  }
0x90: {  	s0 =	simm.s32 @!p0 $0x7  }
0x91: {  	_ =	swait.ge @!p0 [sflag:s0], s1  }
0x92: {  	s1 =	ssub.s32 @!p0 $0x0, s1;
	[sflag:s0] =	ssyncset.done @!p0 $0x0  }
0x93: {  	[sflag:s0] =	ssyncadd.s32 @!p0 s1  }
0x94: {  	[bflag:$0x3] =	sbarrier.arrive $0xFFFF  }
0x95: {  	_ =	shalt  }

</sc_bundles>
